<compile_context>
chip_gen: v7x
topology: tpu7x:2x2x1
jax: 0.10.2.dev20260603
libtpu: 0.0.44.dev20260713+nightly
codegen_flags: <defaults>
</compile_context>

<pallas_src>
import functools

import jax
import jax.numpy as jnp
from jax import lax
from jax.experimental import pallas as pl
from jax.experimental.pallas import tpu as pltpu
from jax.experimental.pallas import tpu_sc as plsc

N = 4096
D = 768
E = 16
FF = 1024
K = 2

T = 512
NT = (N * K) // T + E
P = NT * T
RB = 512
NB = N // RB

NW = 32
TPW = N // NW
GC = 32


def _router_body(x_ref, wr_ref, br_ref, route_ref, slots_ref, te_ref,
                 carry, rbuf):
    i = pl.program_id(0)

    @pl.when(i == 0)
    def _init():
        carry[...] = jnp.zeros((1, E), jnp.float32)

    x = x_ref[...]
    logits = jnp.dot(x, wr_ref[...], preferred_element_type=jnp.float32)
    logits = logits + br_ref[...]
    lane = lax.broadcasted_iota(jnp.int32, (RB, E), 1)
    m1 = jnp.max(logits, axis=1, keepdims=True)
    idx1 = jnp.min(jnp.where(logits == m1, lane, E), axis=1, keepdims=True)
    l2 = jnp.where(lane == idx1, -jnp.inf, logits)
    m2 = jnp.max(l2, axis=1, keepdims=True)
    idx2 = jnp.min(jnp.where(l2 == m2, lane, E), axis=1, keepdims=True)
    b = jnp.exp(m2 - m1)
    w0 = 1.0 / (1.0 + b)
    w1 = b / (1.0 + b)

    oh0 = (lane == idx1).astype(jnp.float32)
    oh1 = (lane == idx2).astype(jnp.float32)
    ri = lax.broadcasted_iota(jnp.int32, (RB, RB), 0)
    ci = lax.broadcasted_iota(jnp.int32, (RB, RB), 1)
    ts = (ci < ri).astype(jnp.float32)
    c0 = carry[...]
    p0 = jnp.dot(ts, oh0, preferred_element_type=jnp.float32) + c0
    rank0 = jnp.sum(p0 * oh0, axis=1, keepdims=True)
    c1 = c0 + jnp.sum(oh0, axis=0, keepdims=True)
    p1 = jnp.dot(ts, oh1, preferred_element_type=jnp.float32) + c1
    rank1 = jnp.sum(p1 * oh1, axis=1, keepdims=True)
    c2 = c1 + jnp.sum(oh1, axis=0, keepdims=True)
    carry[...] = c2

    col = lax.broadcasted_iota(jnp.int32, (RB, 8), 1)
    route = jnp.where(col == 0, idx1.astype(jnp.float32), 0.0)
    route = route + jnp.where(col == 1, idx2.astype(jnp.float32), 0.0)
    route = route + jnp.where(col == 2, w0, 0.0)
    route = route + jnp.where(col == 3, w1, 0.0)
    route = route + jnp.where(col == 4, rank0, 0.0)
    route = route + jnp.where(col == 5, rank1, 0.0)
    route_ref[...] = route
    rbuf[pl.ds(i * RB, RB), :] = route

    @pl.when(i == NB - 1)
    def _finish():
        padded = jnp.floor((c2 + (T - 1)) * (1.0 / T)) * T
        ue = lax.broadcasted_iota(jnp.int32, (E, E), 0)
        uc = lax.broadcasted_iota(jnp.int32, (E, E), 1)
        ustrict = (ue < uc).astype(jnp.float32)
        base = jnp.dot(padded, ustrict,
                       preferred_element_type=jnp.float32)

        ti = lax.broadcasted_iota(jnp.int32, (1, 128), 1).astype(jnp.float32) * T
        acc = jnp.zeros((1, 128), jnp.float32)
        for e in range(E):
            acc = acc + (ti >= base[0:1, e:e + 1]).astype(jnp.float32)
        pend = base[0:1, E - 1:E] + padded[0:1, E - 1:E]
        act = (ti < pend).astype(jnp.float32)
        rowi = lax.broadcasted_iota(jnp.int32, (2, 128), 0)
        te_ref[...] = jnp.where(rowi == 0, acc - 1.0, act)

        colf = lax.broadcasted_iota(jnp.int32, (RB, 8), 1)
        col2 = lax.broadcasted_iota(jnp.int32, (RB, K), 1)
        lanef = lax.broadcasted_iota(jnp.int32, (RB, E), 1).astype(jnp.float32)
        for j in range(NB):
            r = rbuf[pl.ds(j * RB, RB), :]
            key0 = jnp.sum(jnp.where(colf == 0, r, 0.0), axis=1, keepdims=True)
            key1 = jnp.sum(jnp.where(colf == 1, r, 0.0), axis=1, keepdims=True)
            rk0 = jnp.sum(jnp.where(colf == 4, r, 0.0), axis=1, keepdims=True)
            rk1 = jnp.sum(jnp.where(colf == 5, r, 0.0), axis=1, keepdims=True)
            acc0 = jnp.sum(jnp.where(lanef == key0, base, 0.0),
                           axis=1, keepdims=True)
            acc1 = jnp.sum(jnp.where(lanef == key1, base, 0.0),
                           axis=1, keepdims=True)
            slots_ref[pl.ds(j * RB, RB), :] = jnp.where(
                col2 == 0, acc0 + rk0, acc1 + rk1)


def _router(x, Wr, br):
    return pl.pallas_call(
        _router_body,
        grid=(NB,),
        in_specs=[
            pl.BlockSpec((RB, D), lambda i: (i, 0)),
            pl.BlockSpec((D, E), lambda i: (0, 0)),
            pl.BlockSpec((1, E), lambda i: (0, 0)),
        ],
        out_specs=[
            pl.BlockSpec((RB, 8), lambda i: (i, 0)),
            pl.BlockSpec((N, K), lambda i: (0, 0)),
            pl.BlockSpec((2, 128), lambda i: (0, 0)),
        ],
        out_shape=[
            jax.ShapeDtypeStruct((N, 8), jnp.float32),
            jax.ShapeDtypeStruct((N, K), jnp.float32),
            jax.ShapeDtypeStruct((2, 128), jnp.float32),
        ],
        scratch_shapes=[pltpu.VMEM((1, E), jnp.float32),
                        pltpu.VMEM((N, 8), jnp.float32)],
    )(x, Wr, br.reshape(1, E))


XC = TPW // 2


def _sc_scatter_x_body(slot0_hbm, slot1_hbm, x_hbm, xg_hbm,
                       xv, slots_v, semx, sem0, sem1):
    wid = lax.axis_index("s") * 2 + lax.axis_index("c")
    t0 = wid * TPW
    cpx0 = pltpu.async_copy(x_hbm.at[pl.ds(t0, XC)], xv.at[0], semx)
    pltpu.sync_copy(slot0_hbm.at[pl.ds(t0, XC)], slots_v.at[0])
    pltpu.sync_copy(slot1_hbm.at[pl.ds(t0, XC)], slots_v.at[1])
    pltpu.sync_copy(slot0_hbm.at[pl.ds(t0 + XC, XC)], slots_v.at[2])
    pltpu.sync_copy(slot1_hbm.at[pl.ds(t0 + XC, XC)], slots_v.at[3])
    cpx1 = pltpu.async_copy(x_hbm.at[pl.ds(t0 + XC, XC)], xv.at[1], semx)
    cpx0.wait()
    cp00 = pltpu.async_copy(xv.at[0], xg_hbm.at[slots_v.at[0]], sem0)
    cp10 = pltpu.async_copy(xv.at[0], xg_hbm.at[slots_v.at[1]], sem1)
    cpx1.wait()
    cp01 = pltpu.async_copy(xv.at[1], xg_hbm.at[slots_v.at[2]], sem0)
    cp11 = pltpu.async_copy(xv.at[1], xg_hbm.at[slots_v.at[3]], sem1)
    cp00.wait()
    cp10.wait()
    cp01.wait()
    cp11.wait()


NCHK = TPW // GC


def _sc_gather_y_body(slot0_hbm, slot1_hbm, yg_hbm, y0_hbm, y1_hbm,
                      slots_v, y0v, y1v, sem00, sem01, sem10, sem11):
    wid = lax.axis_index("s") * 2 + lax.axis_index("c")
    t0 = wid * TPW
    pltpu.sync_copy(slot0_hbm.at[pl.ds(t0, TPW)], slots_v.at[0])
    pltpu.sync_copy(slot1_hbm.at[pl.ds(t0, TPW)], slots_v.at[1])
    sems0 = [sem00, sem01]
    sems1 = [sem10, sem11]

    def fire(c, b):
        cp0 = pltpu.async_copy(
            yg_hbm.at[slots_v.at[0, pl.ds(c * GC, GC)]], y0v.at[b], sems0[b])
        cp1 = pltpu.async_copy(
            yg_hbm.at[slots_v.at[1, pl.ds(c * GC, GC)]], y1v.at[b], sems1[b])
        return cp0, cp1

    pend = {}
    pend[0] = fire(0, 0)
    if NCHK > 1:
        pend[1] = fire(1, 1)
    for c in range(NCHK):
        b = c % 2
        cp0, cp1 = pend.pop(c)
        cp0.wait()
        cp1.wait()
        pltpu.sync_copy(y0v.at[b], y0_hbm.at[pl.ds(t0 + c * GC, GC)])
        pltpu.sync_copy(y1v.at[b], y1_hbm.at[pl.ds(t0 + c * GC, GC)])
        if c + 2 < NCHK:
            pend[c + 2] = fire(c + 2, b)


@functools.lru_cache(maxsize=None)
def _sc_kernels():
    mesh = plsc.VectorSubcoreMesh(core_axis_name="c", subcore_axis_name="s")
    scatter_x = functools.partial(
        pl.kernel, mesh=mesh,
        out_type=jax.ShapeDtypeStruct((P, D), jnp.float32),
        scratch_types=[
            pltpu.VMEM((2, XC, D), jnp.float32),
            pltpu.VMEM((2 * K, XC), jnp.int32),
            pltpu.SemaphoreType.DMA,
            pltpu.SemaphoreType.DMA,
            pltpu.SemaphoreType.DMA,
        ],
    )(_sc_scatter_x_body)
    gather_y = functools.partial(
        pl.kernel, mesh=mesh,
        out_type=[jax.ShapeDtypeStruct((N, D), jnp.float32),
                  jax.ShapeDtypeStruct((N, D), jnp.float32)],
        scratch_types=[
            pltpu.VMEM((K, TPW), jnp.int32),
            pltpu.VMEM((2, GC, D), jnp.float32),
            pltpu.VMEM((2, GC, D), jnp.float32),
            pltpu.SemaphoreType.DMA,
            pltpu.SemaphoreType.DMA,
            pltpu.SemaphoreType.DMA,
            pltpu.SemaphoreType.DMA,
        ],
    )(_sc_gather_y_body)
    return scatter_x, gather_y


def _ffn_body(te_ref, act_ref, xg_ref, w1_ref, b1_ref, w2_ref, b2_ref, yg_ref):
    i = pl.program_id(0)

    @pl.when(act_ref[i] == 1)
    def _compute():
        h = jnp.dot(xg_ref[...], w1_ref[0], preferred_element_type=jnp.float32)
        h = jnp.maximum(h + b1_ref[0], 0.0)
        y = jnp.dot(h, w2_ref[0], preferred_element_type=jnp.float32)
        yg_ref[...] = y + b2_ref[0]


def _grouped_ffn(te, act, xg, W1, b1, W2, b2):
    grid_spec = pltpu.PrefetchScalarGridSpec(
        num_scalar_prefetch=2,
        grid=(NT,),
        in_specs=[
            pl.BlockSpec((T, D), lambda i, te, act: (i, 0)),
            pl.BlockSpec((1, D, FF), lambda i, te, act: (te[i], 0, 0)),
            pl.BlockSpec((1, 1, FF), lambda i, te, act: (te[i], 0, 0)),
            pl.BlockSpec((1, FF, D), lambda i, te, act: (te[i], 0, 0)),
            pl.BlockSpec((1, 1, D), lambda i, te, act: (te[i], 0, 0)),
        ],
        out_specs=pl.BlockSpec((T, D), lambda i, te, act: (i, 0)),
    )
    return pl.pallas_call(
        _ffn_body,
        grid_spec=grid_spec,
        out_shape=jax.ShapeDtypeStruct((P, D), jnp.float32),
    )(te, act, xg, W1, b1.reshape(E, 1, FF), W2, b2.reshape(E, 1, D))


CB = 1024


def _combine_body(x_ref, r_ref, y0_ref, y1_ref, out_ref):
    col = lax.broadcasted_iota(jnp.int32, (CB, 8), 1)
    r = r_ref[...]
    w0 = jnp.sum(jnp.where(col == 2, r, 0.0), axis=1, keepdims=True)
    w1 = jnp.sum(jnp.where(col == 3, r, 0.0), axis=1, keepdims=True)
    out_ref[...] = x_ref[...] + w0 * y0_ref[...] + w1 * y1_ref[...]


def _combine(x, route, y0, y1):
    return pl.pallas_call(
        _combine_body,
        grid=(N // CB,),
        in_specs=[
            pl.BlockSpec((CB, D), lambda i: (i, 0)),
            pl.BlockSpec((CB, 8), lambda i: (i, 0)),
            pl.BlockSpec((CB, D), lambda i: (i, 0)),
            pl.BlockSpec((CB, D), lambda i: (i, 0)),
        ],
        out_specs=pl.BlockSpec((CB, D), lambda i: (i, 0)),
        out_shape=jax.ShapeDtypeStruct((N, D), jnp.float32),
    )(x, route, y0, y1)


def kernel(x, Wr, br, W1, b1, W2, b2):
    sc_scatter_x, sc_gather_y = _sc_kernels()
    route, slots, te_f = _router(x, Wr, br)
    te = te_f[0, :NT].astype(jnp.int32)
    act = te_f[1, :NT].astype(jnp.int32)
    st = slots.astype(jnp.int32).T
    slot0 = st[0]
    slot1 = st[1]
    xg = sc_scatter_x(slot0, slot1, x)
    yg = _grouped_ffn(te, act, xg, W1, b1, W2, b2)
    y0, y1 = sc_gather_y(slot0, slot1, yg)
    return _combine(x, route, y0, y1)

# --- scband reference (transcript-rebuilt; emitter-appended) ---
"""Pipeline reference for scband-mo-e-48919677501987 (READ-ONLY COPY).

The authoritative reference and input builder live on the scoring server;
editing this copy changes nothing except your own understanding.
"""

import jax, jax.numpy as jnp
import numpy as np

N = 4096
D = 768
E = 16
FF = 1024
K = 2


def setup_inputs(seed: int = 0) -> dict:
    key = jax.random.key(seed)
    ks = jax.random.split(key, 7)
    s1 = 1.0 / np.sqrt(D)
    s2 = 1.0 / np.sqrt(FF)
    x = jax.random.normal(ks[0], (N, D), dtype=jnp.float32)
    Wr = jax.random.uniform(ks[1], (D, E), dtype=jnp.float32, minval=-s1, maxval=s1)
    br = jax.random.uniform(ks[2], (E,), dtype=jnp.float32, minval=-s1, maxval=s1)
    W1 = jax.random.uniform(ks[3], (E, D, FF), dtype=jnp.float32, minval=-s1, maxval=s1)
    b1 = jax.random.uniform(ks[4], (E, FF), dtype=jnp.float32, minval=-s1, maxval=s1)
    W2 = jax.random.uniform(ks[5], (E, FF, D), dtype=jnp.float32, minval=-s2, maxval=s2)
    b2 = jax.random.uniform(ks[6], (E, D), dtype=jnp.float32, minval=-s2, maxval=s2)
    return {"x": x, "Wr": Wr, "br": br, "W1": W1, "b1": b1, "W2": W2, "b2": b2}


def reference(x, Wr, br, W1, b1, W2, b2):
    # router
    logits = x @ Wr + br
    top_k_weights, top_k_indices = jax.lax.top_k(logits, K)
    top_k_weights = jax.nn.softmax(top_k_weights, axis=1)
    # run ALL experts densely (faithful to the torch module); dropout is eval-mode identity
    h = jnp.einsum('nd,edf->nef', x, W1) + b1[None, :, :]
    h = jax.nn.relu(h)
    expert_outputs = jnp.einsum('nef,efd->ned', h, W2) + b2[None, :, :]  # [N, E, D]
    # scatter mask of selected experts; straight-through style detach on unselected
    mask = jnp.zeros_like(expert_outputs)
    rows = jnp.arange(N)[:, None]
    mask = mask.at[rows, top_k_indices].set(1.0)
    expert_outputs = expert_outputs * mask + jax.lax.stop_gradient(expert_outputs * (1.0 - mask))
    # gather selected experts and combine
    selected = jnp.take_along_axis(expert_outputs, top_k_indices[:, :, None], axis=1)  # [N, K, D]
    output = (selected * top_k_weights[:, :, None]).sum(axis=1)
    return output + x

if __name__ == "__main__":
    import jax
    _d = setup_inputs()
    print(jax.jit(kernel)(*tuple(_d.values())))

</pallas_src>

<mosaic_0001>
#map = affine_map<(d0, d1) -> (0)>
#map1 = affine_map<(d0, d1) -> (0, 0)>
module attributes {stable_mosaic.version = 14 : i64} {
  func.func @_sc_gather_y_body(%arg0: i32, %arg1: i32, %arg2: memref<4096xi32, #tpu.memory_space<hbm>>, %arg3: memref<4096xi32, #tpu.memory_space<hbm>>, %arg4: memref<16384x768xf32, #tpu.memory_space<hbm>>, %arg5: memref<4096x768xf32, #tpu.memory_space<hbm>>, %arg6: memref<4096x768xf32, #tpu.memory_space<hbm>>, %arg7: memref<2x128xi32, #tpu.memory_space<vmem>>, %arg8: memref<2x32x768xf32, #tpu.memory_space<vmem>>, %arg9: memref<2x32x768xf32, #tpu.memory_space<vmem>>, %arg10: memref<!tpu.dma_semaphore, #tpu.memory_space<semaphore_mem>>, %arg11: memref<!tpu.dma_semaphore, #tpu.memory_space<semaphore_mem>>, %arg12: memref<!tpu.dma_semaphore, #tpu.memory_space<semaphore_mem>>, %arg13: memref<!tpu.dma_semaphore, #tpu.memory_space<semaphore_mem>>) attributes {dimension_semantics = [#tpu.dimension_semantics<core_parallel>, #tpu.dimension_semantics<subcore_parallel>], iteration_bounds = array<i64: 2, 16>, scalar_prefetch = 0 : i64, scratch_operands = 7 : i64, tpu.core_type = #tpu.core_type<sc_vector_subcore>, window_params = [{transform_indices = #map}, {transform_indices = #map}, {transform_indices = #map1}, {transform_indices = #map1}, {transform_indices = #map1}]} {
    %mul3A = arith.constant 2 : i32
    %mul3A_0 = arith.muli %arg1, %mul3A : i32
    %add3A = arith.addi %mul3A_0, %arg0 : i32
    %mul3A_1 = arith.constant 128 : i32
    %mul3A_2 = arith.muli %add3A, %mul3A_1 : i32
    %run_scoped3A = arith.constant 0 : i32
    "tpu.region"() ({
      %run_scoped3A_218 = tpu.sem_alloc : memref<!tpu.dma_semaphore, #tpu.memory_space<semaphore_mem>>
      %dma_start3A_219 = arith.constant 0 : i32
      %dma_start3A_220 = tpu.memref_slice %arg7[%run_scoped3A, %dma_start3A_219] : memref<2x128xi32, #tpu.memory_space<vmem>> -> memref<1x128xi32, #tpu.memory_space<vmem>>
      %dma_start3A_221 = tpu.memref_squeeze %dma_start3A_220 : memref<1x128xi32, #tpu.memory_space<vmem>> -> memref<128xi32, #tpu.memory_space<vmem>>
      %dma_start3A_222 = tpu.memref_slice %arg2[%mul3A_2] : memref<4096xi32, #tpu.memory_space<hbm>> -> memref<128xi32, #tpu.memory_space<hbm>>
      %dma_start3A_223 = arith.constant 0 : i32
      %dma_start3A_224 = tpu.memref_slice %arg7[%run_scoped3A, %dma_start3A_223] : memref<2x128xi32, #tpu.memory_space<vmem>> -> memref<1x128xi32, #tpu.memory_space<vmem>>
      %dma_start3A_225 = tpu.memref_squeeze %dma_start3A_224 : memref<1x128xi32, #tpu.memory_space<vmem>> -> memref<128xi32, #tpu.memory_space<vmem>>
      %dma_start3A_226 = tpu.memref_slice %arg2[%mul3A_2] : memref<4096xi32, #tpu.memory_space<hbm>> -> memref<128xi32, #tpu.memory_space<hbm>>
      tpu.enqueue_dma source(%dma_start3A_226 : memref<128xi32, #tpu.memory_space<hbm>>) target(%dma_start3A_225 : memref<128xi32, #tpu.memory_space<vmem>>) target_semaphore(%run_scoped3A_218 : memref<!tpu.dma_semaphore, #tpu.memory_space<semaphore_mem>>)
      %dma_wait3A_227 = arith.constant 0 : i32
      %dma_wait3A_228 = tpu.memref_slice %arg7[%run_scoped3A, %dma_wait3A_227] : memref<2x128xi32, #tpu.memory_space<vmem>> -> memref<1x128xi32, #tpu.memory_space<vmem>>
      %dma_wait3A_229 = tpu.memref_squeeze %dma_wait3A_228 : memref<1x128xi32, #tpu.memory_space<vmem>> -> memref<128xi32, #tpu.memory_space<vmem>>
      %dma_wait3A_230 = tpu.memref_slice %arg2[%mul3A_2] : memref<4096xi32, #tpu.memory_space<hbm>> -> memref<128xi32, #tpu.memory_space<hbm>>
      %dma_wait3A_231 = arith.constant 0 : i32
      %dma_wait3A_232 = tpu.memref_slice %arg7[%run_scoped3A, %dma_wait3A_231] : memref<2x128xi32, #tpu.memory_space<vmem>> -> memref<1x128xi32, #tpu.memory_space<vmem>>
      %dma_wait3A_233 = tpu.memref_squeeze %dma_wait3A_232 : memref<1x128xi32, #tpu.memory_space<vmem>> -> memref<128xi32, #tpu.memory_space<vmem>>
      %dma_wait3A_234 = tpu.memref_slice %arg2[%mul3A_2] : memref<4096xi32, #tpu.memory_space<hbm>> -> memref<128xi32, #tpu.memory_space<hbm>>
      tpu.wait_dma2 semaphore(%run_scoped3A_218 : memref<!tpu.dma_semaphore, #tpu.memory_space<semaphore_mem>>) src(%dma_wait3A_234 : memref<128xi32, #tpu.memory_space<hbm>>) dst(%dma_wait3A_233 : memref<128xi32, #tpu.memory_space<vmem>>)
      tpu.yield
    }) : () -> ()
    %run_scoped3A_3 = arith.constant 1 : i32
    "tpu.region"() ({
      %run_scoped3A_218 = tpu.sem_alloc : memref<!tpu.dma_semaphore, #tpu.memory_space<semaphore_mem>>
      %dma_start3A_219 = arith.constant 0 : i32
      %dma_start3A_220 = tpu.memref_slice %arg7[%run_scoped3A_3, %dma_start3A_219] : memref<2x128xi32, #tpu.memory_space<vmem>> -> memref<1x128xi32, #tpu.memory_space<vmem>>
      %dma_start3A_221 = tpu.memref_squeeze %dma_start3A_220 : memref<1x128xi32, #tpu.memory_space<vmem>> -> memref<128xi32, #tpu.memory_space<vmem>>
      %dma_start3A_222 = tpu.memref_slice %arg3[%mul3A_2] : memref<4096xi32, #tpu.memory_space<hbm>> -> memref<128xi32, #tpu.memory_space<hbm>>
      %dma_start3A_223 = arith.constant 0 : i32
      %dma_start3A_224 = tpu.memref_slice %arg7[%run_scoped3A_3, %dma_start3A_223] : memref<2x128xi32, #tpu.memory_space<vmem>> -> memref<1x128xi32, #tpu.memory_space<vmem>>
      %dma_start3A_225 = tpu.memref_squeeze %dma_start3A_224 : memref<1x128xi32, #tpu.memory_space<vmem>> -> memref<128xi32, #tpu.memory_space<vmem>>
      %dma_start3A_226 = tpu.memref_slice %arg3[%mul3A_2] : memref<4096xi32, #tpu.memory_space<hbm>> -> memref<128xi32, #tpu.memory_space<hbm>>
      tpu.enqueue_dma source(%dma_start3A_226 : memref<128xi32, #tpu.memory_space<hbm>>) target(%dma_start3A_225 : memref<128xi32, #tpu.memory_space<vmem>>) target_semaphore(%run_scoped3A_218 : memref<!tpu.dma_semaphore, #tpu.memory_space<semaphore_mem>>)
      %dma_wait3A_227 = arith.constant 0 : i32
      %dma_wait3A_228 = tpu.memref_slice %arg7[%run_scoped3A_3, %dma_wait3A_227] : memref<2x128xi32, #tpu.memory_space<vmem>> -> memref<1x128xi32, #tpu.memory_space<vmem>>
      %dma_wait3A_229 = tpu.memref_squeeze %dma_wait3A_228 : memref<1x128xi32, #tpu.memory_space<vmem>> -> memref<128xi32, #tpu.memory_space<vmem>>
      %dma_wait3A_230 = tpu.memref_slice %arg3[%mul3A_2] : memref<4096xi32, #tpu.memory_space<hbm>> -> memref<128xi32, #tpu.memory_space<hbm>>
      %dma_wait3A_231 = arith.constant 0 : i32
      %dma_wait3A_232 = tpu.memref_slice %arg7[%run_scoped3A_3, %dma_wait3A_231] : memref<2x128xi32, #tpu.memory_space<vmem>> -> memref<1x128xi32, #tpu.memory_space<vmem>>
      %dma_wait3A_233 = tpu.memref_squeeze %dma_wait3A_232 : memref<1x128xi32, #tpu.memory_space<vmem>> -> memref<128xi32, #tpu.memory_space<vmem>>
      %dma_wait3A_234 = tpu.memref_slice %arg3[%mul3A_2] : memref<4096xi32, #tpu.memory_space<hbm>> -> memref<128xi32, #tpu.memory_space<hbm>>
      tpu.wait_dma2 semaphore(%run_scoped3A_218 : memref<!tpu.dma_semaphore, #tpu.memory_space<semaphore_mem>>) src(%dma_wait3A_234 : memref<128xi32, #tpu.memory_space<hbm>>) dst(%dma_wait3A_233 : memref<128xi32, #tpu.memory_space<vmem>>)
      tpu.yield
    }) : () -> ()
    %dma_start3A = arith.constant 0 : i32
    %dma_start3A_4 = arith.constant 0 : i32
    %dma_start3A_5 = arith.constant 0 : i32
    %dma_start3A_6 = arith.constant 0 : i32
    %dma_start3A_7 = tpu.memref_slice %arg8[%dma_start3A_4, %dma_start3A_5, %dma_start3A_6] : memref<2x32x768xf32, #tpu.memory_space<vmem>> -> memref<1x32x768xf32, #tpu.memory_space<vmem>>
    %dma_start3A_8 = tpu.memref_squeeze %dma_start3A_7 : memref<1x32x768xf32, #tpu.memory_space<vmem>> -> memref<32x768xf32, #tpu.memory_space<vmem>>
    %dma_start3A_9 = arith.constant 0 : i32
    %dma_start3A_10 = tpu.memref_slice %arg7[%dma_start3A, %dma_start3A_9] : memref<2x128xi32, #tpu.memory_space<vmem>> -> memref<1x32xi32, #tpu.memory_space<vmem>>
    %dma_start3A_11 = tpu.memref_squeeze %dma_start3A_10 : memref<1x32xi32, #tpu.memory_space<vmem>> -> memref<32xi32, #tpu.memory_space<vmem>>
    %dma_start3A_12 = arith.constant 0 : i32
    %dma_start3A_13 = arith.constant 0 : i32
    %dma_start3A_14 = tpu.memref_slice %arg4[%dma_start3A_12, %dma_start3A_13] : memref<16384x768xf32, #tpu.memory_space<hbm>> -> memref<16384x768xf32, #tpu.memory_space<hbm>>
    tpu.enqueue_indirect_dma source(%dma_start3A_14 : memref<16384x768xf32, #tpu.memory_space<hbm>>) target(%dma_start3A_8 : memref<32x768xf32, #tpu.memory_space<vmem>>) offsets(%dma_start3A_11 : memref<32xi32, #tpu.memory_space<vmem>>) semaphore(%arg10 : memref<!tpu.dma_semaphore, #tpu.memory_space<semaphore_mem>>)
    %dma_start3A_15 = arith.constant 1 : i32
    %dma_start3A_16 = arith.constant 0 : i32
    %dma_start3A_17 = arith.constant 0 : i32
    %dma_start3A_18 = arith.constant 0 : i32
    %dma_start3A_19 = tpu.memref_slice %arg9[%dma_start3A_16, %dma_start3A_17, %dma_start3A_18] : memref<2x32x768xf32, #tpu.memory_space<vmem>> -> memref<1x32x768xf32, #tpu.memory_space<vmem>>
    %dma_start3A_20 = tpu.memref_squeeze %dma_start3A_19 : memref<1x32x768xf32, #tpu.memory_space<vmem>> -> memref<32x768xf32, #tpu.memory_space<vmem>>
    %dma_start3A_21 = arith.constant 0 : i32
    %dma_start3A_22 = tpu.memref_slice %arg7[%dma_start3A_15, %dma_start3A_21] : memref<2x128xi32, #tpu.memory_space<vmem>> -> memref<1x32xi32, #tpu.memory_space<vmem>>
    %dma_start3A_23 = tpu.memref_squeeze %dma_start3A_22 : memref<1x32xi32, #tpu.memory_space<vmem>> -> memref<32xi32, #tpu.memory_space<vmem>>
    %dma_start3A_24 = arith.constant 0 : i32
    %dma_start3A_25 = arith.constant 0 : i32
    %dma_start3A_26 = tpu.memref_slice %arg4[%dma_start3A_24, %dma_start3A_25] : memref<16384x768xf32, #tpu.memory_space<hbm>> -> memref<16384x768xf32, #tpu.memory_space<hbm>>
    tpu.enqueue_indirect_dma source(%dma_start3A_26 : memref<16384x768xf32, #tpu.memory_space<hbm>>) target(%dma_start3A_20 : memref<32x768xf32, #tpu.memory_space<vmem>>) offsets(%dma_start3A_23 : memref<32xi32, #tpu.memory_space<vmem>>) semaphore(%arg12 : memref<!tpu.dma_semaphore, #tpu.memory_space<semaphore_mem>>)
    %dma_start3A_27 = arith.constant 0 : i32
    %dma_start3A_28 = arith.constant 1 : i32
    %dma_start3A_29 = arith.constant 0 : i32
    %dma_start3A_30 = arith.constant 0 : i32
    %dma_start3A_31 = tpu.memref_slice %arg8[%dma_start3A_28, %dma_start3A_29, %dma_start3A_30] : memref<2x32x768xf32, #tpu.memory_space<vmem>> -> memref<1x32x768xf32, #tpu.memory_space<vmem>>
    %dma_start3A_32 = tpu.memref_squeeze %dma_start3A_31 : memref<1x32x768xf32, #tpu.memory_space<vmem>> -> memref<32x768xf32, #tpu.memory_space<vmem>>
    %dma_start3A_33 = arith.constant 32 : i32
    %dma_start3A_34 = tpu.memref_slice %arg7[%dma_start3A_27, %dma_start3A_33] : memref<2x128xi32, #tpu.memory_space<vmem>> -> memref<1x32xi32, #tpu.memory_space<vmem>>
    %dma_start3A_35 = tpu.memref_squeeze %dma_start3A_34 : memref<1x32xi32, #tpu.memory_space<vmem>> -> memref<32xi32, #tpu.memory_space<vmem>>
    %dma_start3A_36 = arith.constant 0 : i32
    %dma_start3A_37 = arith.constant 0 : i32
    %dma_start3A_38 = tpu.memref_slice %arg4[%dma_start3A_36, %dma_start3A_37] : memref<16384x768xf32, #tpu.memory_space<hbm>> -> memref<16384x768xf32, #tpu.memory_space<hbm>>
    tpu.enqueue_indirect_dma source(%dma_start3A_38 : memref<16384x768xf32, #tpu.memory_space<hbm>>) target(%dma_start3A_32 : memref<32x768xf32, #tpu.memory_space<vmem>>) offsets(%dma_start3A_35 : memref<32xi32, #tpu.memory_space<vmem>>) semaphore(%arg11 : memref<!tpu.dma_semaphore, #tpu.memory_space<semaphore_mem>>)
    %dma_start3A_39 = arith.constant 1 : i32
    %dma_start3A_40 = arith.constant 1 : i32
    %dma_start3A_41 = arith.constant 0 : i32
    %dma_start3A_42 = arith.constant 0 : i32
    %dma_start3A_43 = tpu.memref_slice %arg9[%dma_start3A_40, %dma_start3A_41, %dma_start3A_42] : memref<2x32x768xf32, #tpu.memory_space<vmem>> -> memref<1x32x768xf32, #tpu.memory_space<vmem>>
    %dma_start3A_44 = tpu.memref_squeeze %dma_start3A_43 : memref<1x32x768xf32, #tpu.memory_space<vmem>> -> memref<32x768xf32, #tpu.memory_space<vmem>>
    %dma_start3A_45 = arith.constant 32 : i32
    %dma_start3A_46 = tpu.memref_slice %arg7[%dma_start3A_39, %dma_start3A_45] : memref<2x128xi32, #tpu.memory_space<vmem>> -> memref<1x32xi32, #tpu.memory_space<vmem>>
    %dma_start3A_47 = tpu.memref_squeeze %dma_start3A_46 : memref<1x32xi32, #tpu.memory_space<vmem>> -> memref<32xi32, #tpu.memory_space<vmem>>
    %dma_start3A_48 = arith.constant 0 : i32
    %dma_start3A_49 = arith.constant 0 : i32
    %dma_start3A_50 = tpu.memref_slice %arg4[%dma_start3A_48, %dma_start3A_49] : memref<16384x768xf32, #tpu.memory_space<hbm>> -> memref<16384x768xf32, #tpu.memory_space<hbm>>
    tpu.enqueue_indirect_dma source(%dma_start3A_50 : memref<16384x768xf32, #tpu.memory_space<hbm>>) target(%dma_start3A_44 : memref<32x768xf32, #tpu.memory_space<vmem>>) offsets(%dma_start3A_47 : memref<32xi32, #tpu.memory_space<vmem>>) semaphore(%arg13 : memref<!tpu.dma_semaphore, #tpu.memory_space<semaphore_mem>>)
    %dma_wait3A = arith.constant 0 : i32
    %dma_wait3A_51 = arith.constant 0 : i32
    %dma_wait3A_52 = arith.constant 0 : i32
    %dma_wait3A_53 = arith.constant 0 : i32
    %dma_wait3A_54 = tpu.memref_slice %arg8[%dma_wait3A_51, %dma_wait3A_52, %dma_wait3A_53] : memref<2x32x768xf32, #tpu.memory_space<vmem>> -> memref<1x32x768xf32, #tpu.memory_space<vmem>>
    %dma_wait3A_55 = tpu.memref_squeeze %dma_wait3A_54 : memref<1x32x768xf32, #tpu.memory_space<vmem>> -> memref<32x768xf32, #tpu.memory_space<vmem>>
    %dma_wait3A_56 = arith.constant 0 : i32
    %dma_wait3A_57 = tpu.memref_slice %arg7[%dma_wait3A, %dma_wait3A_56] : memref<2x128xi32, #tpu.memory_space<vmem>> -> memref<1x32xi32, #tpu.memory_space<vmem>>
    %dma_wait3A_58 = tpu.memref_squeeze %dma_wait3A_57 : memref<1x32xi32, #tpu.memory_space<vmem>> -> memref<32xi32, #tpu.memory_space<vmem>>
    %dma_wait3A_59 = arith.constant 0 : i32
    %dma_wait3A_60 = arith.constant 0 : i32
    %dma_wait3A_61 = tpu.memref_slice %arg4[%dma_wait3A_59, %dma_wait3A_60] : memref<16384x768xf32, #tpu.memory_space<hbm>> -> memref<16384x768xf32, #tpu.memory_space<hbm>>
    tpu.wait_indirect_dma semaphore(%arg10 : memref<!tpu.dma_semaphore, #tpu.memory_space<semaphore_mem>>) src(%dma_wait3A_61 : memref<16384x768xf32, #tpu.memory_space<hbm>>) dst(%dma_wait3A_55 : memref<32x768xf32, #tpu.memory_space<vmem>>)
    %dma_wait3A_62 = arith.constant 1 : i32
    %dma_wait3A_63 = arith.constant 0 : i32
    %dma_wait3A_64 = arith.constant 0 : i32
    %dma_wait3A_65 = arith.constant 0 : i32
    %dma_wait3A_66 = tpu.memref_slice %arg9[%dma_wait3A_63, %dma_wait3A_64, %dma_wait3A_65] : memref<2x32x768xf32, #tpu.memory_space<vmem>> -> memref<1x32x768xf32, #tpu.memory_space<vmem>>
    %dma_wait3A_67 = tpu.memref_squeeze %dma_wait3A_66 : memref<1x32x768xf32, #tpu.memory_space<vmem>> -> memref<32x768xf32, #tpu.memory_space<vmem>>
    %dma_wait3A_68 = arith.constant 0 : i32
    %dma_wait3A_69 = tpu.memref_slice %arg7[%dma_wait3A_62, %dma_wait3A_68] : memref<2x128xi32, #tpu.memory_space<vmem>> -> memref<1x32xi32, #tpu.memory_space<vmem>>
    %dma_wait3A_70 = tpu.memref_squeeze %dma_wait3A_69 : memref<1x32xi32, #tpu.memory_space<vmem>> -> memref<32xi32, #tpu.memory_space<vmem>>
    %dma_wait3A_71 = arith.constant 0 : i32
    %dma_wait3A_72 = arith.constant 0 : i32
    %dma_wait3A_73 = tpu.memref_slice %arg4[%dma_wait3A_71, %dma_wait3A_72] : memref<16384x768xf32, #tpu.memory_space<hbm>> -> memref<16384x768xf32, #tpu.memory_space<hbm>>
    tpu.wait_indirect_dma semaphore(%arg12 : memref<!tpu.dma_semaphore, #tpu.memory_space<semaphore_mem>>) src(%dma_wait3A_73 : memref<16384x768xf32, #tpu.memory_space<hbm>>) dst(%dma_wait3A_67 : memref<32x768xf32, #tpu.memory_space<vmem>>)
    %add3A_74 = arith.constant 0 : i32
    %add3A_75 = arith.addi %mul3A_2, %add3A_74 : i32
    %run_scoped3A_76 = arith.constant 0 : i32
    "tpu.region"() ({
      %run_scoped3A_218 = tpu.sem_alloc : memref<!tpu.dma_semaphore, #tpu.memory_space<semaphore_mem>>
      %dma_start3A_219 = arith.constant 0 : i32
      %dma_start3A_220 = arith.constant 0 : i32
      %dma_start3A_221 = tpu.memref_slice %arg8[%run_scoped3A_76, %dma_start3A_219, %dma_start3A_220] : memref<2x32x768xf32, #tpu.memory_space<vmem>> -> memref<1x32x768xf32, #tpu.memory_space<vmem>>
      %dma_start3A_222 = tpu.memref_squeeze %dma_start3A_221 : memref<1x32x768xf32, #tpu.memory_space<vmem>> -> memref<32x768xf32, #tpu.memory_space<vmem>>
      %dma_start3A_223 = arith.constant 0 : i32
      %dma_start3A_224 = tpu.memref_slice %arg5[%add3A_75, %dma_start3A_223] : memref<4096x768xf32, #tpu.memory_space<hbm>> -> memref<32x768xf32, #tpu.memory_space<hbm>>
      %dma_start3A_225 = arith.constant 0 : i32
      %dma_start3A_226 = tpu.memref_slice %arg5[%add3A_75, %dma_start3A_225] : memref<4096x768xf32, #tpu.memory_space<hbm>> -> memref<32x768xf32, #tpu.memory_space<hbm>>
      %dma_start3A_227 = arith.constant 0 : i32
      %dma_start3A_228 = arith.constant 0 : i32
      %dma_start3A_229 = tpu.memref_slice %arg8[%run_scoped3A_76, %dma_start3A_227, %dma_start3A_228] : memref<2x32x768xf32, #tpu.memory_space<vmem>> -> memref<1x32x768xf32, #tpu.memory_space<vmem>>
      %dma_start3A_230 = tpu.memref_squeeze %dma_start3A_229 : memref<1x32x768xf32, #tpu.memory_space<vmem>> -> memref<32x768xf32, #tpu.memory_space<vmem>>
      tpu.enqueue_dma source(%dma_start3A_230 : memref<32x768xf32, #tpu.memory_space<vmem>>) target(%dma_start3A_226 : memref<32x768xf32, #tpu.memory_space<hbm>>) target_semaphore(%run_scoped3A_218 : memref<!tpu.dma_semaphore, #tpu.memory_space<semaphore_mem>>)
      %dma_wait3A_231 = arith.constant 0 : i32
      %dma_wait3A_232 = arith.constant 0 : i32
      %dma_wait3A_233 = tpu.memref_slice %arg8[%run_scoped3A_76, %dma_wait3A_231, %dma_wait3A_232] : memref<2x32x768xf32, #tpu.memory_space<vmem>> -> memref<1x32x768xf32, #tpu.memory_space<vmem>>
      %dma_wait3A_234 = tpu.memref_squeeze %dma_wait3A_233 : memref<1x32x768xf32, #tpu.memory_space<vmem>> -> memref<32x768xf32, #tpu.memory_space<vmem>>
      %dma_wait3A_235 = arith.constant 0 : i32
      %dma_wait3A_236 = tpu.memref_slice %arg5[%add3A_75, %dma_wait3A_235] : memref<4096x768xf32, #tpu.memory_space<hbm>> -> memref<32x768xf32, #tpu.memory_space<hbm>>
      %dma_wait3A_237 = arith.constant 0 : i32
      %dma_wait3A_238 = tpu.memref_slice %arg5[%add3A_75, %dma_wait3A_237] : memref<4096x768xf32, #tpu.memory_space<hbm>> -> memref<32x768xf32, #tpu.memory_space<hbm>>
      %dma_wait3A_239 = arith.constant 0 : i32
      %dma_wait3A_240 = arith.constant 0 : i32
      %dma_wait3A_241 = tpu.memref_slice %arg8[%run_scoped3A_76, %dma_wait3A_239, %dma_wait3A_240] : memref<2x32x768xf32, #tpu.memory_space<vmem>> -> memref<1x32x768xf32, #tpu.memory_space<vmem>>
      %dma_wait3A_242 = tpu.memref_squeeze %dma_wait3A_241 : memref<1x32x768xf32, #tpu.memory_space<vmem>> -> memref<32x768xf32, #tpu.memory_space<vmem>>
      tpu.wait_dma2 semaphore(%run_scoped3A_218 : memref<!tpu.dma_semaphore, #tpu.memory_space<semaphore_mem>>) src(%dma_wait3A_242 : memref<32x768xf32, #tpu.memory_space<vmem>>) dst(%dma_wait3A_238 : memref<32x768xf32, #tpu.memory_space<hbm>>)
      tpu.yield
    }) : () -> ()
    %add3A_77 = arith.constant 0 : i32
    %add3A_78 = arith.addi %mul3A_2, %add3A_77 : i32
    %run_scoped3A_79 = arith.constant 0 : i32
    "tpu.region"() ({
      %run_scoped3A_218 = tpu.sem_alloc : memref<!tpu.dma_semaphore, #tpu.memory_space<semaphore_mem>>
      %dma_start3A_219 = arith.constant 0 : i32
      %dma_start3A_220 = arith.constant 0 : i32
      %dma_start3A_221 = tpu.memref_slice %arg9[%run_scoped3A_79, %dma_start3A_219, %dma_start3A_220] : memref<2x32x768xf32, #tpu.memory_space<vmem>> -> memref<1x32x768xf32, #tpu.memory_space<vmem>>
      %dma_start3A_222 = tpu.memref_squeeze %dma_start3A_221 : memref<1x32x768xf32, #tpu.memory_space<vmem>> -> memref<32x768xf32, #tpu.memory_space<vmem>>
      %dma_start3A_223 = arith.constant 0 : i32
      %dma_start3A_224 = tpu.memref_slice %arg6[%add3A_78, %dma_start3A_223] : memref<4096x768xf32, #tpu.memory_space<hbm>> -> memref<32x768xf32, #tpu.memory_space<hbm>>
      %dma_start3A_225 = arith.constant 0 : i32
      %dma_start3A_226 = tpu.memref_slice %arg6[%add3A_78, %dma_start3A_225] : memref<4096x768xf32, #tpu.memory_space<hbm>> -> memref<32x768xf32, #tpu.memory_space<hbm>>
      %dma_start3A_227 = arith.constant 0 : i32
      %dma_start3A_228 = arith.constant 0 : i32
      %dma_start3A_229 = tpu.memref_slice %arg9[%run_scoped3A_79, %dma_start3A_227, %dma_start3A_228] : memref<2x32x768xf32, #tpu.memory_space<vmem>> -> memref<1x32x768xf32, #tpu.memory_space<vmem>>
      %dma_start3A_230 = tpu.memref_squeeze %dma_start3A_229 : memref<1x32x768xf32, #tpu.memory_space<vmem>> -> memref<32x768xf32, #tpu.memory_space<vmem>>
      tpu.enqueue_dma source(%dma_start3A_230 : memref<32x768xf32, #tpu.memory_space<vmem>>) target(%dma_start3A_226 : memref<32x768xf32, #tpu.memory_space<hbm>>) target_semaphore(%run_scoped3A_218 : memref<!tpu.dma_semaphore, #tpu.memory_space<semaphore_mem>>)
      %dma_wait3A_231 = arith.constant 0 : i32
      %dma_wait3A_232 = arith.constant 0 : i32
      %dma_wait3A_233 = tpu.memref_slice %arg9[%run_scoped3A_79, %dma_wait3A_231, %dma_wait3A_232] : memref<2x32x768xf32, #tpu.memory_space<vmem>> -> memref<1x32x768xf32, #tpu.memory_space<vmem>>
      %dma_wait3A_234 = tpu.memref_squeeze %dma_wait3A_233 : memref<1x32x768xf32, #tpu.memory_space<vmem>> -> memref<32x768xf32, #tpu.memory_space<vmem>>
      %dma_wait3A_235 = arith.constant 0 : i32
      %dma_wait3A_236 = tpu.memref_slice %arg6[%add3A_78, %dma_wait3A_235] : memref<4096x768xf32, #tpu.memory_space<hbm>> -> memref<32x768xf32, #tpu.memory_space<hbm>>
      %dma_wait3A_237 = arith.constant 0 : i32
      %dma_wait3A_238 = tpu.memref_slice %arg6[%add3A_78, %dma_wait3A_237] : memref<4096x768xf32, #tpu.memory_space<hbm>> -> memref<32x768xf32, #tpu.memory_space<hbm>>
      %dma_wait3A_239 = arith.constant 0 : i32
      %dma_wait3A_240 = arith.constant 0 : i32
      %dma_wait3A_241 = tpu.memref_slice %arg9[%run_scoped3A_79, %dma_wait3A_239, %dma_wait3A_240] : memref<2x32x768xf32, #tpu.memory_space<vmem>> -> memref<1x32x768xf32, #tpu.memory_space<vmem>>
      %dma_wait3A_242 = tpu.memref_squeeze %dma_wait3A_241 : memref<1x32x768xf32, #tpu.memory_space<vmem>> -> memref<32x768xf32, #tpu.memory_space<vmem>>
      tpu.wait_dma2 semaphore(%run_scoped3A_218 : memref<!tpu.dma_semaphore, #tpu.memory_space<semaphore_mem>>) src(%dma_wait3A_242 : memref<32x768xf32, #tpu.memory_space<vmem>>) dst(%dma_wait3A_238 : memref<32x768xf32, #tpu.memory_space<hbm>>)
      tpu.yield
    }) : () -> ()
    %dma_start3A_80 = arith.constant 0 : i32
    %dma_start3A_81 = arith.constant 0 : i32
    %dma_start3A_82 = arith.constant 0 : i32
    %dma_start3A_83 = arith.constant 0 : i32
    %dma_start3A_84 = tpu.memref_slice %arg8[%dma_start3A_81, %dma_start3A_82, %dma_start3A_83] : memref<2x32x768xf32, #tpu.memory_space<vmem>> -> memref<1x32x768xf32, #tpu.memory_space<vmem>>
    %dma_start3A_85 = tpu.memref_squeeze %dma_start3A_84 : memref<1x32x768xf32, #tpu.memory_space<vmem>> -> memref<32x768xf32, #tpu.memory_space<vmem>>
    %dma_start3A_86 = arith.constant 64 : i32
    %dma_start3A_87 = tpu.memref_slice %arg7[%dma_start3A_80, %dma_start3A_86] : memref<2x128xi32, #tpu.memory_space<vmem>> -> memref<1x32xi32, #tpu.memory_space<vmem>>
    %dma_start3A_88 = tpu.memref_squeeze %dma_start3A_87 : memref<1x32xi32, #tpu.memory_space<vmem>> -> memref<32xi32, #tpu.memory_space<vmem>>
    %dma_start3A_89 = arith.constant 0 : i32
    %dma_start3A_90 = arith.constant 0 : i32
    %dma_start3A_91 = tpu.memref_slice %arg4[%dma_start3A_89, %dma_start3A_90] : memref<16384x768xf32, #tpu.memory_space<hbm>> -> memref<16384x768xf32, #tpu.memory_space<hbm>>
    tpu.enqueue_indirect_dma source(%dma_start3A_91 : memref<16384x768xf32, #tpu.memory_space<hbm>>) target(%dma_start3A_85 : memref<32x768xf32, #tpu.memory_space<vmem>>) offsets(%dma_start3A_88 : memref<32xi32, #tpu.memory_space<vmem>>) semaphore(%arg10 : memref<!tpu.dma_semaphore, #tpu.memory_space<semaphore_mem>>)
    %dma_start3A_92 = arith.constant 1 : i32
    %dma_start3A_93 = arith.constant 0 : i32
    %dma_start3A_94 = arith.constant 0 : i32
    %dma_start3A_95 = arith.constant 0 : i32
    %dma_start3A_96 = tpu.memref_slice %arg9[%dma_start3A_93, %dma_start3A_94, %dma_start3A_95] : memref<2x32x768xf32, #tpu.memory_space<vmem>> -> memref<1x32x768xf32, #tpu.memory_space<vmem>>
    %dma_start3A_97 = tpu.memref_squeeze %dma_start3A_96 : memref<1x32x768xf32, #tpu.memory_space<vmem>> -> memref<32x768xf32, #tpu.memory_space<vmem>>
    %dma_start3A_98 = arith.constant 64 : i32
    %dma_start3A_99 = tpu.memref_slice %arg7[%dma_start3A_92, %dma_start3A_98] : memref<2x128xi32, #tpu.memory_space<vmem>> -> memref<1x32xi32, #tpu.memory_space<vmem>>
    %dma_start3A_100 = tpu.memref_squeeze %dma_start3A_99 : memref<1x32xi32, #tpu.memory_space<vmem>> -> memref<32xi32, #tpu.memory_space<vmem>>
    %dma_start3A_101 = arith.constant 0 : i32
    %dma_start3A_102 = arith.constant 0 : i32
    %dma_start3A_103 = tpu.memref_slice %arg4[%dma_start3A_101, %dma_start3A_102] : memref<16384x768xf32, #tpu.memory_space<hbm>> -> memref<16384x768xf32, #tpu.memory_space<hbm>>
    tpu.enqueue_indirect_dma source(%dma_start3A_103 : memref<16384x768xf32, #tpu.memory_space<hbm>>) target(%dma_start3A_97 : memref<32x768xf32, #tpu.memory_space<vmem>>) offsets(%dma_start3A_100 : memref<32xi32, #tpu.memory_space<vmem>>) semaphore(%arg12 : memref<!tpu.dma_semaphore, #tpu.memory_space<semaphore_mem>>)
    %dma_wait3A_104 = arith.constant 0 : i32
    %dma_wait3A_105 = arith.constant 1 : i32
    %dma_wait3A_106 = arith.constant 0 : i32
    %dma_wait3A_107 = arith.constant 0 : i32
    %dma_wait3A_108 = tpu.memref_slice %arg8[%dma_wait3A_105, %dma_wait3A_106, %dma_wait3A_107] : memref<2x32x768xf32, #tpu.memory_space<vmem>> -> memref<1x32x768xf32, #tpu.memory_space<vmem>>
    %dma_wait3A_109 = tpu.memref_squeeze %dma_wait3A_108 : memref<1x32x768xf32, #tpu.memory_space<vmem>> -> memref<32x768xf32, #tpu.memory_space<vmem>>
    %dma_wait3A_110 = arith.constant 32 : i32
    %dma_wait3A_111 = tpu.memref_slice %arg7[%dma_wait3A_104, %dma_wait3A_110] : memref<2x128xi32, #tpu.memory_space<vmem>> -> memref<1x32xi32, #tpu.memory_space<vmem>>
    %dma_wait3A_112 = tpu.memref_squeeze %dma_wait3A_111 : memref<1x32xi32, #tpu.memory_space<vmem>> -> memref<32xi32, #tpu.memory_space<vmem>>
    %dma_wait3A_113 = arith.constant 0 : i32
    %dma_wait3A_114 = arith.constant 0 : i32
    %dma_wait3A_115 = tpu.memref_slice %arg4[%dma_wait3A_113, %dma_wait3A_114] : memref<16384x768xf32, #tpu.memory_space<hbm>> -> memref<16384x768xf32, #tpu.memory_space<hbm>>
    tpu.wait_indirect_dma semaphore(%arg11 : memref<!tpu.dma_semaphore, #tpu.memory_space<semaphore_mem>>) src(%dma_wait3A_115 : memref<16384x768xf32, #tpu.memory_space<hbm>>) dst(%dma_wait3A_109 : memref<32x768xf32, #tpu.memory_space<vmem>>)
    %dma_wait3A_116 = arith.constant 1 : i32
    %dma_wait3A_117 = arith.constant 1 : i32
    %dma_wait3A_118 = arith.constant 0 : i32
    %dma_wait3A_119 = arith.constant 0 : i32
    %dma_wait3A_120 = tpu.memref_slice %arg9[%dma_wait3A_117, %dma_wait3A_118, %dma_wait3A_119] : memref<2x32x768xf32, #tpu.memory_space<vmem>> -> memref<1x32x768xf32, #tpu.memory_space<vmem>>
    %dma_wait3A_121 = tpu.memref_squeeze %dma_wait3A_120 : memref<1x32x768xf32, #tpu.memory_space<vmem>> -> memref<32x768xf32, #tpu.memory_space<vmem>>
    %dma_wait3A_122 = arith.constant 32 : i32
    %dma_wait3A_123 = tpu.memref_slice %arg7[%dma_wait3A_116, %dma_wait3A_122] : memref<2x128xi32, #tpu.memory_space<vmem>> -> memref<1x32xi32, #tpu.memory_space<vmem>>
    %dma_wait3A_124 = tpu.memref_squeeze %dma_wait3A_123 : memref<1x32xi32, #tpu.memory_space<vmem>> -> memref<32xi32, #tpu.memory_space<vmem>>
    %dma_wait3A_125 = arith.constant 0 : i32
    %dma_wait3A_126 = arith.constant 0 : i32
    %dma_wait3A_127 = tpu.memref_slice %arg4[%dma_wait3A_125, %dma_wait3A_126] : memref<16384x768xf32, #tpu.memory_space<hbm>> -> memref<16384x768xf32, #tpu.memory_space<hbm>>
    tpu.wait_indirect_dma semaphore(%arg13 : memref<!tpu.dma_semaphore, #tpu.memory_space<semaphore_mem>>) src(%dma_wait3A_127 : memref<16384x768xf32, #tpu.memory_space<hbm>>) dst(%dma_wait3A_121 : memref<32x768xf32, #tpu.memory_space<vmem>>)
    %add3A_128 = arith.constant 32 : i32
    %add3A_129 = arith.addi %mul3A_2, %add3A_128 : i32
    %run_scoped3A_130 = arith.constant 1 : i32
    "tpu.region"() ({
      %run_scoped3A_218 = tpu.sem_alloc : memref<!tpu.dma_semaphore, #tpu.memory_space<semaphore_mem>>
      %dma_start3A_219 = arith.constant 0 : i32
      %dma_start3A_220 = arith.constant 0 : i32
      %dma_start3A_221 = tpu.memref_slice %arg8[%run_scoped3A_130, %dma_start3A_219, %dma_start3A_220] : memref<2x32x768xf32, #tpu.memory_space<vmem>> -> memref<1x32x768xf32, #tpu.memory_space<vmem>>
      %dma_start3A_222 = tpu.memref_squeeze %dma_start3A_221 : memref<1x32x768xf32, #tpu.memory_space<vmem>> -> memref<32x768xf32, #tpu.memory_space<vmem>>
      %dma_start3A_223 = arith.constant 0 : i32
      %dma_start3A_224 = tpu.memref_slice %arg5[%add3A_129, %dma_start3A_223] : memref<4096x768xf32, #tpu.memory_space<hbm>> -> memref<32x768xf32, #tpu.memory_space<hbm>>
      %dma_start3A_225 = arith.constant 0 : i32
      %dma_start3A_226 = tpu.memref_slice %arg5[%add3A_129, %dma_start3A_225] : memref<4096x768xf32, #tpu.memory_space<hbm>> -> memref<32x768xf32, #tpu.memory_space<hbm>>
      %dma_start3A_227 = arith.constant 0 : i32
      %dma_start3A_228 = arith.constant 0 : i32
      %dma_start3A_229 = tpu.memref_slice %arg8[%run_scoped3A_130, %dma_start3A_227, %dma_start3A_228] : memref<2x32x768xf32, #tpu.memory_space<vmem>> -> memref<1x32x768xf32, #tpu.memory_space<vmem>>
      %dma_start3A_230 = tpu.memref_squeeze %dma_start3A_229 : memref<1x32x768xf32, #tpu.memory_space<vmem>> -> memref<32x768xf32, #tpu.memory_space<vmem>>
      tpu.enqueue_dma source(%dma_start3A_230 : memref<32x768xf32, #tpu.memory_space<vmem>>) target(%dma_start3A_226 : memref<32x768xf32, #tpu.memory_space<hbm>>) target_semaphore(%run_scoped3A_218 : memref<!tpu.dma_semaphore, #tpu.memory_space<semaphore_mem>>)
      %dma_wait3A_231 = arith.constant 0 : i32
      %dma_wait3A_232 = arith.constant 0 : i32
      %dma_wait3A_233 = tpu.memref_slice %arg8[%run_scoped3A_130, %dma_wait3A_231, %dma_wait3A_232] : memref<2x32x768xf32, #tpu.memory_space<vmem>> -> memref<1x32x768xf32, #tpu.memory_space<vmem>>
      %dma_wait3A_234 = tpu.memref_squeeze %dma_wait3A_233 : memref<1x32x768xf32, #tpu.memory_space<vmem>> -> memref<32x768xf32, #tpu.memory_space<vmem>>
      %dma_wait3A_235 = arith.constant 0 : i32
      %dma_wait3A_236 = tpu.memref_slice %arg5[%add3A_129, %dma_wait3A_235] : memref<4096x768xf32, #tpu.memory_space<hbm>> -> memref<32x768xf32, #tpu.memory_space<hbm>>
      %dma_wait3A_237 = arith.constant 0 : i32
      %dma_wait3A_238 = tpu.memref_slice %arg5[%add3A_129, %dma_wait3A_237] : memref<4096x768xf32, #tpu.memory_space<hbm>> -> memref<32x768xf32, #tpu.memory_space<hbm>>
      %dma_wait3A_239 = arith.constant 0 : i32
      %dma_wait3A_240 = arith.constant 0 : i32
      %dma_wait3A_241 = tpu.memref_slice %arg8[%run_scoped3A_130, %dma_wait3A_239, %dma_wait3A_240] : memref<2x32x768xf32, #tpu.memory_space<vmem>> -> memref<1x32x768xf32, #tpu.memory_space<vmem>>
      %dma_wait3A_242 = tpu.memref_squeeze %dma_wait3A_241 : memref<1x32x768xf32, #tpu.memory_space<vmem>> -> memref<32x768xf32, #tpu.memory_space<vmem>>
      tpu.wait_dma2 semaphore(%run_scoped3A_218 : memref<!tpu.dma_semaphore, #tpu.memory_space<semaphore_mem>>) src(%dma_wait3A_242 : memref<32x768xf32, #tpu.memory_space<vmem>>) dst(%dma_wait3A_238 : memref<32x768xf32, #tpu.memory_space<hbm>>)
      tpu.yield
    }) : () -> ()
    %add3A_131 = arith.constant 32 : i32
    %add3A_132 = arith.addi %mul3A_2, %add3A_131 : i32
    %run_scoped3A_133 = arith.constant 1 : i32
    "tpu.region"() ({
      %run_scoped3A_218 = tpu.sem_alloc : memref<!tpu.dma_semaphore, #tpu.memory_space<semaphore_mem>>
      %dma_start3A_219 = arith.constant 0 : i32
      %dma_start3A_220 = arith.constant 0 : i32
      %dma_start3A_221 = tpu.memref_slice %arg9[%run_scoped3A_133, %dma_start3A_219, %dma_start3A_220] : memref<2x32x768xf32, #tpu.memory_space<vmem>> -> memref<1x32x768xf32, #tpu.memory_space<vmem>>
      %dma_start3A_222 = tpu.memref_squeeze %dma_start3A_221 : memref<1x32x768xf32, #tpu.memory_space<vmem>> -> memref<32x768xf32, #tpu.memory_space<vmem>>
      %dma_start3A_223 = arith.constant 0 : i32
      %dma_start3A_224 = tpu.memref_slice %arg6[%add3A_132, %dma_start3A_223] : memref<4096x768xf32, #tpu.memory_space<hbm>> -> memref<32x768xf32, #tpu.memory_space<hbm>>
      %dma_start3A_225 = arith.constant 0 : i32
      %dma_start3A_226 = tpu.memref_slice %arg6[%add3A_132, %dma_start3A_225] : memref<4096x768xf32, #tpu.memory_space<hbm>> -> memref<32x768xf32, #tpu.memory_space<hbm>>
      %dma_start3A_227 = arith.constant 0 : i32
      %dma_start3A_228 = arith.constant 0 : i32
      %dma_start3A_229 = tpu.memref_slice %arg9[%run_scoped3A_133, %dma_start3A_227, %dma_start3A_228] : memref<2x32x768xf32, #tpu.memory_space<vmem>> -> memref<1x32x768xf32, #tpu.memory_space<vmem>>
      %dma_start3A_230 = tpu.memref_squeeze %dma_start3A_229 : memref<1x32x768xf32, #tpu.memory_space<vmem>> -> memref<32x768xf32, #tpu.memory_space<vmem>>
      tpu.enqueue_dma source(%dma_start3A_230 : memref<32x768xf32, #tpu.memory_space<vmem>>) target(%dma_start3A_226 : memref<32x768xf32, #tpu.memory_space<hbm>>) target_semaphore(%run_scoped3A_218 : memref<!tpu.dma_semaphore, #tpu.memory_space<semaphore_mem>>)
      %dma_wait3A_231 = arith.constant 0 : i32
      %dma_wait3A_232 = arith.constant 0 : i32
      %dma_wait3A_233 = tpu.memref_slice %arg9[%run_scoped3A_133, %dma_wait3A_231, %dma_wait3A_232] : memref<2x32x768xf32, #tpu.memory_space<vmem>> -> memref<1x32x768xf32, #tpu.memory_space<vmem>>
      %dma_wait3A_234 = tpu.memref_squeeze %dma_wait3A_233 : memref<1x32x768xf32, #tpu.memory_space<vmem>> -> memref<32x768xf32, #tpu.memory_space<vmem>>
      %dma_wait3A_235 = arith.constant 0 : i32
      %dma_wait3A_236 = tpu.memref_slice %arg6[%add3A_132, %dma_wait3A_235] : memref<4096x768xf32, #tpu.memory_space<hbm>> -> memref<32x768xf32, #tpu.memory_space<hbm>>
      %dma_wait3A_237 = arith.constant 0 : i32
      %dma_wait3A_238 = tpu.memref_slice %arg6[%add3A_132, %dma_wait3A_237] : memref<4096x768xf32, #tpu.memory_space<hbm>> -> memref<32x768xf32, #tpu.memory_space<hbm>>
      %dma_wait3A_239 = arith.constant 0 : i32
      %dma_wait3A_240 = arith.constant 0 : i32
      %dma_wait3A_241 = tpu.memref_slice %arg9[%run_scoped3A_133, %dma_wait3A_239, %dma_wait3A_240] : memref<2x32x768xf32, #tpu.memory_space<vmem>> -> memref<1x32x768xf32, #tpu.memory_space<vmem>>
      %dma_wait3A_242 = tpu.memref_squeeze %dma_wait3A_241 : memref<1x32x768xf32, #tpu.memory_space<vmem>> -> memref<32x768xf32, #tpu.memory_space<vmem>>
      tpu.wait_dma2 semaphore(%run_scoped3A_218 : memref<!tpu.dma_semaphore, #tpu.memory_space<semaphore_mem>>) src(%dma_wait3A_242 : memref<32x768xf32, #tpu.memory_space<vmem>>) dst(%dma_wait3A_238 : memref<32x768xf32, #tpu.memory_space<hbm>>)
      tpu.yield
    }) : () -> ()
    %dma_start3A_134 = arith.constant 0 : i32
    %dma_start3A_135 = arith.constant 1 : i32
    %dma_start3A_136 = arith.constant 0 : i32
    %dma_start3A_137 = arith.constant 0 : i32
    %dma_start3A_138 = tpu.memref_slice %arg8[%dma_start3A_135, %dma_start3A_136, %dma_start3A_137] : memref<2x32x768xf32, #tpu.memory_space<vmem>> -> memref<1x32x768xf32, #tpu.memory_space<vmem>>
    %dma_start3A_139 = tpu.memref_squeeze %dma_start3A_138 : memref<1x32x768xf32, #tpu.memory_space<vmem>> -> memref<32x768xf32, #tpu.memory_space<vmem>>
    %dma_start3A_140 = arith.constant 96 : i32
    %dma_start3A_141 = tpu.memref_slice %arg7[%dma_start3A_134, %dma_start3A_140] : memref<2x128xi32, #tpu.memory_space<vmem>> -> memref<1x32xi32, #tpu.memory_space<vmem>>
    %dma_start3A_142 = tpu.memref_squeeze %dma_start3A_141 : memref<1x32xi32, #tpu.memory_space<vmem>> -> memref<32xi32, #tpu.memory_space<vmem>>
    %dma_start3A_143 = arith.constant 0 : i32
    %dma_start3A_144 = arith.constant 0 : i32
    %dma_start3A_145 = tpu.memref_slice %arg4[%dma_start3A_143, %dma_start3A_144] : memref<16384x768xf32, #tpu.memory_space<hbm>> -> memref<16384x768xf32, #tpu.memory_space<hbm>>
    tpu.enqueue_indirect_dma source(%dma_start3A_145 : memref<16384x768xf32, #tpu.memory_space<hbm>>) target(%dma_start3A_139 : memref<32x768xf32, #tpu.memory_space<vmem>>) offsets(%dma_start3A_142 : memref<32xi32, #tpu.memory_space<vmem>>) semaphore(%arg11 : memref<!tpu.dma_semaphore, #tpu.memory_space<semaphore_mem>>)
    %dma_start3A_146 = arith.constant 1 : i32
    %dma_start3A_147 = arith.constant 1 : i32
    %dma_start3A_148 = arith.constant 0 : i32
    %dma_start3A_149 = arith.constant 0 : i32
    %dma_start3A_150 = tpu.memref_slice %arg9[%dma_start3A_147, %dma_start3A_148, %dma_start3A_149] : memref<2x32x768xf32, #tpu.memory_space<vmem>> -> memref<1x32x768xf32, #tpu.memory_space<vmem>>
    %dma_start3A_151 = tpu.memref_squeeze %dma_start3A_150 : memref<1x32x768xf32, #tpu.memory_space<vmem>> -> memref<32x768xf32, #tpu.memory_space<vmem>>
    %dma_start3A_152 = arith.constant 96 : i32
    %dma_start3A_153 = tpu.memref_slice %arg7[%dma_start3A_146, %dma_start3A_152] : memref<2x128xi32, #tpu.memory_space<vmem>> -> memref<1x32xi32, #tpu.memory_space<vmem>>
    %dma_start3A_154 = tpu.memref_squeeze %dma_start3A_153 : memref<1x32xi32, #tpu.memory_space<vmem>> -> memref<32xi32, #tpu.memory_space<vmem>>
    %dma_start3A_155 = arith.constant 0 : i32
    %dma_start3A_156 = arith.constant 0 : i32
    %dma_start3A_157 = tpu.memref_slice %arg4[%dma_start3A_155, %dma_start3A_156] : memref<16384x768xf32, #tpu.memory_space<hbm>> -> memref<16384x768xf32, #tpu.memory_space<hbm>>
    tpu.enqueue_indirect_dma source(%dma_start3A_157 : memref<16384x768xf32, #tpu.memory_space<hbm>>) target(%dma_start3A_151 : memref<32x768xf32, #tpu.memory_space<vmem>>) offsets(%dma_start3A_154 : memref<32xi32, #tpu.memory_space<vmem>>) semaphore(%arg13 : memref<!tpu.dma_semaphore, #tpu.memory_space<semaphore_mem>>)
    %dma_wait3A_158 = arith.constant 0 : i32
    %dma_wait3A_159 = arith.constant 0 : i32
    %dma_wait3A_160 = arith.constant 0 : i32
    %dma_wait3A_161 = arith.constant 0 : i32
    %dma_wait3A_162 = tpu.memref_slice %arg8[%dma_wait3A_159, %dma_wait3A_160, %dma_wait3A_161] : memref<2x32x768xf32, #tpu.memory_space<vmem>> -> memref<1x32x768xf32, #tpu.memory_space<vmem>>
    %dma_wait3A_163 = tpu.memref_squeeze %dma_wait3A_162 : memref<1x32x768xf32, #tpu.memory_space<vmem>> -> memref<32x768xf32, #tpu.memory_space<vmem>>
    %dma_wait3A_164 = arith.constant 64 : i32
    %dma_wait3A_165 = tpu.memref_slice %arg7[%dma_wait3A_158, %dma_wait3A_164] : memref<2x128xi32, #tpu.memory_space<vmem>> -> memref<1x32xi32, #tpu.memory_space<vmem>>
    %dma_wait3A_166 = tpu.memref_squeeze %dma_wait3A_165 : memref<1x32xi32, #tpu.memory_space<vmem>> -> memref<32xi32, #tpu.memory_space<vmem>>
    %dma_wait3A_167 = arith.constant 0 : i32
    %dma_wait3A_168 = arith.constant 0 : i32
    %dma_wait3A_169 = tpu.memref_slice %arg4[%dma_wait3A_167, %dma_wait3A_168] : memref<16384x768xf32, #tpu.memory_space<hbm>> -> memref<16384x768xf32, #tpu.memory_space<hbm>>
    tpu.wait_indirect_dma semaphore(%arg10 : memref<!tpu.dma_semaphore, #tpu.memory_space<semaphore_mem>>) src(%dma_wait3A_169 : memref<16384x768xf32, #tpu.memory_space<hbm>>) dst(%dma_wait3A_163 : memref<32x768xf32, #tpu.memory_space<vmem>>)
    %dma_wait3A_170 = arith.constant 1 : i32
    %dma_wait3A_171 = arith.constant 0 : i32
    %dma_wait3A_172 = arith.constant 0 : i32
    %dma_wait3A_173 = arith.constant 0 : i32
    %dma_wait3A_174 = tpu.memref_slice %arg9[%dma_wait3A_171, %dma_wait3A_172, %dma_wait3A_173] : memref<2x32x768xf32, #tpu.memory_space<vmem>> -> memref<1x32x768xf32, #tpu.memory_space<vmem>>
    %dma_wait3A_175 = tpu.memref_squeeze %dma_wait3A_174 : memref<1x32x768xf32, #tpu.memory_space<vmem>> -> memref<32x768xf32, #tpu.memory_space<vmem>>
    %dma_wait3A_176 = arith.constant 64 : i32
    %dma_wait3A_177 = tpu.memref_slice %arg7[%dma_wait3A_170, %dma_wait3A_176] : memref<2x128xi32, #tpu.memory_space<vmem>> -> memref<1x32xi32, #tpu.memory_space<vmem>>
    %dma_wait3A_178 = tpu.memref_squeeze %dma_wait3A_177 : memref<1x32xi32, #tpu.memory_space<vmem>> -> memref<32xi32, #tpu.memory_space<vmem>>
    %dma_wait3A_179 = arith.constant 0 : i32
    %dma_wait3A_180 = arith.constant 0 : i32
    %dma_wait3A_181 = tpu.memref_slice %arg4[%dma_wait3A_179, %dma_wait3A_180] : memref<16384x768xf32, #tpu.memory_space<hbm>> -> memref<16384x768xf32, #tpu.memory_space<hbm>>
    tpu.wait_indirect_dma semaphore(%arg12 : memref<!tpu.dma_semaphore, #tpu.memory_space<semaphore_mem>>) src(%dma_wait3A_181 : memref<16384x768xf32, #tpu.memory_space<hbm>>) dst(%dma_wait3A_175 : memref<32x768xf32, #tpu.memory_space<vmem>>)
    %add3A_182 = arith.constant 64 : i32
    %add3A_183 = arith.addi %mul3A_2, %add3A_182 : i32
    %run_scoped3A_184 = arith.constant 0 : i32
    "tpu.region"() ({
      %run_scoped3A_218 = tpu.sem_alloc : memref<!tpu.dma_semaphore, #tpu.memory_space<semaphore_mem>>
      %dma_start3A_219 = arith.constant 0 : i32
      %dma_start3A_220 = arith.constant 0 : i32
      %dma_start3A_221 = tpu.memref_slice %arg8[%run_scoped3A_184, %dma_start3A_219, %dma_start3A_220] : memref<2x32x768xf32, #tpu.memory_space<vmem>> -> memref<1x32x768xf32, #tpu.memory_space<vmem>>
      %dma_start3A_222 = tpu.memref_squeeze %dma_start3A_221 : memref<1x32x768xf32, #tpu.memory_space<vmem>> -> memref<32x768xf32, #tpu.memory_space<vmem>>
      %dma_start3A_223 = arith.constant 0 : i32
      %dma_start3A_224 = tpu.memref_slice %arg5[%add3A_183, %dma_start3A_223] : memref<4096x768xf32, #tpu.memory_space<hbm>> -> memref<32x768xf32, #tpu.memory_space<hbm>>
      %dma_start3A_225 = arith.constant 0 : i32
      %dma_start3A_226 = tpu.memref_slice %arg5[%add3A_183, %dma_start3A_225] : memref<4096x768xf32, #tpu.memory_space<hbm>> -> memref<32x768xf32, #tpu.memory_space<hbm>>
      %dma_start3A_227 = arith.constant 0 : i32
      %dma_start3A_228 = arith.constant 0 : i32
      %dma_start3A_229 = tpu.memref_slice %arg8[%run_scoped3A_184, %dma_start3A_227, %dma_start3A_228] : memref<2x32x768xf32, #tpu.memory_space<vmem>> -> memref<1x32x768xf32, #tpu.memory_space<vmem>>
      %dma_start3A_230 = tpu.memref_squeeze %dma_start3A_229 : memref<1x32x768xf32, #tpu.memory_space<vmem>> -> memref<32x768xf32, #tpu.memory_space<vmem>>
      tpu.enqueue_dma source(%dma_start3A_230 : memref<32x768xf32, #tpu.memory_space<vmem>>) target(%dma_start3A_226 : memref<32x768xf32, #tpu.memory_space<hbm>>) target_semaphore(%run_scoped3A_218 : memref<!tpu.dma_semaphore, #tpu.memory_space<semaphore_mem>>)
      %dma_wait3A_231 = arith.constant 0 : i32
      %dma_wait3A_232 = arith.constant 0 : i32
      %dma_wait3A_233 = tpu.memref_slice %arg8[%run_scoped3A_184, %dma_wait3A_231, %dma_wait3A_232] : memref<2x32x768xf32, #tpu.memory_space<vmem>> -> memref<1x32x768xf32, #tpu.memory_space<vmem>>
      %dma_wait3A_234 = tpu.memref_squeeze %dma_wait3A_233 : memref<1x32x768xf32, #tpu.memory_space<vmem>> -> memref<32x768xf32, #tpu.memory_space<vmem>>
      %dma_wait3A_235 = arith.constant 0 : i32
      %dma_wait3A_236 = tpu.memref_slice %arg5[%add3A_183, %dma_wait3A_235] : memref<4096x768xf32, #tpu.memory_space<hbm>> -> memref<32x768xf32, #tpu.memory_space<hbm>>
      %dma_wait3A_237 = arith.constant 0 : i32
      %dma_wait3A_238 = tpu.memref_slice %arg5[%add3A_183, %dma_wait3A_237] : memref<4096x768xf32, #tpu.memory_space<hbm>> -> memref<32x768xf32, #tpu.memory_space<hbm>>
      %dma_wait3A_239 = arith.constant 0 : i32
      %dma_wait3A_240 = arith.constant 0 : i32
      %dma_wait3A_241 = tpu.memref_slice %arg8[%run_scoped3A_184, %dma_wait3A_239, %dma_wait3A_240] : memref<2x32x768xf32, #tpu.memory_space<vmem>> -> memref<1x32x768xf32, #tpu.memory_space<vmem>>
      %dma_wait3A_242 = tpu.memref_squeeze %dma_wait3A_241 : memref<1x32x768xf32, #tpu.memory_space<vmem>> -> memref<32x768xf32, #tpu.memory_space<vmem>>
      tpu.wait_dma2 semaphore(%run_scoped3A_218 : memref<!tpu.dma_semaphore, #tpu.memory_space<semaphore_mem>>) src(%dma_wait3A_242 : memref<32x768xf32, #tpu.memory_space<vmem>>) dst(%dma_wait3A_238 : memref<32x768xf32, #tpu.memory_space<hbm>>)
      tpu.yield
    }) : () -> ()
    %add3A_185 = arith.constant 64 : i32
    %add3A_186 = arith.addi %mul3A_2, %add3A_185 : i32
    %run_scoped3A_187 = arith.constant 0 : i32
    "tpu.region"() ({
      %run_scoped3A_218 = tpu.sem_alloc : memref<!tpu.dma_semaphore, #tpu.memory_space<semaphore_mem>>
      %dma_start3A_219 = arith.constant 0 : i32
      %dma_start3A_220 = arith.constant 0 : i32
      %dma_start3A_221 = tpu.memref_slice %arg9[%run_scoped3A_187, %dma_start3A_219, %dma_start3A_220] : memref<2x32x768xf32, #tpu.memory_space<vmem>> -> memref<1x32x768xf32, #tpu.memory_space<vmem>>
      %dma_start3A_222 = tpu.memref_squeeze %dma_start3A_221 : memref<1x32x768xf32, #tpu.memory_space<vmem>> -> memref<32x768xf32, #tpu.memory_space<vmem>>
      %dma_start3A_223 = arith.constant 0 : i32
      %dma_start3A_224 = tpu.memref_slice %arg6[%add3A_186, %dma_start3A_223] : memref<4096x768xf32, #tpu.memory_space<hbm>> -> memref<32x768xf32, #tpu.memory_space<hbm>>
      %dma_start3A_225 = arith.constant 0 : i32
      %dma_start3A_226 = tpu.memref_slice %arg6[%add3A_186, %dma_start3A_225] : memref<4096x768xf32, #tpu.memory_space<hbm>> -> memref<32x768xf32, #tpu.memory_space<hbm>>
      %dma_start3A_227 = arith.constant 0 : i32
      %dma_start3A_228 = arith.constant 0 : i32
      %dma_start3A_229 = tpu.memref_slice %arg9[%run_scoped3A_187, %dma_start3A_227, %dma_start3A_228] : memref<2x32x768xf32, #tpu.memory_space<vmem>> -> memref<1x32x768xf32, #tpu.memory_space<vmem>>
      %dma_start3A_230 = tpu.memref_squeeze %dma_start3A_229 : memref<1x32x768xf32, #tpu.memory_space<vmem>> -> memref<32x768xf32, #tpu.memory_space<vmem>>
      tpu.enqueue_dma source(%dma_start3A_230 : memref<32x768xf32, #tpu.memory_space<vmem>>) target(%dma_start3A_226 : memref<32x768xf32, #tpu.memory_space<hbm>>) target_semaphore(%run_scoped3A_218 : memref<!tpu.dma_semaphore, #tpu.memory_space<semaphore_mem>>)
      %dma_wait3A_231 = arith.constant 0 : i32
      %dma_wait3A_232 = arith.constant 0 : i32
      %dma_wait3A_233 = tpu.memref_slice %arg9[%run_scoped3A_187, %dma_wait3A_231, %dma_wait3A_232] : memref<2x32x768xf32, #tpu.memory_space<vmem>> -> memref<1x32x768xf32, #tpu.memory_space<vmem>>
      %dma_wait3A_234 = tpu.memref_squeeze %dma_wait3A_233 : memref<1x32x768xf32, #tpu.memory_space<vmem>> -> memref<32x768xf32, #tpu.memory_space<vmem>>
      %dma_wait3A_235 = arith.constant 0 : i32
      %dma_wait3A_236 = tpu.memref_slice %arg6[%add3A_186, %dma_wait3A_235] : memref<4096x768xf32, #tpu.memory_space<hbm>> -> memref<32x768xf32, #tpu.memory_space<hbm>>
      %dma_wait3A_237 = arith.constant 0 : i32
      %dma_wait3A_238 = tpu.memref_slice %arg6[%add3A_186, %dma_wait3A_237] : memref<4096x768xf32, #tpu.memory_space<hbm>> -> memref<32x768xf32, #tpu.memory_space<hbm>>
      %dma_wait3A_239 = arith.constant 0 : i32
      %dma_wait3A_240 = arith.constant 0 : i32
      %dma_wait3A_241 = tpu.memref_slice %arg9[%run_scoped3A_187, %dma_wait3A_239, %dma_wait3A_240] : memref<2x32x768xf32, #tpu.memory_space<vmem>> -> memref<1x32x768xf32, #tpu.memory_space<vmem>>
      %dma_wait3A_242 = tpu.memref_squeeze %dma_wait3A_241 : memref<1x32x768xf32, #tpu.memory_space<vmem>> -> memref<32x768xf32, #tpu.memory_space<vmem>>
      tpu.wait_dma2 semaphore(%run_scoped3A_218 : memref<!tpu.dma_semaphore, #tpu.memory_space<semaphore_mem>>) src(%dma_wait3A_242 : memref<32x768xf32, #tpu.memory_space<vmem>>) dst(%dma_wait3A_238 : memref<32x768xf32, #tpu.memory_space<hbm>>)
      tpu.yield
    }) : () -> ()
    %dma_wait3A_188 = arith.constant 0 : i32
    %dma_wait3A_189 = arith.constant 1 : i32
    %dma_wait3A_190 = arith.constant 0 : i32
    %dma_wait3A_191 = arith.constant 0 : i32
    %dma_wait3A_192 = tpu.memref_slice %arg8[%dma_wait3A_189, %dma_wait3A_190, %dma_wait3A_191] : memref<2x32x768xf32, #tpu.memory_space<vmem>> -> memref<1x32x768xf32, #tpu.memory_space<vmem>>
    %dma_wait3A_193 = tpu.memref_squeeze %dma_wait3A_192 : memref<1x32x768xf32, #tpu.memory_space<vmem>> -> memref<32x768xf32, #tpu.memory_space<vmem>>
    %dma_wait3A_194 = arith.constant 96 : i32
    %dma_wait3A_195 = tpu.memref_slice %arg7[%dma_wait3A_188, %dma_wait3A_194] : memref<2x128xi32, #tpu.memory_space<vmem>> -> memref<1x32xi32, #tpu.memory_space<vmem>>
    %dma_wait3A_196 = tpu.memref_squeeze %dma_wait3A_195 : memref<1x32xi32, #tpu.memory_space<vmem>> -> memref<32xi32, #tpu.memory_space<vmem>>
    %dma_wait3A_197 = arith.constant 0 : i32
    %dma_wait3A_198 = arith.constant 0 : i32
    %dma_wait3A_199 = tpu.memref_slice %arg4[%dma_wait3A_197, %dma_wait3A_198] : memref<16384x768xf32, #tpu.memory_space<hbm>> -> memref<16384x768xf32, #tpu.memory_space<hbm>>
    tpu.wait_indirect_dma semaphore(%arg11 : memref<!tpu.dma_semaphore, #tpu.memory_space<semaphore_mem>>) src(%dma_wait3A_199 : memref<16384x768xf32, #tpu.memory_space<hbm>>) dst(%dma_wait3A_193 : memref<32x768xf32, #tpu.memory_space<vmem>>)
    %dma_wait3A_200 = arith.constant 1 : i32
    %dma_wait3A_201 = arith.constant 1 : i32
    %dma_wait3A_202 = arith.constant 0 : i32
    %dma_wait3A_203 = arith.constant 0 : i32
    %dma_wait3A_204 = tpu.memref_slice %arg9[%dma_wait3A_201, %dma_wait3A_202, %dma_wait3A_203] : memref<2x32x768xf32, #tpu.memory_space<vmem>> -> memref<1x32x768xf32, #tpu.memory_space<vmem>>
    %dma_wait3A_205 = tpu.memref_squeeze %dma_wait3A_204 : memref<1x32x768xf32, #tpu.memory_space<vmem>> -> memref<32x768xf32, #tpu.memory_space<vmem>>
    %dma_wait3A_206 = arith.constant 96 : i32
    %dma_wait3A_207 = tpu.memref_slice %arg7[%dma_wait3A_200, %dma_wait3A_206] : memref<2x128xi32, #tpu.memory_space<vmem>> -> memref<1x32xi32, #tpu.memory_space<vmem>>
    %dma_wait3A_208 = tpu.memref_squeeze %dma_wait3A_207 : memref<1x32xi32, #tpu.memory_space<vmem>> -> memref<32xi32, #tpu.memory_space<vmem>>
    %dma_wait3A_209 = arith.constant 0 : i32
    %dma_wait3A_210 = arith.constant 0 : i32
    %dma_wait3A_211 = tpu.memref_slice %arg4[%dma_wait3A_209, %dma_wait3A_210] : memref<16384x768xf32, #tpu.memory_space<hbm>> -> memref<16384x768xf32, #tpu.memory_space<hbm>>
    tpu.wait_indirect_dma semaphore(%arg13 : memref<!tpu.dma_semaphore, #tpu.memory_space<semaphore_mem>>) src(%dma_wait3A_211 : memref<16384x768xf32, #tpu.memory_space<hbm>>) dst(%dma_wait3A_205 : memref<32x768xf32, #tpu.memory_space<vmem>>)
    %add3A_212 = arith.constant 96 : i32
    %add3A_213 = arith.addi %mul3A_2, %add3A_212 : i32
    %run_scoped3A_214 = arith.constant 1 : i32
    "tpu.region"() ({
      %run_scoped3A_218 = tpu.sem_alloc : memref<!tpu.dma_semaphore, #tpu.memory_space<semaphore_mem>>
      %dma_start3A_219 = arith.constant 0 : i32
      %dma_start3A_220 = arith.constant 0 : i32
      %dma_start3A_221 = tpu.memref_slice %arg8[%run_scoped3A_214, %dma_start3A_219, %dma_start3A_220] : memref<2x32x768xf32, #tpu.memory_space<vmem>> -> memref<1x32x768xf32, #tpu.memory_space<vmem>>
      %dma_start3A_222 = tpu.memref_squeeze %dma_start3A_221 : memref<1x32x768xf32, #tpu.memory_space<vmem>> -> memref<32x768xf32, #tpu.memory_space<vmem>>
      %dma_start3A_223 = arith.constant 0 : i32
      %dma_start3A_224 = tpu.memref_slice %arg5[%add3A_213, %dma_start3A_223] : memref<4096x768xf32, #tpu.memory_space<hbm>> -> memref<32x768xf32, #tpu.memory_space<hbm>>
      %dma_start3A_225 = arith.constant 0 : i32
      %dma_start3A_226 = tpu.memref_slice %arg5[%add3A_213, %dma_start3A_225] : memref<4096x768xf32, #tpu.memory_space<hbm>> -> memref<32x768xf32, #tpu.memory_space<hbm>>
      %dma_start3A_227 = arith.constant 0 : i32
      %dma_start3A_228 = arith.constant 0 : i32
      %dma_start3A_229 = tpu.memref_slice %arg8[%run_scoped3A_214, %dma_start3A_227, %dma_start3A_228] : memref<2x32x768xf32, #tpu.memory_space<vmem>> -> memref<1x32x768xf32, #tpu.memory_space<vmem>>
      %dma_start3A_230 = tpu.memref_squeeze %dma_start3A_229 : memref<1x32x768xf32, #tpu.memory_space<vmem>> -> memref<32x768xf32, #tpu.memory_space<vmem>>
      tpu.enqueue_dma source(%dma_start3A_230 : memref<32x768xf32, #tpu.memory_space<vmem>>) target(%dma_start3A_226 : memref<32x768xf32, #tpu.memory_space<hbm>>) target_semaphore(%run_scoped3A_218 : memref<!tpu.dma_semaphore, #tpu.memory_space<semaphore_mem>>)
      %dma_wait3A_231 = arith.constant 0 : i32
      %dma_wait3A_232 = arith.constant 0 : i32
      %dma_wait3A_233 = tpu.memref_slice %arg8[%run_scoped3A_214, %dma_wait3A_231, %dma_wait3A_232] : memref<2x32x768xf32, #tpu.memory_space<vmem>> -> memref<1x32x768xf32, #tpu.memory_space<vmem>>
      %dma_wait3A_234 = tpu.memref_squeeze %dma_wait3A_233 : memref<1x32x768xf32, #tpu.memory_space<vmem>> -> memref<32x768xf32, #tpu.memory_space<vmem>>
      %dma_wait3A_235 = arith.constant 0 : i32
      %dma_wait3A_236 = tpu.memref_slice %arg5[%add3A_213, %dma_wait3A_235] : memref<4096x768xf32, #tpu.memory_space<hbm>> -> memref<32x768xf32, #tpu.memory_space<hbm>>
      %dma_wait3A_237 = arith.constant 0 : i32
      %dma_wait3A_238 = tpu.memref_slice %arg5[%add3A_213, %dma_wait3A_237] : memref<4096x768xf32, #tpu.memory_space<hbm>> -> memref<32x768xf32, #tpu.memory_space<hbm>>
      %dma_wait3A_239 = arith.constant 0 : i32
      %dma_wait3A_240 = arith.constant 0 : i32
      %dma_wait3A_241 = tpu.memref_slice %arg8[%run_scoped3A_214, %dma_wait3A_239, %dma_wait3A_240] : memref<2x32x768xf32, #tpu.memory_space<vmem>> -> memref<1x32x768xf32, #tpu.memory_space<vmem>>
      %dma_wait3A_242 = tpu.memref_squeeze %dma_wait3A_241 : memref<1x32x768xf32, #tpu.memory_space<vmem>> -> memref<32x768xf32, #tpu.memory_space<vmem>>
      tpu.wait_dma2 semaphore(%run_scoped3A_218 : memref<!tpu.dma_semaphore, #tpu.memory_space<semaphore_mem>>) src(%dma_wait3A_242 : memref<32x768xf32, #tpu.memory_space<vmem>>) dst(%dma_wait3A_238 : memref<32x768xf32, #tpu.memory_space<hbm>>)
      tpu.yield
    }) : () -> ()
    %add3A_215 = arith.constant 96 : i32
    %add3A_216 = arith.addi %mul3A_2, %add3A_215 : i32
    %run_scoped3A_217 = arith.constant 1 : i32
    "tpu.region"() ({
      %run_scoped3A_218 = tpu.sem_alloc : memref<!tpu.dma_semaphore, #tpu.memory_space<semaphore_mem>>
      %dma_start3A_219 = arith.constant 0 : i32
      %dma_start3A_220 = arith.constant 0 : i32
      %dma_start3A_221 = tpu.memref_slice %arg9[%run_scoped3A_217, %dma_start3A_219, %dma_start3A_220] : memref<2x32x768xf32, #tpu.memory_space<vmem>> -> memref<1x32x768xf32, #tpu.memory_space<vmem>>
      %dma_start3A_222 = tpu.memref_squeeze %dma_start3A_221 : memref<1x32x768xf32, #tpu.memory_space<vmem>> -> memref<32x768xf32, #tpu.memory_space<vmem>>
      %dma_start3A_223 = arith.constant 0 : i32
      %dma_start3A_224 = tpu.memref_slice %arg6[%add3A_216, %dma_start3A_223] : memref<4096x768xf32, #tpu.memory_space<hbm>> -> memref<32x768xf32, #tpu.memory_space<hbm>>
      %dma_start3A_225 = arith.constant 0 : i32
      %dma_start3A_226 = tpu.memref_slice %arg6[%add3A_216, %dma_start3A_225] : memref<4096x768xf32, #tpu.memory_space<hbm>> -> memref<32x768xf32, #tpu.memory_space<hbm>>
      %dma_start3A_227 = arith.constant 0 : i32
      %dma_start3A_228 = arith.constant 0 : i32
      %dma_start3A_229 = tpu.memref_slice %arg9[%run_scoped3A_217, %dma_start3A_227, %dma_start3A_228] : memref<2x32x768xf32, #tpu.memory_space<vmem>> -> memref<1x32x768xf32, #tpu.memory_space<vmem>>
      %dma_start3A_230 = tpu.memref_squeeze %dma_start3A_229 : memref<1x32x768xf32, #tpu.memory_space<vmem>> -> memref<32x768xf32, #tpu.memory_space<vmem>>
      tpu.enqueue_dma source(%dma_start3A_230 : memref<32x768xf32, #tpu.memory_space<vmem>>) target(%dma_start3A_226 : memref<32x768xf32, #tpu.memory_space<hbm>>) target_semaphore(%run_scoped3A_218 : memref<!tpu.dma_semaphore, #tpu.memory_space<semaphore_mem>>)
      %dma_wait3A_231 = arith.constant 0 : i32
      %dma_wait3A_232 = arith.constant 0 : i32
      %dma_wait3A_233 = tpu.memref_slice %arg9[%run_scoped3A_217, %dma_wait3A_231, %dma_wait3A_232] : memref<2x32x768xf32, #tpu.memory_space<vmem>> -> memref<1x32x768xf32, #tpu.memory_space<vmem>>
      %dma_wait3A_234 = tpu.memref_squeeze %dma_wait3A_233 : memref<1x32x768xf32, #tpu.memory_space<vmem>> -> memref<32x768xf32, #tpu.memory_space<vmem>>
      %dma_wait3A_235 = arith.constant 0 : i32
      %dma_wait3A_236 = tpu.memref_slice %arg6[%add3A_216, %dma_wait3A_235] : memref<4096x768xf32, #tpu.memory_space<hbm>> -> memref<32x768xf32, #tpu.memory_space<hbm>>
      %dma_wait3A_237 = arith.constant 0 : i32
      %dma_wait3A_238 = tpu.memref_slice %arg6[%add3A_216, %dma_wait3A_237] : memref<4096x768xf32, #tpu.memory_space<hbm>> -> memref<32x768xf32, #tpu.memory_space<hbm>>
      %dma_wait3A_239 = arith.constant 0 : i32
      %dma_wait3A_240 = arith.constant 0 : i32
      %dma_wait3A_241 = tpu.memref_slice %arg9[%run_scoped3A_217, %dma_wait3A_239, %dma_wait3A_240] : memref<2x32x768xf32, #tpu.memory_space<vmem>> -> memref<1x32x768xf32, #tpu.memory_space<vmem>>
      %dma_wait3A_242 = tpu.memref_squeeze %dma_wait3A_241 : memref<1x32x768xf32, #tpu.memory_space<vmem>> -> memref<32x768xf32, #tpu.memory_space<vmem>>
      tpu.wait_dma2 semaphore(%run_scoped3A_218 : memref<!tpu.dma_semaphore, #tpu.memory_space<semaphore_mem>>) src(%dma_wait3A_242 : memref<32x768xf32, #tpu.memory_space<vmem>>) dst(%dma_wait3A_238 : memref<32x768xf32, #tpu.memory_space<hbm>>)
      tpu.yield
    }) : () -> ()
    return
  }
}

#map = affine_map<(d0, d1) -> (0)>
#map1 = affine_map<(d0, d1) -> (0, 0)>
module attributes {stable_mosaic.version = 14 : i64} {
  func.func @_sc_scatter_x_body(%arg0: i32, %arg1: i32, %arg2: memref<4096xi32, #tpu.memory_space<hbm>>, %arg3: memref<4096xi32, #tpu.memory_space<hbm>>, %arg4: memref<4096x768xf32, #tpu.memory_space<hbm>>, %arg5: memref<16384x768xf32, #tpu.memory_space<hbm>>, %arg6: memref<2x64x768xf32, #tpu.memory_space<vmem>>, %arg7: memref<4x64xi32, #tpu.memory_space<vmem>>, %arg8: memref<!tpu.dma_semaphore, #tpu.memory_space<semaphore_mem>>, %arg9: memref<!tpu.dma_semaphore, #tpu.memory_space<semaphore_mem>>, %arg10: memref<!tpu.dma_semaphore, #tpu.memory_space<semaphore_mem>>) attributes {dimension_semantics = [#tpu.dimension_semantics<core_parallel>, #tpu.dimension_semantics<subcore_parallel>], iteration_bounds = array<i64: 2, 16>, scalar_prefetch = 0 : i64, scratch_operands = 5 : i64, tpu.core_type = #tpu.core_type<sc_vector_subcore>, window_params = [{transform_indices = #map}, {transform_indices = #map}, {transform_indices = #map1}, {transform_indices = #map1}]} {
    %mul3A = arith.constant 2 : i32
    %mul3A_0 = arith.muli %arg1, %mul3A : i32
    %add3A = arith.addi %mul3A_0, %arg0 : i32
    %mul3A_1 = arith.constant 128 : i32
    %mul3A_2 = arith.muli %add3A, %mul3A_1 : i32
    %dma_start3A = arith.constant 0 : i32
    %dma_start3A_3 = arith.constant 0 : i32
    %dma_start3A_4 = arith.constant 0 : i32
    %dma_start3A_5 = tpu.memref_slice %arg6[%dma_start3A, %dma_start3A_3, %dma_start3A_4] : memref<2x64x768xf32, #tpu.memory_space<vmem>> -> memref<1x64x768xf32, #tpu.memory_space<vmem>>
    %dma_start3A_6 = tpu.memref_squeeze %dma_start3A_5 : memref<1x64x768xf32, #tpu.memory_space<vmem>> -> memref<64x768xf32, #tpu.memory_space<vmem>>
    %dma_start3A_7 = arith.constant 0 : i32
    %dma_start3A_8 = tpu.memref_slice %arg4[%mul3A_2, %dma_start3A_7] : memref<4096x768xf32, #tpu.memory_space<hbm>> -> memref<64x768xf32, #tpu.memory_space<hbm>>
    %dma_start3A_9 = arith.constant 0 : i32
    %dma_start3A_10 = arith.constant 0 : i32
    %dma_start3A_11 = tpu.memref_slice %arg6[%dma_start3A, %dma_start3A_9, %dma_start3A_10] : memref<2x64x768xf32, #tpu.memory_space<vmem>> -> memref<1x64x768xf32, #tpu.memory_space<vmem>>
    %dma_start3A_12 = tpu.memref_squeeze %dma_start3A_11 : memref<1x64x768xf32, #tpu.memory_space<vmem>> -> memref<64x768xf32, #tpu.memory_space<vmem>>
    %dma_start3A_13 = arith.constant 0 : i32
    %dma_start3A_14 = tpu.memref_slice %arg4[%mul3A_2, %dma_start3A_13] : memref<4096x768xf32, #tpu.memory_space<hbm>> -> memref<64x768xf32, #tpu.memory_space<hbm>>
    tpu.enqueue_dma source(%dma_start3A_14 : memref<64x768xf32, #tpu.memory_space<hbm>>) target(%dma_start3A_12 : memref<64x768xf32, #tpu.memory_space<vmem>>) target_semaphore(%arg8 : memref<!tpu.dma_semaphore, #tpu.memory_space<semaphore_mem>>)
    %run_scoped3A = arith.constant 0 : i32
    "tpu.region"() ({
      %run_scoped3A_158 = tpu.sem_alloc : memref<!tpu.dma_semaphore, #tpu.memory_space<semaphore_mem>>
      %dma_start3A_159 = arith.constant 0 : i32
      %dma_start3A_160 = tpu.memref_slice %arg7[%run_scoped3A, %dma_start3A_159] : memref<4x64xi32, #tpu.memory_space<vmem>> -> memref<1x64xi32, #tpu.memory_space<vmem>>
      %dma_start3A_161 = tpu.memref_squeeze %dma_start3A_160 : memref<1x64xi32, #tpu.memory_space<vmem>> -> memref<64xi32, #tpu.memory_space<vmem>>
      %dma_start3A_162 = tpu.memref_slice %arg2[%mul3A_2] : memref<4096xi32, #tpu.memory_space<hbm>> -> memref<64xi32, #tpu.memory_space<hbm>>
      %dma_start3A_163 = arith.constant 0 : i32
      %dma_start3A_164 = tpu.memref_slice %arg7[%run_scoped3A, %dma_start3A_163] : memref<4x64xi32, #tpu.memory_space<vmem>> -> memref<1x64xi32, #tpu.memory_space<vmem>>
      %dma_start3A_165 = tpu.memref_squeeze %dma_start3A_164 : memref<1x64xi32, #tpu.memory_space<vmem>> -> memref<64xi32, #tpu.memory_space<vmem>>
      %dma_start3A_166 = tpu.memref_slice %arg2[%mul3A_2] : memref<4096xi32, #tpu.memory_space<hbm>> -> memref<64xi32, #tpu.memory_space<hbm>>
      tpu.enqueue_dma source(%dma_start3A_166 : memref<64xi32, #tpu.memory_space<hbm>>) target(%dma_start3A_165 : memref<64xi32, #tpu.memory_space<vmem>>) target_semaphore(%run_scoped3A_158 : memref<!tpu.dma_semaphore, #tpu.memory_space<semaphore_mem>>)
      %dma_wait3A_167 = arith.constant 0 : i32
      %dma_wait3A_168 = tpu.memref_slice %arg7[%run_scoped3A, %dma_wait3A_167] : memref<4x64xi32, #tpu.memory_space<vmem>> -> memref<1x64xi32, #tpu.memory_space<vmem>>
      %dma_wait3A_169 = tpu.memref_squeeze %dma_wait3A_168 : memref<1x64xi32, #tpu.memory_space<vmem>> -> memref<64xi32, #tpu.memory_space<vmem>>
      %dma_wait3A_170 = tpu.memref_slice %arg2[%mul3A_2] : memref<4096xi32, #tpu.memory_space<hbm>> -> memref<64xi32, #tpu.memory_space<hbm>>
      %dma_wait3A_171 = arith.constant 0 : i32
      %dma_wait3A_172 = tpu.memref_slice %arg7[%run_scoped3A, %dma_wait3A_171] : memref<4x64xi32, #tpu.memory_space<vmem>> -> memref<1x64xi32, #tpu.memory_space<vmem>>
      %dma_wait3A_173 = tpu.memref_squeeze %dma_wait3A_172 : memref<1x64xi32, #tpu.memory_space<vmem>> -> memref<64xi32, #tpu.memory_space<vmem>>
      %dma_wait3A_174 = tpu.memref_slice %arg2[%mul3A_2] : memref<4096xi32, #tpu.memory_space<hbm>> -> memref<64xi32, #tpu.memory_space<hbm>>
      tpu.wait_dma2 semaphore(%run_scoped3A_158 : memref<!tpu.dma_semaphore, #tpu.memory_space<semaphore_mem>>) src(%dma_wait3A_174 : memref<64xi32, #tpu.memory_space<hbm>>) dst(%dma_wait3A_173 : memref<64xi32, #tpu.memory_space<vmem>>)
      tpu.yield
    }) : () -> ()
    %run_scoped3A_15 = arith.constant 1 : i32
    "tpu.region"() ({
      %run_scoped3A_158 = tpu.sem_alloc : memref<!tpu.dma_semaphore, #tpu.memory_space<semaphore_mem>>
      %dma_start3A_159 = arith.constant 0 : i32
      %dma_start3A_160 = tpu.memref_slice %arg7[%run_scoped3A_15, %dma_start3A_159] : memref<4x64xi32, #tpu.memory_space<vmem>> -> memref<1x64xi32, #tpu.memory_space<vmem>>
      %dma_start3A_161 = tpu.memref_squeeze %dma_start3A_160 : memref<1x64xi32, #tpu.memory_space<vmem>> -> memref<64xi32, #tpu.memory_space<vmem>>
      %dma_start3A_162 = tpu.memref_slice %arg3[%mul3A_2] : memref<4096xi32, #tpu.memory_space<hbm>> -> memref<64xi32, #tpu.memory_space<hbm>>
      %dma_start3A_163 = arith.constant 0 : i32
      %dma_start3A_164 = tpu.memref_slice %arg7[%run_scoped3A_15, %dma_start3A_163] : memref<4x64xi32, #tpu.memory_space<vmem>> -> memref<1x64xi32, #tpu.memory_space<vmem>>
      %dma_start3A_165 = tpu.memref_squeeze %dma_start3A_164 : memref<1x64xi32, #tpu.memory_space<vmem>> -> memref<64xi32, #tpu.memory_space<vmem>>
      %dma_start3A_166 = tpu.memref_slice %arg3[%mul3A_2] : memref<4096xi32, #tpu.memory_space<hbm>> -> memref<64xi32, #tpu.memory_space<hbm>>
      tpu.enqueue_dma source(%dma_start3A_166 : memref<64xi32, #tpu.memory_space<hbm>>) target(%dma_start3A_165 : memref<64xi32, #tpu.memory_space<vmem>>) target_semaphore(%run_scoped3A_158 : memref<!tpu.dma_semaphore, #tpu.memory_space<semaphore_mem>>)
      %dma_wait3A_167 = arith.constant 0 : i32
      %dma_wait3A_168 = tpu.memref_slice %arg7[%run_scoped3A_15, %dma_wait3A_167] : memref<4x64xi32, #tpu.memory_space<vmem>> -> memref<1x64xi32, #tpu.memory_space<vmem>>
      %dma_wait3A_169 = tpu.memref_squeeze %dma_wait3A_168 : memref<1x64xi32, #tpu.memory_space<vmem>> -> memref<64xi32, #tpu.memory_space<vmem>>
      %dma_wait3A_170 = tpu.memref_slice %arg3[%mul3A_2] : memref<4096xi32, #tpu.memory_space<hbm>> -> memref<64xi32, #tpu.memory_space<hbm>>
      %dma_wait3A_171 = arith.constant 0 : i32
      %dma_wait3A_172 = tpu.memref_slice %arg7[%run_scoped3A_15, %dma_wait3A_171] : memref<4x64xi32, #tpu.memory_space<vmem>> -> memref<1x64xi32, #tpu.memory_space<vmem>>
      %dma_wait3A_173 = tpu.memref_squeeze %dma_wait3A_172 : memref<1x64xi32, #tpu.memory_space<vmem>> -> memref<64xi32, #tpu.memory_space<vmem>>
      %dma_wait3A_174 = tpu.memref_slice %arg3[%mul3A_2] : memref<4096xi32, #tpu.memory_space<hbm>> -> memref<64xi32, #tpu.memory_space<hbm>>
      tpu.wait_dma2 semaphore(%run_scoped3A_158 : memref<!tpu.dma_semaphore, #tpu.memory_space<semaphore_mem>>) src(%dma_wait3A_174 : memref<64xi32, #tpu.memory_space<hbm>>) dst(%dma_wait3A_173 : memref<64xi32, #tpu.memory_space<vmem>>)
      tpu.yield
    }) : () -> ()
    %add3A_16 = arith.constant 64 : i32
    %add3A_17 = arith.addi %mul3A_2, %add3A_16 : i32
    %run_scoped3A_18 = arith.constant 2 : i32
    "tpu.region"() ({
      %run_scoped3A_158 = tpu.sem_alloc : memref<!tpu.dma_semaphore, #tpu.memory_space<semaphore_mem>>
      %dma_start3A_159 = arith.constant 0 : i32
      %dma_start3A_160 = tpu.memref_slice %arg7[%run_scoped3A_18, %dma_start3A_159] : memref<4x64xi32, #tpu.memory_space<vmem>> -> memref<1x64xi32, #tpu.memory_space<vmem>>
      %dma_start3A_161 = tpu.memref_squeeze %dma_start3A_160 : memref<1x64xi32, #tpu.memory_space<vmem>> -> memref<64xi32, #tpu.memory_space<vmem>>
      %dma_start3A_162 = tpu.memref_slice %arg2[%add3A_17] : memref<4096xi32, #tpu.memory_space<hbm>> -> memref<64xi32, #tpu.memory_space<hbm>>
      %dma_start3A_163 = arith.constant 0 : i32
      %dma_start3A_164 = tpu.memref_slice %arg7[%run_scoped3A_18, %dma_start3A_163] : memref<4x64xi32, #tpu.memory_space<vmem>> -> memref<1x64xi32, #tpu.memory_space<vmem>>
      %dma_start3A_165 = tpu.memref_squeeze %dma_start3A_164 : memref<1x64xi32, #tpu.memory_space<vmem>> -> memref<64xi32, #tpu.memory_space<vmem>>
      %dma_start3A_166 = tpu.memref_slice %arg2[%add3A_17] : memref<4096xi32, #tpu.memory_space<hbm>> -> memref<64xi32, #tpu.memory_space<hbm>>
      tpu.enqueue_dma source(%dma_start3A_166 : memref<64xi32, #tpu.memory_space<hbm>>) target(%dma_start3A_165 : memref<64xi32, #tpu.memory_space<vmem>>) target_semaphore(%run_scoped3A_158 : memref<!tpu.dma_semaphore, #tpu.memory_space<semaphore_mem>>)
      %dma_wait3A_167 = arith.constant 0 : i32
      %dma_wait3A_168 = tpu.memref_slice %arg7[%run_scoped3A_18, %dma_wait3A_167] : memref<4x64xi32, #tpu.memory_space<vmem>> -> memref<1x64xi32, #tpu.memory_space<vmem>>
      %dma_wait3A_169 = tpu.memref_squeeze %dma_wait3A_168 : memref<1x64xi32, #tpu.memory_space<vmem>> -> memref<64xi32, #tpu.memory_space<vmem>>
      %dma_wait3A_170 = tpu.memref_slice %arg2[%add3A_17] : memref<4096xi32, #tpu.memory_space<hbm>> -> memref<64xi32, #tpu.memory_space<hbm>>
      %dma_wait3A_171 = arith.constant 0 : i32
      %dma_wait3A_172 = tpu.memref_slice %arg7[%run_scoped3A_18, %dma_wait3A_171] : memref<4x64xi32, #tpu.memory_space<vmem>> -> memref<1x64xi32, #tpu.memory_space<vmem>>
      %dma_wait3A_173 = tpu.memref_squeeze %dma_wait3A_172 : memref<1x64xi32, #tpu.memory_space<vmem>> -> memref<64xi32, #tpu.memory_space<vmem>>
      %dma_wait3A_174 = tpu.memref_slice %arg2[%add3A_17] : memref<4096xi32, #tpu.memory_space<hbm>> -> memref<64xi32, #tpu.memory_space<hbm>>
      tpu.wait_dma2 semaphore(%run_scoped3A_158 : memref<!tpu.dma_semaphore, #tpu.memory_space<semaphore_mem>>) src(%dma_wait3A_174 : memref<64xi32, #tpu.memory_space<hbm>>) dst(%dma_wait3A_173 : memref<64xi32, #tpu.memory_space<vmem>>)
      tpu.yield
    }) : () -> ()
    %add3A_19 = arith.constant 64 : i32
    %add3A_20 = arith.addi %mul3A_2, %add3A_19 : i32
    %run_scoped3A_21 = arith.constant 3 : i32
    "tpu.region"() ({
      %run_scoped3A_158 = tpu.sem_alloc : memref<!tpu.dma_semaphore, #tpu.memory_space<semaphore_mem>>
      %dma_start3A_159 = arith.constant 0 : i32
      %dma_start3A_160 = tpu.memref_slice %arg7[%run_scoped3A_21, %dma_start3A_159] : memref<4x64xi32, #tpu.memory_space<vmem>> -> memref<1x64xi32, #tpu.memory_space<vmem>>
      %dma_start3A_161 = tpu.memref_squeeze %dma_start3A_160 : memref<1x64xi32, #tpu.memory_space<vmem>> -> memref<64xi32, #tpu.memory_space<vmem>>
      %dma_start3A_162 = tpu.memref_slice %arg3[%add3A_20] : memref<4096xi32, #tpu.memory_space<hbm>> -> memref<64xi32, #tpu.memory_space<hbm>>
      %dma_start3A_163 = arith.constant 0 : i32
      %dma_start3A_164 = tpu.memref_slice %arg7[%run_scoped3A_21, %dma_start3A_163] : memref<4x64xi32, #tpu.memory_space<vmem>> -> memref<1x64xi32, #tpu.memory_space<vmem>>
      %dma_start3A_165 = tpu.memref_squeeze %dma_start3A_164 : memref<1x64xi32, #tpu.memory_space<vmem>> -> memref<64xi32, #tpu.memory_space<vmem>>
      %dma_start3A_166 = tpu.memref_slice %arg3[%add3A_20] : memref<4096xi32, #tpu.memory_space<hbm>> -> memref<64xi32, #tpu.memory_space<hbm>>
      tpu.enqueue_dma source(%dma_start3A_166 : memref<64xi32, #tpu.memory_space<hbm>>) target(%dma_start3A_165 : memref<64xi32, #tpu.memory_space<vmem>>) target_semaphore(%run_scoped3A_158 : memref<!tpu.dma_semaphore, #tpu.memory_space<semaphore_mem>>)
      %dma_wait3A_167 = arith.constant 0 : i32
      %dma_wait3A_168 = tpu.memref_slice %arg7[%run_scoped3A_21, %dma_wait3A_167] : memref<4x64xi32, #tpu.memory_space<vmem>> -> memref<1x64xi32, #tpu.memory_space<vmem>>
      %dma_wait3A_169 = tpu.memref_squeeze %dma_wait3A_168 : memref<1x64xi32, #tpu.memory_space<vmem>> -> memref<64xi32, #tpu.memory_space<vmem>>
      %dma_wait3A_170 = tpu.memref_slice %arg3[%add3A_20] : memref<4096xi32, #tpu.memory_space<hbm>> -> memref<64xi32, #tpu.memory_space<hbm>>
      %dma_wait3A_171 = arith.constant 0 : i32
      %dma_wait3A_172 = tpu.memref_slice %arg7[%run_scoped3A_21, %dma_wait3A_171] : memref<4x64xi32, #tpu.memory_space<vmem>> -> memref<1x64xi32, #tpu.memory_space<vmem>>
      %dma_wait3A_173 = tpu.memref_squeeze %dma_wait3A_172 : memref<1x64xi32, #tpu.memory_space<vmem>> -> memref<64xi32, #tpu.memory_space<vmem>>
      %dma_wait3A_174 = tpu.memref_slice %arg3[%add3A_20] : memref<4096xi32, #tpu.memory_space<hbm>> -> memref<64xi32, #tpu.memory_space<hbm>>
      tpu.wait_dma2 semaphore(%run_scoped3A_158 : memref<!tpu.dma_semaphore, #tpu.memory_space<semaphore_mem>>) src(%dma_wait3A_174 : memref<64xi32, #tpu.memory_space<hbm>>) dst(%dma_wait3A_173 : memref<64xi32, #tpu.memory_space<vmem>>)
      tpu.yield
    }) : () -> ()
    %add3A_22 = arith.constant 64 : i32
    %add3A_23 = arith.addi %mul3A_2, %add3A_22 : i32
    %dma_start3A_24 = arith.constant 1 : i32
    %dma_start3A_25 = arith.constant 0 : i32
    %dma_start3A_26 = arith.constant 0 : i32
    %dma_start3A_27 = tpu.memref_slice %arg6[%dma_start3A_24, %dma_start3A_25, %dma_start3A_26] : memref<2x64x768xf32, #tpu.memory_space<vmem>> -> memref<1x64x768xf32, #tpu.memory_space<vmem>>
    %dma_start3A_28 = tpu.memref_squeeze %dma_start3A_27 : memref<1x64x768xf32, #tpu.memory_space<vmem>> -> memref<64x768xf32, #tpu.memory_space<vmem>>
    %dma_start3A_29 = arith.constant 0 : i32
    %dma_start3A_30 = tpu.memref_slice %arg4[%add3A_23, %dma_start3A_29] : memref<4096x768xf32, #tpu.memory_space<hbm>> -> memref<64x768xf32, #tpu.memory_space<hbm>>
    %dma_start3A_31 = arith.constant 0 : i32
    %dma_start3A_32 = arith.constant 0 : i32
    %dma_start3A_33 = tpu.memref_slice %arg6[%dma_start3A_24, %dma_start3A_31, %dma_start3A_32] : memref<2x64x768xf32, #tpu.memory_space<vmem>> -> memref<1x64x768xf32, #tpu.memory_space<vmem>>
    %dma_start3A_34 = tpu.memref_squeeze %dma_start3A_33 : memref<1x64x768xf32, #tpu.memory_space<vmem>> -> memref<64x768xf32, #tpu.memory_space<vmem>>
    %dma_start3A_35 = arith.constant 0 : i32
    %dma_start3A_36 = tpu.memref_slice %arg4[%add3A_23, %dma_start3A_35] : memref<4096x768xf32, #tpu.memory_space<hbm>> -> memref<64x768xf32, #tpu.memory_space<hbm>>
    tpu.enqueue_dma source(%dma_start3A_36 : memref<64x768xf32, #tpu.memory_space<hbm>>) target(%dma_start3A_34 : memref<64x768xf32, #tpu.memory_space<vmem>>) target_semaphore(%arg8 : memref<!tpu.dma_semaphore, #tpu.memory_space<semaphore_mem>>)
    %dma_wait3A = arith.constant 0 : i32
    %dma_wait3A_37 = arith.constant 0 : i32
    %dma_wait3A_38 = arith.constant 0 : i32
    %dma_wait3A_39 = tpu.memref_slice %arg6[%dma_wait3A, %dma_wait3A_37, %dma_wait3A_38] : memref<2x64x768xf32, #tpu.memory_space<vmem>> -> memref<1x64x768xf32, #tpu.memory_space<vmem>>
    %dma_wait3A_40 = tpu.memref_squeeze %dma_wait3A_39 : memref<1x64x768xf32, #tpu.memory_space<vmem>> -> memref<64x768xf32, #tpu.memory_space<vmem>>
    %dma_wait3A_41 = arith.constant 0 : i32
    %dma_wait3A_42 = tpu.memref_slice %arg4[%mul3A_2, %dma_wait3A_41] : memref<4096x768xf32, #tpu.memory_space<hbm>> -> memref<64x768xf32, #tpu.memory_space<hbm>>
    %dma_wait3A_43 = arith.constant 0 : i32
    %dma_wait3A_44 = arith.constant 0 : i32
    %dma_wait3A_45 = tpu.memref_slice %arg6[%dma_wait3A, %dma_wait3A_43, %dma_wait3A_44] : memref<2x64x768xf32, #tpu.memory_space<vmem>> -> memref<1x64x768xf32, #tpu.memory_space<vmem>>
    %dma_wait3A_46 = tpu.memref_squeeze %dma_wait3A_45 : memref<1x64x768xf32, #tpu.memory_space<vmem>> -> memref<64x768xf32, #tpu.memory_space<vmem>>
    %dma_wait3A_47 = arith.constant 0 : i32
    %dma_wait3A_48 = tpu.memref_slice %arg4[%mul3A_2, %dma_wait3A_47] : memref<4096x768xf32, #tpu.memory_space<hbm>> -> memref<64x768xf32, #tpu.memory_space<hbm>>
    tpu.wait_dma2 semaphore(%arg8 : memref<!tpu.dma_semaphore, #tpu.memory_space<semaphore_mem>>) src(%dma_wait3A_48 : memref<64x768xf32, #tpu.memory_space<hbm>>) dst(%dma_wait3A_46 : memref<64x768xf32, #tpu.memory_space<vmem>>)
    %dma_start3A_49 = arith.constant 0 : i32
    %dma_start3A_50 = arith.constant 0 : i32
    %dma_start3A_51 = arith.constant 0 : i32
    %dma_start3A_52 = arith.constant 0 : i32
    %dma_start3A_53 = tpu.memref_slice %arg6[%dma_start3A_49, %dma_start3A_51, %dma_start3A_52] : memref<2x64x768xf32, #tpu.memory_space<vmem>> -> memref<1x64x768xf32, #tpu.memory_space<vmem>>
    %dma_start3A_54 = tpu.memref_squeeze %dma_start3A_53 : memref<1x64x768xf32, #tpu.memory_space<vmem>> -> memref<64x768xf32, #tpu.memory_space<vmem>>
    %dma_start3A_55 = arith.constant 0 : i32
    %dma_start3A_56 = tpu.memref_slice %arg7[%dma_start3A_50, %dma_start3A_55] : memref<4x64xi32, #tpu.memory_space<vmem>> -> memref<1x64xi32, #tpu.memory_space<vmem>>
    %dma_start3A_57 = tpu.memref_squeeze %dma_start3A_56 : memref<1x64xi32, #tpu.memory_space<vmem>> -> memref<64xi32, #tpu.memory_space<vmem>>
    %dma_start3A_58 = arith.constant 0 : i32
    %dma_start3A_59 = arith.constant 0 : i32
    %dma_start3A_60 = tpu.memref_slice %arg5[%dma_start3A_58, %dma_start3A_59] : memref<16384x768xf32, #tpu.memory_space<hbm>> -> memref<16384x768xf32, #tpu.memory_space<hbm>>
    tpu.enqueue_indirect_dma source(%dma_start3A_54 : memref<64x768xf32, #tpu.memory_space<vmem>>) target(%dma_start3A_60 : memref<16384x768xf32, #tpu.memory_space<hbm>>) offsets(%dma_start3A_57 : memref<64xi32, #tpu.memory_space<vmem>>) semaphore(%arg9 : memref<!tpu.dma_semaphore, #tpu.memory_space<semaphore_mem>>)
    %dma_start3A_61 = arith.constant 0 : i32
    %dma_start3A_62 = arith.constant 1 : i32
    %dma_start3A_63 = arith.constant 0 : i32
    %dma_start3A_64 = arith.constant 0 : i32
    %dma_start3A_65 = tpu.memref_slice %arg6[%dma_start3A_61, %dma_start3A_63, %dma_start3A_64] : memref<2x64x768xf32, #tpu.memory_space<vmem>> -> memref<1x64x768xf32, #tpu.memory_space<vmem>>
    %dma_start3A_66 = tpu.memref_squeeze %dma_start3A_65 : memref<1x64x768xf32, #tpu.memory_space<vmem>> -> memref<64x768xf32, #tpu.memory_space<vmem>>
    %dma_start3A_67 = arith.constant 0 : i32
    %dma_start3A_68 = tpu.memref_slice %arg7[%dma_start3A_62, %dma_start3A_67] : memref<4x64xi32, #tpu.memory_space<vmem>> -> memref<1x64xi32, #tpu.memory_space<vmem>>
    %dma_start3A_69 = tpu.memref_squeeze %dma_start3A_68 : memref<1x64xi32, #tpu.memory_space<vmem>> -> memref<64xi32, #tpu.memory_space<vmem>>
    %dma_start3A_70 = arith.constant 0 : i32
    %dma_start3A_71 = arith.constant 0 : i32
    %dma_start3A_72 = tpu.memref_slice %arg5[%dma_start3A_70, %dma_start3A_71] : memref<16384x768xf32, #tpu.memory_space<hbm>> -> memref<16384x768xf32, #tpu.memory_space<hbm>>
    tpu.enqueue_indirect_dma source(%dma_start3A_66 : memref<64x768xf32, #tpu.memory_space<vmem>>) target(%dma_start3A_72 : memref<16384x768xf32, #tpu.memory_space<hbm>>) offsets(%dma_start3A_69 : memref<64xi32, #tpu.memory_space<vmem>>) semaphore(%arg10 : memref<!tpu.dma_semaphore, #tpu.memory_space<semaphore_mem>>)
    %dma_wait3A_73 = arith.constant 1 : i32
    %dma_wait3A_74 = arith.constant 0 : i32
    %dma_wait3A_75 = arith.constant 0 : i32
    %dma_wait3A_76 = tpu.memref_slice %arg6[%dma_wait3A_73, %dma_wait3A_74, %dma_wait3A_75] : memref<2x64x768xf32, #tpu.memory_space<vmem>> -> memref<1x64x768xf32, #tpu.memory_space<vmem>>
    %dma_wait3A_77 = tpu.memref_squeeze %dma_wait3A_76 : memref<1x64x768xf32, #tpu.memory_space<vmem>> -> memref<64x768xf32, #tpu.memory_space<vmem>>
    %dma_wait3A_78 = arith.constant 0 : i32
    %dma_wait3A_79 = tpu.memref_slice %arg4[%add3A_23, %dma_wait3A_78] : memref<4096x768xf32, #tpu.memory_space<hbm>> -> memref<64x768xf32, #tpu.memory_space<hbm>>
    %dma_wait3A_80 = arith.constant 0 : i32
    %dma_wait3A_81 = arith.constant 0 : i32
    %dma_wait3A_82 = tpu.memref_slice %arg6[%dma_wait3A_73, %dma_wait3A_80, %dma_wait3A_81] : memref<2x64x768xf32, #tpu.memory_space<vmem>> -> memref<1x64x768xf32, #tpu.memory_space<vmem>>
    %dma_wait3A_83 = tpu.memref_squeeze %dma_wait3A_82 : memref<1x64x768xf32, #tpu.memory_space<vmem>> -> memref<64x768xf32, #tpu.memory_space<vmem>>
    %dma_wait3A_84 = arith.constant 0 : i32
    %dma_wait3A_85 = tpu.memref_slice %arg4[%add3A_23, %dma_wait3A_84] : memref<4096x768xf32, #tpu.memory_space<hbm>> -> memref<64x768xf32, #tpu.memory_space<hbm>>
    tpu.wait_dma2 semaphore(%arg8 : memref<!tpu.dma_semaphore, #tpu.memory_space<semaphore_mem>>) src(%dma_wait3A_85 : memref<64x768xf32, #tpu.memory_space<hbm>>) dst(%dma_wait3A_83 : memref<64x768xf32, #tpu.memory_space<vmem>>)
    %dma_start3A_86 = arith.constant 1 : i32
    %dma_start3A_87 = arith.constant 2 : i32
    %dma_start3A_88 = arith.constant 0 : i32
    %dma_start3A_89 = arith.constant 0 : i32
    %dma_start3A_90 = tpu.memref_slice %arg6[%dma_start3A_86, %dma_start3A_88, %dma_start3A_89] : memref<2x64x768xf32, #tpu.memory_space<vmem>> -> memref<1x64x768xf32, #tpu.memory_space<vmem>>
    %dma_start3A_91 = tpu.memref_squeeze %dma_start3A_90 : memref<1x64x768xf32, #tpu.memory_space<vmem>> -> memref<64x768xf32, #tpu.memory_space<vmem>>
    %dma_start3A_92 = arith.constant 0 : i32
    %dma_start3A_93 = tpu.memref_slice %arg7[%dma_start3A_87, %dma_start3A_92] : memref<4x64xi32, #tpu.memory_space<vmem>> -> memref<1x64xi32, #tpu.memory_space<vmem>>
    %dma_start3A_94 = tpu.memref_squeeze %dma_start3A_93 : memref<1x64xi32, #tpu.memory_space<vmem>> -> memref<64xi32, #tpu.memory_space<vmem>>
    %dma_start3A_95 = arith.constant 0 : i32
    %dma_start3A_96 = arith.constant 0 : i32
    %dma_start3A_97 = tpu.memref_slice %arg5[%dma_start3A_95, %dma_start3A_96] : memref<16384x768xf32, #tpu.memory_space<hbm>> -> memref<16384x768xf32, #tpu.memory_space<hbm>>
    tpu.enqueue_indirect_dma source(%dma_start3A_91 : memref<64x768xf32, #tpu.memory_space<vmem>>) target(%dma_start3A_97 : memref<16384x768xf32, #tpu.memory_space<hbm>>) offsets(%dma_start3A_94 : memref<64xi32, #tpu.memory_space<vmem>>) semaphore(%arg9 : memref<!tpu.dma_semaphore, #tpu.memory_space<semaphore_mem>>)
    %dma_start3A_98 = arith.constant 1 : i32
    %dma_start3A_99 = arith.constant 3 : i32
    %dma_start3A_100 = arith.constant 0 : i32
    %dma_start3A_101 = arith.constant 0 : i32
    %dma_start3A_102 = tpu.memref_slice %arg6[%dma_start3A_98, %dma_start3A_100, %dma_start3A_101] : memref<2x64x768xf32, #tpu.memory_space<vmem>> -> memref<1x64x768xf32, #tpu.memory_space<vmem>>
    %dma_start3A_103 = tpu.memref_squeeze %dma_start3A_102 : memref<1x64x768xf32, #tpu.memory_space<vmem>> -> memref<64x768xf32, #tpu.memory_space<vmem>>
    %dma_start3A_104 = arith.constant 0 : i32
    %dma_start3A_105 = tpu.memref_slice %arg7[%dma_start3A_99, %dma_start3A_104] : memref<4x64xi32, #tpu.memory_space<vmem>> -> memref<1x64xi32, #tpu.memory_space<vmem>>
    %dma_start3A_106 = tpu.memref_squeeze %dma_start3A_105 : memref<1x64xi32, #tpu.memory_space<vmem>> -> memref<64xi32, #tpu.memory_space<vmem>>
    %dma_start3A_107 = arith.constant 0 : i32
    %dma_start3A_108 = arith.constant 0 : i32
    %dma_start3A_109 = tpu.memref_slice %arg5[%dma_start3A_107, %dma_start3A_108] : memref<16384x768xf32, #tpu.memory_space<hbm>> -> memref<16384x768xf32, #tpu.memory_space<hbm>>
    tpu.enqueue_indirect_dma source(%dma_start3A_103 : memref<64x768xf32, #tpu.memory_space<vmem>>) target(%dma_start3A_109 : memref<16384x768xf32, #tpu.memory_space<hbm>>) offsets(%dma_start3A_106 : memref<64xi32, #tpu.memory_space<vmem>>) semaphore(%arg10 : memref<!tpu.dma_semaphore, #tpu.memory_space<semaphore_mem>>)
    %dma_wait3A_110 = arith.constant 0 : i32
    %dma_wait3A_111 = arith.constant 0 : i32
    %dma_wait3A_112 = arith.constant 0 : i32
    %dma_wait3A_113 = arith.constant 0 : i32
    %dma_wait3A_114 = tpu.memref_slice %arg6[%dma_wait3A_110, %dma_wait3A_112, %dma_wait3A_113] : memref<2x64x768xf32, #tpu.memory_space<vmem>> -> memref<1x64x768xf32, #tpu.memory_space<vmem>>
    %dma_wait3A_115 = tpu.memref_squeeze %dma_wait3A_114 : memref<1x64x768xf32, #tpu.memory_space<vmem>> -> memref<64x768xf32, #tpu.memory_space<vmem>>
    %dma_wait3A_116 = arith.constant 0 : i32
    %dma_wait3A_117 = tpu.memref_slice %arg7[%dma_wait3A_111, %dma_wait3A_116] : memref<4x64xi32, #tpu.memory_space<vmem>> -> memref<1x64xi32, #tpu.memory_space<vmem>>
    %dma_wait3A_118 = tpu.memref_squeeze %dma_wait3A_117 : memref<1x64xi32, #tpu.memory_space<vmem>> -> memref<64xi32, #tpu.memory_space<vmem>>
    %dma_wait3A_119 = arith.constant 0 : i32
    %dma_wait3A_120 = arith.constant 0 : i32
    %dma_wait3A_121 = tpu.memref_slice %arg5[%dma_wait3A_119, %dma_wait3A_120] : memref<16384x768xf32, #tpu.memory_space<hbm>> -> memref<16384x768xf32, #tpu.memory_space<hbm>>
    tpu.wait_indirect_dma semaphore(%arg9 : memref<!tpu.dma_semaphore, #tpu.memory_space<semaphore_mem>>) src(%dma_wait3A_115 : memref<64x768xf32, #tpu.memory_space<vmem>>) dst(%dma_wait3A_121 : memref<16384x768xf32, #tpu.memory_space<hbm>>)
    %dma_wait3A_122 = arith.constant 0 : i32
    %dma_wait3A_123 = arith.constant 1 : i32
    %dma_wait3A_124 = arith.constant 0 : i32
    %dma_wait3A_125 = arith.constant 0 : i32
    %dma_wait3A_126 = tpu.memref_slice %arg6[%dma_wait3A_122, %dma_wait3A_124, %dma_wait3A_125] : memref<2x64x768xf32, #tpu.memory_space<vmem>> -> memref<1x64x768xf32, #tpu.memory_space<vmem>>
    %dma_wait3A_127 = tpu.memref_squeeze %dma_wait3A_126 : memref<1x64x768xf32, #tpu.memory_space<vmem>> -> memref<64x768xf32, #tpu.memory_space<vmem>>
    %dma_wait3A_128 = arith.constant 0 : i32
    %dma_wait3A_129 = tpu.memref_slice %arg7[%dma_wait3A_123, %dma_wait3A_128] : memref<4x64xi32, #tpu.memory_space<vmem>> -> memref<1x64xi32, #tpu.memory_space<vmem>>
    %dma_wait3A_130 = tpu.memref_squeeze %dma_wait3A_129 : memref<1x64xi32, #tpu.memory_space<vmem>> -> memref<64xi32, #tpu.memory_space<vmem>>
    %dma_wait3A_131 = arith.constant 0 : i32
    %dma_wait3A_132 = arith.constant 0 : i32
    %dma_wait3A_133 = tpu.memref_slice %arg5[%dma_wait3A_131, %dma_wait3A_132] : memref<16384x768xf32, #tpu.memory_space<hbm>> -> memref<16384x768xf32, #tpu.memory_space<hbm>>
    tpu.wait_indirect_dma semaphore(%arg10 : memref<!tpu.dma_semaphore, #tpu.memory_space<semaphore_mem>>) src(%dma_wait3A_127 : memref<64x768xf32, #tpu.memory_space<vmem>>) dst(%dma_wait3A_133 : memref<16384x768xf32, #tpu.memory_space<hbm>>)
    %dma_wait3A_134 = arith.constant 1 : i32
    %dma_wait3A_135 = arith.constant 2 : i32
    %dma_wait3A_136 = arith.constant 0 : i32
    %dma_wait3A_137 = arith.constant 0 : i32
    %dma_wait3A_138 = tpu.memref_slice %arg6[%dma_wait3A_134, %dma_wait3A_136, %dma_wait3A_137] : memref<2x64x768xf32, #tpu.memory_space<vmem>> -> memref<1x64x768xf32, #tpu.memory_space<vmem>>
    %dma_wait3A_139 = tpu.memref_squeeze %dma_wait3A_138 : memref<1x64x768xf32, #tpu.memory_space<vmem>> -> memref<64x768xf32, #tpu.memory_space<vmem>>
    %dma_wait3A_140 = arith.constant 0 : i32
    %dma_wait3A_141 = tpu.memref_slice %arg7[%dma_wait3A_135, %dma_wait3A_140] : memref<4x64xi32, #tpu.memory_space<vmem>> -> memref<1x64xi32, #tpu.memory_space<vmem>>
    %dma_wait3A_142 = tpu.memref_squeeze %dma_wait3A_141 : memref<1x64xi32, #tpu.memory_space<vmem>> -> memref<64xi32, #tpu.memory_space<vmem>>
    %dma_wait3A_143 = arith.constant 0 : i32
    %dma_wait3A_144 = arith.constant 0 : i32
    %dma_wait3A_145 = tpu.memref_slice %arg5[%dma_wait3A_143, %dma_wait3A_144] : memref<16384x768xf32, #tpu.memory_space<hbm>> -> memref<16384x768xf32, #tpu.memory_space<hbm>>
    tpu.wait_indirect_dma semaphore(%arg9 : memref<!tpu.dma_semaphore, #tpu.memory_space<semaphore_mem>>) src(%dma_wait3A_139 : memref<64x768xf32, #tpu.memory_space<vmem>>) dst(%dma_wait3A_145 : memref<16384x768xf32, #tpu.memory_space<hbm>>)
    %dma_wait3A_146 = arith.constant 1 : i32
    %dma_wait3A_147 = arith.constant 3 : i32
    %dma_wait3A_148 = arith.constant 0 : i32
    %dma_wait3A_149 = arith.constant 0 : i32
    %dma_wait3A_150 = tpu.memref_slice %arg6[%dma_wait3A_146, %dma_wait3A_148, %dma_wait3A_149] : memref<2x64x768xf32, #tpu.memory_space<vmem>> -> memref<1x64x768xf32, #tpu.memory_space<vmem>>
    %dma_wait3A_151 = tpu.memref_squeeze %dma_wait3A_150 : memref<1x64x768xf32, #tpu.memory_space<vmem>> -> memref<64x768xf32, #tpu.memory_space<vmem>>
    %dma_wait3A_152 = arith.constant 0 : i32
    %dma_wait3A_153 = tpu.memref_slice %arg7[%dma_wait3A_147, %dma_wait3A_152] : memref<4x64xi32, #tpu.memory_space<vmem>> -> memref<1x64xi32, #tpu.memory_space<vmem>>
    %dma_wait3A_154 = tpu.memref_squeeze %dma_wait3A_153 : memref<1x64xi32, #tpu.memory_space<vmem>> -> memref<64xi32, #tpu.memory_space<vmem>>
    %dma_wait3A_155 = arith.constant 0 : i32
    %dma_wait3A_156 = arith.constant 0 : i32
    %dma_wait3A_157 = tpu.memref_slice %arg5[%dma_wait3A_155, %dma_wait3A_156] : memref<16384x768xf32, #tpu.memory_space<hbm>> -> memref<16384x768xf32, #tpu.memory_space<hbm>>
    tpu.wait_indirect_dma semaphore(%arg10 : memref<!tpu.dma_semaphore, #tpu.memory_space<semaphore_mem>>) src(%dma_wait3A_151 : memref<64x768xf32, #tpu.memory_space<vmem>>) dst(%dma_wait3A_157 : memref<16384x768xf32, #tpu.memory_space<hbm>>)
    return
  }
}

module attributes {stable_mosaic.version = 14 : i64} {
  func.func @_router_body(%arg0: i32, %arg1: memref<512x768xf32, #tpu.memory_space<vmem>>, %arg2: memref<768x16xf32, #tpu.memory_space<vmem>>, %arg3: memref<1x16xf32, #tpu.memory_space<vmem>>, %arg4: memref<512x8xf32, #tpu.memory_space<vmem>>, %arg5: memref<4096x2xf32, #tpu.memory_space<vmem>>, %arg6: memref<2x128xf32, #tpu.memory_space<vmem>>, %arg7: memref<1x16xf32, #tpu.memory_space<vmem>>, %arg8: memref<4096x8xf32, #tpu.memory_space<vmem>>) attributes {dimension_semantics = [#tpu.dimension_semantics<arbitrary>], iteration_bounds = array<i64: 8>, scalar_prefetch = 0 : i64, scratch_operands = 2 : i64, tpu.core_type = #tpu.core_type<tc>, window_params = [{transform_indices = @transform_0, window_bounds = array<i64: 512, 768>}, {pipeline_mode = #tpu.pipeline_mode<synchronous>, transform_indices = @transform_1, window_bounds = array<i64: 768, 16>}, {pipeline_mode = #tpu.pipeline_mode<synchronous>, transform_indices = @transform_2, window_bounds = array<i64: 1, 16>}, {transform_indices = @transform_3, window_bounds = array<i64: 512, 8>}, {pipeline_mode = #tpu.pipeline_mode<synchronous>, transform_indices = @transform_4, window_bounds = array<i64: 4096, 2>}, {pipeline_mode = #tpu.pipeline_mode<synchronous>, transform_indices = @transform_5, window_bounds = array<i64: 2, 128>}]} {
    %eq3A = arith.constant 0 : i32
    %eq3A_0 = arith.cmpi eq, %arg0, %eq3A : i32
    %convert_element_type3A = arith.extui %eq3A_0 : i1 to i32
    %cond3A = arith.constant 0 : i32
    %cond3A_1 = arith.cmpi ne, %convert_element_type3A, %cond3A : i32
    scf.if %cond3A_1 {
      %broadcast_in_dim3A_151 = arith.constant 0.000000e+00 : f32
      %broadcast_in_dim3A_152 = vector.broadcast %broadcast_in_dim3A_151 : f32 to vector<1x16xf32>
      %swap3A_153 = arith.constant 0 : index
      %swap3A_154 = arith.constant 0 : index
      %swap3A_155 = vector.load %arg7[%swap3A_153, %swap3A_154] : memref<1x16xf32, #tpu.memory_space<vmem>>, vector<1x16xf32>
      tpu.vector_store %arg7[%swap3A_153, %swap3A_154], %broadcast_in_dim3A_152 {strides = array<i32>} : memref<1x16xf32, #tpu.memory_space<vmem>>, vector<1x16xf32>,
    } else {
    }
    %get3A = arith.constant 0 : index
    %get3A_2 = arith.constant 0 : index
    %get3A_3 = vector.load %arg1[%get3A, %get3A_2] : memref<512x768xf32, #tpu.memory_space<vmem>>, vector<512x768xf32>
    %get3A_4 = arith.constant 0 : index
    %get3A_5 = arith.constant 0 : index
    %get3A_6 = vector.load %arg2[%get3A_4, %get3A_5] : memref<768x16xf32, #tpu.memory_space<vmem>>, vector<768x16xf32>
    %dot_general3A = arith.constant dense<0.000000e+00> : vector<512x16xf32>
    %dot_general3A_7 = tpu.matmul %get3A_3, %get3A_6, %dot_general3A {dimension_numbers = #tpu.dot_dimension_numbers<[1], [0], [0], [1], [0, 0, 1, 1], [], []>, transpose_lhs_hint = false} : vector<512x768xf32>, vector<768x16xf32>, vector<512x16xf32> -> vector<512x16xf32>
    %get3A_8 = arith.constant 0 : index
    %get3A_9 = arith.constant 0 : index
    %get3A_10 = vector.load %arg3[%get3A_8, %get3A_9] : memref<1x16xf32, #tpu.memory_space<vmem>>, vector<1x16xf32>
    %add3A = vector.broadcast %get3A_10 : vector<1x16xf32> to vector<512x16xf32>
    %add3A_11 = arith.addf %dot_general3A_7, %add3A : vector<512x16xf32>
    %iota3A = tpu.iota {dimensions = array<i32: 1>} : vector<512x16xi32>
    %reduce_max3A = arith.constant dense<0xFF800000> : vector<512xf32>
    %reduce_max3A_12 = vector.multi_reduction <maximumf>, %add3A_11, %reduce_max3A [1] : vector<512x16xf32> to vector<512xf32>
    %broadcast_in_dim3A = vector.shape_cast %reduce_max3A_12 : vector<512xf32> to vector<512x1xf32>
    %eq3A_13 = vector.broadcast %broadcast_in_dim3A : vector<512x1xf32> to vector<512x16xf32>
    %eq3A_14 = arith.cmpf oeq, %add3A_11, %eq3A_13 : vector<512x16xf32>
    %jit3A = arith.constant 16 : i32
    %broadcast_in_dim3A_15 = vector.broadcast %jit3A : i32 to vector<512x16xi32>
    %select_n3A = arith.select %eq3A_14, %iota3A, %broadcast_in_dim3A_15 : vector<512x16xi1>, vector<512x16xi32>
    %reduce_min3A = arith.constant dense<2147483647> : vector<512xi32>
    %reduce_min3A_16 = vector.multi_reduction <minsi>, %select_n3A, %reduce_min3A [1] : vector<512x16xi32> to vector<512xi32>
    %broadcast_in_dim3A_17 = vector.shape_cast %reduce_min3A_16 : vector<512xi32> to vector<512x1xi32>
    %eq3A_18 = vector.broadcast %broadcast_in_dim3A_17 : vector<512x1xi32> to vector<512x16xi32>
    %eq3A_19 = arith.cmpi eq, %iota3A, %eq3A_18 : vector<512x16xi32>
    %jit3A_20 = arith.constant 0xFF800000 : f32
    %broadcast_in_dim3A_21 = vector.broadcast %jit3A_20 : f32 to vector<512x16xf32>
    %select_n3A_22 = arith.select %eq3A_19, %broadcast_in_dim3A_21, %add3A_11 : vector<512x16xi1>, vector<512x16xf32>
    %reduce_max3A_23 = arith.constant dense<0xFF800000> : vector<512xf32>
    %reduce_max3A_24 = vector.multi_reduction <maximumf>, %select_n3A_22, %reduce_max3A_23 [1] : vector<512x16xf32> to vector<512xf32>
    %broadcast_in_dim3A_25 = vector.shape_cast %reduce_max3A_24 : vector<512xf32> to vector<512x1xf32>
    %eq3A_26 = vector.broadcast %broadcast_in_dim3A_25 : vector<512x1xf32> to vector<512x16xf32>
    %eq3A_27 = arith.cmpf oeq, %select_n3A_22, %eq3A_26 : vector<512x16xf32>
    %jit3A_28 = arith.constant 16 : i32
    %broadcast_in_dim3A_29 = vector.broadcast %jit3A_28 : i32 to vector<512x16xi32>
    %select_n3A_30 = arith.select %eq3A_27, %iota3A, %broadcast_in_dim3A_29 : vector<512x16xi1>, vector<512x16xi32>
    %reduce_min3A_31 = arith.constant dense<2147483647> : vector<512xi32>
    %reduce_min3A_32 = vector.multi_reduction <minsi>, %select_n3A_30, %reduce_min3A_31 [1] : vector<512x16xi32> to vector<512xi32>
    %broadcast_in_dim3A_33 = vector.shape_cast %reduce_min3A_32 : vector<512xi32> to vector<512x1xi32>
    %sub3A = arith.subf %broadcast_in_dim3A_25, %broadcast_in_dim3A : vector<512x1xf32>
    %exp3A = math.exp %sub3A : vector<512x1xf32>
    %add3A_34 = arith.constant 1.000000e+00 : f32
    %add3A_35 = vector.broadcast %add3A_34 : f32 to vector<512x1xf32>
    %add3A_36 = arith.addf %add3A_35, %exp3A : vector<512x1xf32>
    %div3A = arith.constant 1.000000e+00 : f32
    %div3A_37 = vector.broadcast %div3A : f32 to vector<512x1xf32>
    %div3A_38 = arith.divf %div3A_37, %add3A_36 : vector<512x1xf32>
    %add3A_39 = arith.constant 1.000000e+00 : f32
    %add3A_40 = vector.broadcast %add3A_39 : f32 to vector<512x1xf32>
    %add3A_41 = arith.addf %add3A_40, %exp3A : vector<512x1xf32>
    %div3A_42 = arith.divf %exp3A, %add3A_41 : vector<512x1xf32>
    %eq3A_43 = vector.broadcast %broadcast_in_dim3A_17 : vector<512x1xi32> to vector<512x16xi32>
    %eq3A_44 = arith.cmpi eq, %iota3A, %eq3A_43 : vector<512x16xi32>
    %convert_element_type3A_45 = arith.extui %eq3A_44 : vector<512x16xi1> to vector<512x16xi32>
    %convert_element_type3A_46 = arith.sitofp %convert_element_type3A_45 : vector<512x16xi32> to vector<512x16xf32>
    %eq3A_47 = vector.broadcast %broadcast_in_dim3A_33 : vector<512x1xi32> to vector<512x16xi32>
    %eq3A_48 = arith.cmpi eq, %iota3A, %eq3A_47 : vector<512x16xi32>
    %convert_element_type3A_49 = arith.extui %eq3A_48 : vector<512x16xi1> to vector<512x16xi32>
    %convert_element_type3A_50 = arith.sitofp %convert_element_type3A_49 : vector<512x16xi32> to vector<512x16xf32>
    %iota3A_51 = tpu.iota {dimensions = array<i32: 0>} : vector<512x512xi32>
    %iota3A_52 = tpu.iota {dimensions = array<i32: 1>} : vector<512x512xi32>
    %lt3A = arith.cmpi slt, %iota3A_52, %iota3A_51 : vector<512x512xi32>
    %convert_element_type3A_53 = arith.extui %lt3A : vector<512x512xi1> to vector<512x512xi32>
    %convert_element_type3A_54 = arith.sitofp %convert_element_type3A_53 : vector<512x512xi32> to vector<512x512xf32>
    %get3A_55 = arith.constant 0 : index
    %get3A_56 = arith.constant 0 : index
    %get3A_57 = vector.load %arg7[%get3A_55, %get3A_56] : memref<1x16xf32, #tpu.memory_space<vmem>>, vector<1x16xf32>
    %dot_general3A_58 = arith.constant dense<0.000000e+00> : vector<512x16xf32>
    %dot_general3A_59 = tpu.matmul %convert_element_type3A_54, %convert_element_type3A_46, %dot_general3A_58 {dimension_numbers = #tpu.dot_dimension_numbers<[1], [0], [0], [1], [0, 0, 1, 1], [], []>, transpose_lhs_hint = false} : vector<512x512xf32>, vector<512x16xf32>, vector<512x16xf32> -> vector<512x16xf32>
    %add3A_60 = vector.broadcast %get3A_57 : vector<1x16xf32> to vector<512x16xf32>
    %add3A_61 = arith.addf %dot_general3A_59, %add3A_60 : vector<512x16xf32>
    %mul3A = arith.mulf %add3A_61, %convert_element_type3A_46 : vector<512x16xf32>
    %reduce_sum3A = arith.constant dense<0.000000e+00> : vector<512xf32>
    %reduce_sum3A_62 = vector.multi_reduction <add>, %mul3A, %reduce_sum3A [1] : vector<512x16xf32> to vector<512xf32>
    %broadcast_in_dim3A_63 = vector.shape_cast %reduce_sum3A_62 : vector<512xf32> to vector<512x1xf32>
    %reduce_sum3A_64 = arith.constant dense<0.000000e+00> : vector<16xf32>
    %reduce_sum3A_65 = vector.multi_reduction <add>, %convert_element_type3A_46, %reduce_sum3A_64 [0] : vector<512x16xf32> to vector<16xf32>
    %broadcast_in_dim3A_66 = vector.shape_cast %reduce_sum3A_65 : vector<16xf32> to vector<1x16xf32>
    %add3A_67 = arith.addf %get3A_57, %broadcast_in_dim3A_66 : vector<1x16xf32>
    %dot_general3A_68 = arith.constant dense<0.000000e+00> : vector<512x16xf32>
    %dot_general3A_69 = tpu.matmul %convert_element_type3A_54, %convert_element_type3A_50, %dot_general3A_68 {dimension_numbers = #tpu.dot_dimension_numbers<[1], [0], [0], [1], [0, 0, 1, 1], [], []>, transpose_lhs_hint = false} : vector<512x512xf32>, vector<512x16xf32>, vector<512x16xf32> -> vector<512x16xf32>
    %add3A_70 = vector.broadcast %add3A_67 : vector<1x16xf32> to vector<512x16xf32>
    %add3A_71 = arith.addf %dot_general3A_69, %add3A_70 : vector<512x16xf32>
    %mul3A_72 = arith.mulf %add3A_71, %convert_element_type3A_50 : vector<512x16xf32>
    %reduce_sum3A_73 = arith.constant dense<0.000000e+00> : vector<512xf32>
    %reduce_sum3A_74 = vector.multi_reduction <add>, %mul3A_72, %reduce_sum3A_73 [1] : vector<512x16xf32> to vector<512xf32>
    %broadcast_in_dim3A_75 = vector.shape_cast %reduce_sum3A_74 : vector<512xf32> to vector<512x1xf32>
    %reduce_sum3A_76 = arith.constant dense<0.000000e+00> : vector<16xf32>
    %reduce_sum3A_77 = vector.multi_reduction <add>, %convert_element_type3A_50, %reduce_sum3A_76 [0] : vector<512x16xf32> to vector<16xf32>
    %broadcast_in_dim3A_78 = vector.shape_cast %reduce_sum3A_77 : vector<16xf32> to vector<1x16xf32>
    %add3A_79 = arith.addf %add3A_67, %broadcast_in_dim3A_78 : vector<1x16xf32>
    %swap3A = arith.constant 0 : index
    %swap3A_80 = arith.constant 0 : index
    %swap3A_81 = vector.load %arg7[%swap3A, %swap3A_80] : memref<1x16xf32, #tpu.memory_space<vmem>>, vector<1x16xf32>
    tpu.vector_store %arg7[%swap3A, %swap3A_80], %add3A_79 {strides = array<i32>} : memref<1x16xf32, #tpu.memory_space<vmem>>, vector<1x16xf32>,
    %iota3A_82 = tpu.iota {dimensions = array<i32: 1>} : vector<512x8xi32>
    %eq3A_83 = arith.constant 0 : i32
    %eq3A_84 = vector.broadcast %eq3A_83 : i32 to vector<512x8xi32>
    %eq3A_85 = arith.cmpi eq, %iota3A_82, %eq3A_84 : vector<512x8xi32>
    %convert_element_type3A_86 = arith.sitofp %broadcast_in_dim3A_17 : vector<512x1xi32> to vector<512x1xf32>
    %jit3A_87 = arith.constant 0.000000e+00 : f32
    %broadcast_in_dim3A_88 = vector.shape_cast %convert_element_type3A_86 : vector<512x1xf32> to vector<512x1xf32>
    %broadcast_in_dim3A_89 = vector.broadcast %broadcast_in_dim3A_88 : vector<512x1xf32> to vector<512x8xf32>
    %broadcast_in_dim3A_90 = vector.broadcast %jit3A_87 : f32 to vector<512x8xf32>
    %select_n3A_91 = arith.select %eq3A_85, %broadcast_in_dim3A_89, %broadcast_in_dim3A_90 : vector<512x8xi1>, vector<512x8xf32>
    %eq3A_92 = arith.constant 1 : i32
    %eq3A_93 = vector.broadcast %eq3A_92 : i32 to vector<512x8xi32>
    %eq3A_94 = arith.cmpi eq, %iota3A_82, %eq3A_93 : vector<512x8xi32>
    %convert_element_type3A_95 = arith.sitofp %broadcast_in_dim3A_33 : vector<512x1xi32> to vector<512x1xf32>
    %jit3A_96 = arith.constant 0.000000e+00 : f32
    %broadcast_in_dim3A_97 = vector.shape_cast %convert_element_type3A_95 : vector<512x1xf32> to vector<512x1xf32>
    %broadcast_in_dim3A_98 = vector.broadcast %broadcast_in_dim3A_97 : vector<512x1xf32> to vector<512x8xf32>
    %broadcast_in_dim3A_99 = vector.broadcast %jit3A_96 : f32 to vector<512x8xf32>
    %select_n3A_100 = arith.select %eq3A_94, %broadcast_in_dim3A_98, %broadcast_in_dim3A_99 : vector<512x8xi1>, vector<512x8xf32>
    %add3A_101 = arith.addf %select_n3A_91, %select_n3A_100 : vector<512x8xf32>
    %eq3A_102 = arith.constant 2 : i32
    %eq3A_103 = vector.broadcast %eq3A_102 : i32 to vector<512x8xi32>
    %eq3A_104 = arith.cmpi eq, %iota3A_82, %eq3A_103 : vector<512x8xi32>
    %jit3A_105 = arith.constant 0.000000e+00 : f32
    %broadcast_in_dim3A_106 = vector.shape_cast %div3A_38 : vector<512x1xf32> to vector<512x1xf32>
    %broadcast_in_dim3A_107 = vector.broadcast %broadcast_in_dim3A_106 : vector<512x1xf32> to vector<512x8xf32>
    %broadcast_in_dim3A_108 = vector.broadcast %jit3A_105 : f32 to vector<512x8xf32>
    %select_n3A_109 = arith.select %eq3A_104, %broadcast_in_dim3A_107, %broadcast_in_dim3A_108 : vector<512x8xi1>, vector<512x8xf32>
    %add3A_110 = arith.addf %add3A_101, %select_n3A_109 : vector<512x8xf32>
    %eq3A_111 = arith.constant 3 : i32
    %eq3A_112 = vector.broadcast %eq3A_111 : i32 to vector<512x8xi32>
    %eq3A_113 = arith.cmpi eq, %iota3A_82, %eq3A_112 : vector<512x8xi32>
    %jit3A_114 = arith.constant 0.000000e+00 : f32
    %broadcast_in_dim3A_115 = vector.shape_cast %div3A_42 : vector<512x1xf32> to vector<512x1xf32>
    %broadcast_in_dim3A_116 = vector.broadcast %broadcast_in_dim3A_115 : vector<512x1xf32> to vector<512x8xf32>
    %broadcast_in_dim3A_117 = vector.broadcast %jit3A_114 : f32 to vector<512x8xf32>
    %select_n3A_118 = arith.select %eq3A_113, %broadcast_in_dim3A_116, %broadcast_in_dim3A_117 : vector<512x8xi1>, vector<512x8xf32>
    %add3A_119 = arith.addf %add3A_110, %select_n3A_118 : vector<512x8xf32>
    %eq3A_120 = arith.constant 4 : i32
    %eq3A_121 = vector.broadcast %eq3A_120 : i32 to vector<512x8xi32>
    %eq3A_122 = arith.cmpi eq, %iota3A_82, %eq3A_121 : vector<512x8xi32>
    %jit3A_123 = arith.constant 0.000000e+00 : f32
    %broadcast_in_dim3A_124 = vector.shape_cast %broadcast_in_dim3A_63 : vector<512x1xf32> to vector<512x1xf32>
    %broadcast_in_dim3A_125 = vector.broadcast %broadcast_in_dim3A_124 : vector<512x1xf32> to vector<512x8xf32>
    %broadcast_in_dim3A_126 = vector.broadcast %jit3A_123 : f32 to vector<512x8xf32>
    %select_n3A_127 = arith.select %eq3A_122, %broadcast_in_dim3A_125, %broadcast_in_dim3A_126 : vector<512x8xi1>, vector<512x8xf32>
    %add3A_128 = arith.addf %add3A_119, %select_n3A_127 : vector<512x8xf32>
    %eq3A_129 = arith.constant 5 : i32
    %eq3A_130 = vector.broadcast %eq3A_129 : i32 to vector<512x8xi32>
    %eq3A_131 = arith.cmpi eq, %iota3A_82, %eq3A_130 : vector<512x8xi32>
    %jit3A_132 = arith.constant 0.000000e+00 : f32
    %broadcast_in_dim3A_133 = vector.shape_cast %broadcast_in_dim3A_75 : vector<512x1xf32> to vector<512x1xf32>
    %broadcast_in_dim3A_134 = vector.broadcast %broadcast_in_dim3A_133 : vector<512x1xf32> to vector<512x8xf32>
    %broadcast_in_dim3A_135 = vector.broadcast %jit3A_132 : f32 to vector<512x8xf32>
    %select_n3A_136 = arith.select %eq3A_131, %broadcast_in_dim3A_134, %broadcast_in_dim3A_135 : vector<512x8xi1>, vector<512x8xf32>
    %add3A_137 = arith.addf %add3A_128, %select_n3A_136 : vector<512x8xf32>
    %swap3A_138 = arith.constant 0 : index
    %swap3A_139 = arith.constant 0 : index
    %swap3A_140 = vector.load %arg4[%swap3A_138, %swap3A_139] : memref<512x8xf32, #tpu.memory_space<vmem>>, vector<512x8xf32>
    tpu.vector_store %arg4[%swap3A_138, %swap3A_139], %add3A_137 {strides = array<i32>} : memref<512x8xf32, #tpu.memory_space<vmem>>, vector<512x8xf32>,
    %mul3A_141 = arith.constant 512 : i32
    %mul3A_142 = arith.muli %arg0, %mul3A_141 : i32
    %swap3A_143 = arith.index_cast %mul3A_142 : i32 to index
    %swap3A_144 = arith.constant 0 : index
    %swap3A_145 = vector.load %arg8[%swap3A_143, %swap3A_144] : memref<4096x8xf32, #tpu.memory_space<vmem>>, vector<512x8xf32>
    tpu.vector_store %arg8[%swap3A_143, %swap3A_144], %add3A_137 {strides = array<i32>} : memref<4096x8xf32, #tpu.memory_space<vmem>>, vector<512x8xf32>,
    %eq3A_146 = arith.constant 7 : i32
    %eq3A_147 = arith.cmpi eq, %arg0, %eq3A_146 : i32
    %convert_element_type3A_148 = arith.extui %eq3A_147 : i1 to i32
    %cond3A_149 = arith.constant 0 : i32
    %cond3A_150 = arith.cmpi ne, %convert_element_type3A_148, %cond3A_149 : i32
    scf.if %cond3A_150 {
      %add3A_151 = arith.constant 5.110000e+02 : f32
      %add3A_152 = vector.broadcast %add3A_151 : f32 to vector<1x16xf32>
      %add3A_153 = arith.addf %add3A_79, %add3A_152 : vector<1x16xf32>
      %mul3A_154 = arith.constant 0.001953125 : f32
      %mul3A_155 = vector.broadcast %mul3A_154 : f32 to vector<1x16xf32>
      %mul3A_156 = arith.mulf %add3A_153, %mul3A_155 : vector<1x16xf32>
      %floor3A = math.floor %mul3A_156 : vector<1x16xf32>
      %mul3A_157 = arith.constant 5.120000e+02 : f32
      %mul3A_158 = vector.broadcast %mul3A_157 : f32 to vector<1x16xf32>
      %mul3A_159 = arith.mulf %floor3A, %mul3A_158 : vector<1x16xf32>
      %iota3A_160 = tpu.iota {dimensions = array<i32: 0>} : vector<16x16xi32>
      %iota3A_161 = tpu.iota {dimensions = array<i32: 1>} : vector<16x16xi32>
      %lt3A_162 = arith.cmpi slt, %iota3A_160, %iota3A_161 : vector<16x16xi32>
      %convert_element_type3A_163 = arith.extui %lt3A_162 : vector<16x16xi1> to vector<16x16xi32>
      %convert_element_type3A_164 = arith.sitofp %convert_element_type3A_163 : vector<16x16xi32> to vector<16x16xf32>
      %dot_general3A_165 = arith.constant dense<0.000000e+00> : vector<1x16xf32>
      %dot_general3A_166 = tpu.matmul %mul3A_159, %convert_element_type3A_164, %dot_general3A_165 {dimension_numbers = #tpu.dot_dimension_numbers<[1], [0], [0], [1], [0, 0, 1, 1], [], []>, transpose_lhs_hint = false} : vector<1x16xf32>, vector<16x16xf32>, vector<1x16xf32> -> vector<1x16xf32>
      %iota3A_167 = tpu.iota {dimensions = array<i32: 1>} : vector<1x128xi32>
      %convert_element_type3A_168 = arith.sitofp %iota3A_167 : vector<1x128xi32> to vector<1x128xf32>
      %mul3A_169 = arith.constant 5.120000e+02 : f32
      %mul3A_170 = vector.broadcast %mul3A_169 : f32 to vector<1x128xf32>
      %mul3A_171 = arith.mulf %convert_element_type3A_168, %mul3A_170 : vector<1x128xf32>
      %broadcast_in_dim3A_172 = arith.constant 0.000000e+00 : f32
      %broadcast_in_dim3A_173 = vector.broadcast %broadcast_in_dim3A_172 : f32 to vector<1x128xf32>
      %slice3A = vector.extract_strided_slice %dot_general3A_166 {offsets = [0, 0], sizes = [1, 1], strides = [1, 1]} : vector<1x16xf32> to vector<1x1xf32>
      %ge3A = vector.broadcast %slice3A : vector<1x1xf32> to vector<1x128xf32>
      %ge3A_174 = arith.cmpf oge, %mul3A_171, %ge3A : vector<1x128xf32>
      %convert_element_type3A_175 = arith.extui %ge3A_174 : vector<1x128xi1> to vector<1x128xi32>
      %convert_element_type3A_176 = arith.sitofp %convert_element_type3A_175 : vector<1x128xi32> to vector<1x128xf32>
      %add3A_177 = arith.addf %broadcast_in_dim3A_173, %convert_element_type3A_176 : vector<1x128xf32>
      %slice3A_178 = vector.extract_strided_slice %dot_general3A_166 {offsets = [0, 1], sizes = [1, 1], strides = [1, 1]} : vector<1x16xf32> to vector<1x1xf32>
      %ge3A_179 = vector.broadcast %slice3A_178 : vector<1x1xf32> to vector<1x128xf32>
      %ge3A_180 = arith.cmpf oge, %mul3A_171, %ge3A_179 : vector<1x128xf32>
      %convert_element_type3A_181 = arith.extui %ge3A_180 : vector<1x128xi1> to vector<1x128xi32>
      %convert_element_type3A_182 = arith.sitofp %convert_element_type3A_181 : vector<1x128xi32> to vector<1x128xf32>
      %add3A_183 = arith.addf %add3A_177, %convert_element_type3A_182 : vector<1x128xf32>
      %slice3A_184 = vector.extract_strided_slice %dot_general3A_166 {offsets = [0, 2], sizes = [1, 1], strides = [1, 1]} : vector<1x16xf32> to vector<1x1xf32>
      %ge3A_185 = vector.broadcast %slice3A_184 : vector<1x1xf32> to vector<1x128xf32>
      %ge3A_186 = arith.cmpf oge, %mul3A_171, %ge3A_185 : vector<1x128xf32>
      %convert_element_type3A_187 = arith.extui %ge3A_186 : vector<1x128xi1> to vector<1x128xi32>
      %convert_element_type3A_188 = arith.sitofp %convert_element_type3A_187 : vector<1x128xi32> to vector<1x128xf32>
      %add3A_189 = arith.addf %add3A_183, %convert_element_type3A_188 : vector<1x128xf32>
      %slice3A_190 = vector.extract_strided_slice %dot_general3A_166 {offsets = [0, 3], sizes = [1, 1], strides = [1, 1]} : vector<1x16xf32> to vector<1x1xf32>
      %ge3A_191 = vector.broadcast %slice3A_190 : vector<1x1xf32> to vector<1x128xf32>
      %ge3A_192 = arith.cmpf oge, %mul3A_171, %ge3A_191 : vector<1x128xf32>
      %convert_element_type3A_193 = arith.extui %ge3A_192 : vector<1x128xi1> to vector<1x128xi32>
      %convert_element_type3A_194 = arith.sitofp %convert_element_type3A_193 : vector<1x128xi32> to vector<1x128xf32>
      %add3A_195 = arith.addf %add3A_189, %convert_element_type3A_194 : vector<1x128xf32>
      %slice3A_196 = vector.extract_strided_slice %dot_general3A_166 {offsets = [0, 4], sizes = [1, 1], strides = [1, 1]} : vector<1x16xf32> to vector<1x1xf32>
      %ge3A_197 = vector.broadcast %slice3A_196 : vector<1x1xf32> to vector<1x128xf32>
      %ge3A_198 = arith.cmpf oge, %mul3A_171, %ge3A_197 : vector<1x128xf32>
      %convert_element_type3A_199 = arith.extui %ge3A_198 : vector<1x128xi1> to vector<1x128xi32>
      %convert_element_type3A_200 = arith.sitofp %convert_element_type3A_199 : vector<1x128xi32> to vector<1x128xf32>
      %add3A_201 = arith.addf %add3A_195, %convert_element_type3A_200 : vector<1x128xf32>
      %slice3A_202 = vector.extract_strided_slice %dot_general3A_166 {offsets = [0, 5], sizes = [1, 1], strides = [1, 1]} : vector<1x16xf32> to vector<1x1xf32>
      %ge3A_203 = vector.broadcast %slice3A_202 : vector<1x1xf32> to vector<1x128xf32>
      %ge3A_204 = arith.cmpf oge, %mul3A_171, %ge3A_203 : vector<1x128xf32>
      %convert_element_type3A_205 = arith.extui %ge3A_204 : vector<1x128xi1> to vector<1x128xi32>
      %convert_element_type3A_206 = arith.sitofp %convert_element_type3A_205 : vector<1x128xi32> to vector<1x128xf32>
      %add3A_207 = arith.addf %add3A_201, %convert_element_type3A_206 : vector<1x128xf32>
      %slice3A_208 = vector.extract_strided_slice %dot_general3A_166 {offsets = [0, 6], sizes = [1, 1], strides = [1, 1]} : vector<1x16xf32> to vector<1x1xf32>
      %ge3A_209 = vector.broadcast %slice3A_208 : vector<1x1xf32> to vector<1x128xf32>
      %ge3A_210 = arith.cmpf oge, %mul3A_171, %ge3A_209 : vector<1x128xf32>
      %convert_element_type3A_211 = arith.extui %ge3A_210 : vector<1x128xi1> to vector<1x128xi32>
      %convert_element_type3A_212 = arith.sitofp %convert_element_type3A_211 : vector<1x128xi32> to vector<1x128xf32>
      %add3A_213 = arith.addf %add3A_207, %convert_element_type3A_212 : vector<1x128xf32>
      %slice3A_214 = vector.extract_strided_slice %dot_general3A_166 {offsets = [0, 7], sizes = [1, 1], strides = [1, 1]} : vector<1x16xf32> to vector<1x1xf32>
      %ge3A_215 = vector.broadcast %slice3A_214 : vector<1x1xf32> to vector<1x128xf32>
      %ge3A_216 = arith.cmpf oge, %mul3A_171, %ge3A_215 : vector<1x128xf32>
      %convert_element_type3A_217 = arith.extui %ge3A_216 : vector<1x128xi1> to vector<1x128xi32>
      %convert_element_type3A_218 = arith.sitofp %convert_element_type3A_217 : vector<1x128xi32> to vector<1x128xf32>
      %add3A_219 = arith.addf %add3A_213, %convert_element_type3A_218 : vector<1x128xf32>
      %slice3A_220 = vector.extract_strided_slice %dot_general3A_166 {offsets = [0, 8], sizes = [1, 1], strides = [1, 1]} : vector<1x16xf32> to vector<1x1xf32>
      %ge3A_221 = vector.broadcast %slice3A_220 : vector<1x1xf32> to vector<1x128xf32>
      %ge3A_222 = arith.cmpf oge, %mul3A_171, %ge3A_221 : vector<1x128xf32>
      %convert_element_type3A_223 = arith.extui %ge3A_222 : vector<1x128xi1> to vector<1x128xi32>
      %convert_element_type3A_224 = arith.sitofp %convert_element_type3A_223 : vector<1x128xi32> to vector<1x128xf32>
      %add3A_225 = arith.addf %add3A_219, %convert_element_type3A_224 : vector<1x128xf32>
      %slice3A_226 = vector.extract_strided_slice %dot_general3A_166 {offsets = [0, 9], sizes = [1, 1], strides = [1, 1]} : vector<1x16xf32> to vector<1x1xf32>
      %ge3A_227 = vector.broadcast %slice3A_226 : vector<1x1xf32> to vector<1x128xf32>
      %ge3A_228 = arith.cmpf oge, %mul3A_171, %ge3A_227 : vector<1x128xf32>
      %convert_element_type3A_229 = arith.extui %ge3A_228 : vector<1x128xi1> to vector<1x128xi32>
      %convert_element_type3A_230 = arith.sitofp %convert_element_type3A_229 : vector<1x128xi32> to vector<1x128xf32>
      %add3A_231 = arith.addf %add3A_225, %convert_element_type3A_230 : vector<1x128xf32>
      %slice3A_232 = vector.extract_strided_slice %dot_general3A_166 {offsets = [0, 10], sizes = [1, 1], strides = [1, 1]} : vector<1x16xf32> to vector<1x1xf32>
      %ge3A_233 = vector.broadcast %slice3A_232 : vector<1x1xf32> to vector<1x128xf32>
      %ge3A_234 = arith.cmpf oge, %mul3A_171, %ge3A_233 : vector<1x128xf32>
      %convert_element_type3A_235 = arith.extui %ge3A_234 : vector<1x128xi1> to vector<1x128xi32>
      %convert_element_type3A_236 = arith.sitofp %convert_element_type3A_235 : vector<1x128xi32> to vector<1x128xf32>
      %add3A_237 = arith.addf %add3A_231, %convert_element_type3A_236 : vector<1x128xf32>
      %slice3A_238 = vector.extract_strided_slice %dot_general3A_166 {offsets = [0, 11], sizes = [1, 1], strides = [1, 1]} : vector<1x16xf32> to vector<1x1xf32>
      %ge3A_239 = vector.broadcast %slice3A_238 : vector<1x1xf32> to vector<1x128xf32>
      %ge3A_240 = arith.cmpf oge, %mul3A_171, %ge3A_239 : vector<1x128xf32>
      %convert_element_type3A_241 = arith.extui %ge3A_240 : vector<1x128xi1> to vector<1x128xi32>
      %convert_element_type3A_242 = arith.sitofp %convert_element_type3A_241 : vector<1x128xi32> to vector<1x128xf32>
      %add3A_243 = arith.addf %add3A_237, %convert_element_type3A_242 : vector<1x128xf32>
      %slice3A_244 = vector.extract_strided_slice %dot_general3A_166 {offsets = [0, 12], sizes = [1, 1], strides = [1, 1]} : vector<1x16xf32> to vector<1x1xf32>
      %ge3A_245 = vector.broadcast %slice3A_244 : vector<1x1xf32> to vector<1x128xf32>
      %ge3A_246 = arith.cmpf oge, %mul3A_171, %ge3A_245 : vector<1x128xf32>
      %convert_element_type3A_247 = arith.extui %ge3A_246 : vector<1x128xi1> to vector<1x128xi32>
      %convert_element_type3A_248 = arith.sitofp %convert_element_type3A_247 : vector<1x128xi32> to vector<1x128xf32>
      %add3A_249 = arith.addf %add3A_243, %convert_element_type3A_248 : vector<1x128xf32>
      %slice3A_250 = vector.extract_strided_slice %dot_general3A_166 {offsets = [0, 13], sizes = [1, 1], strides = [1, 1]} : vector<1x16xf32> to vector<1x1xf32>
      %ge3A_251 = vector.broadcast %slice3A_250 : vector<1x1xf32> to vector<1x128xf32>
      %ge3A_252 = arith.cmpf oge, %mul3A_171, %ge3A_251 : vector<1x128xf32>
      %convert_element_type3A_253 = arith.extui %ge3A_252 : vector<1x128xi1> to vector<1x128xi32>
      %convert_element_type3A_254 = arith.sitofp %convert_element_type3A_253 : vector<1x128xi32> to vector<1x128xf32>
      %add3A_255 = arith.addf %add3A_249, %convert_element_type3A_254 : vector<1x128xf32>
      %slice3A_256 = vector.extract_strided_slice %dot_general3A_166 {offsets = [0, 14], sizes = [1, 1], strides = [1, 1]} : vector<1x16xf32> to vector<1x1xf32>
      %ge3A_257 = vector.broadcast %slice3A_256 : vector<1x1xf32> to vector<1x128xf32>
      %ge3A_258 = arith.cmpf oge, %mul3A_171, %ge3A_257 : vector<1x128xf32>
      %convert_element_type3A_259 = arith.extui %ge3A_258 : vector<1x128xi1> to vector<1x128xi32>
      %convert_element_type3A_260 = arith.sitofp %convert_element_type3A_259 : vector<1x128xi32> to vector<1x128xf32>
      %add3A_261 = arith.addf %add3A_255, %convert_element_type3A_260 : vector<1x128xf32>
      %slice3A_262 = vector.extract_strided_slice %dot_general3A_166 {offsets = [0, 15], sizes = [1, 1], strides = [1, 1]} : vector<1x16xf32> to vector<1x1xf32>
      %ge3A_263 = vector.broadcast %slice3A_262 : vector<1x1xf32> to vector<1x128xf32>
      %ge3A_264 = arith.cmpf oge, %mul3A_171, %ge3A_263 : vector<1x128xf32>
      %convert_element_type3A_265 = arith.extui %ge3A_264 : vector<1x128xi1> to vector<1x128xi32>
      %convert_element_type3A_266 = arith.sitofp %convert_element_type3A_265 : vector<1x128xi32> to vector<1x128xf32>
      %add3A_267 = arith.addf %add3A_261, %convert_element_type3A_266 : vector<1x128xf32>
      %slice3A_268 = vector.extract_strided_slice %dot_general3A_166 {offsets = [0, 15], sizes = [1, 1], strides = [1, 1]} : vector<1x16xf32> to vector<1x1xf32>
      %slice3A_269 = vector.extract_strided_slice %mul3A_159 {offsets = [0, 15], sizes = [1, 1], strides = [1, 1]} : vector<1x16xf32> to vector<1x1xf32>
      %add3A_270 = arith.addf %slice3A_268, %slice3A_269 : vector<1x1xf32>
      %lt3A_271 = vector.broadcast %add3A_270 : vector<1x1xf32> to vector<1x128xf32>
      %lt3A_272 = arith.cmpf olt, %mul3A_171, %lt3A_271 : vector<1x128xf32>
      %convert_element_type3A_273 = arith.extui %lt3A_272 : vector<1x128xi1> to vector<1x128xi32>
      %convert_element_type3A_274 = arith.sitofp %convert_element_type3A_273 : vector<1x128xi32> to vector<1x128xf32>
      %iota3A_275 = tpu.iota {dimensions = array<i32: 0>} : vector<2x128xi32>
      %eq3A_276 = arith.constant 0 : i32
      %eq3A_277 = vector.broadcast %eq3A_276 : i32 to vector<2x128xi32>
      %eq3A_278 = arith.cmpi eq, %iota3A_275, %eq3A_277 : vector<2x128xi32>
      %sub3A_279 = arith.constant 1.000000e+00 : f32
      %sub3A_280 = vector.broadcast %sub3A_279 : f32 to vector<1x128xf32>
      %sub3A_281 = arith.subf %add3A_267, %sub3A_280 : vector<1x128xf32>
      %broadcast_in_dim3A_282 = vector.shape_cast %sub3A_281 : vector<1x128xf32> to vector<1x128xf32>
      %broadcast_in_dim3A_283 = vector.broadcast %broadcast_in_dim3A_282 : vector<1x128xf32> to vector<2x128xf32>
      %broadcast_in_dim3A_284 = vector.shape_cast %convert_element_type3A_274 : vector<1x128xf32> to vector<1x128xf32>
      %broadcast_in_dim3A_285 = vector.broadcast %broadcast_in_dim3A_284 : vector<1x128xf32> to vector<2x128xf32>
      %select_n3A_286 = arith.select %eq3A_278, %broadcast_in_dim3A_283, %broadcast_in_dim3A_285 : vector<2x128xi1>, vector<2x128xf32>
      %swap3A_287 = arith.constant 0 : index
      %swap3A_288 = arith.constant 0 : index
      %swap3A_289 = vector.load %arg6[%swap3A_287, %swap3A_288] : memref<2x128xf32, #tpu.memory_space<vmem>>, vector<2x128xf32>
      tpu.vector_store %arg6[%swap3A_287, %swap3A_288], %select_n3A_286 {strides = array<i32>} : memref<2x128xf32, #tpu.memory_space<vmem>>, vector<2x128xf32>,
      %iota3A_290 = tpu.iota {dimensions = array<i32: 1>} : vector<512x8xi32>
      %iota3A_291 = tpu.iota {dimensions = array<i32: 1>} : vector<512x2xi32>
      %iota3A_292 = tpu.iota {dimensions = array<i32: 1>} : vector<512x16xi32>
      %convert_element_type3A_293 = arith.sitofp %iota3A_292 : vector<512x16xi32> to vector<512x16xf32>
      %get3A_294 = arith.constant 0 : index
      %get3A_295 = arith.constant 0 : index
      %get3A_296 = vector.load %arg8[%get3A_294, %get3A_295] : memref<4096x8xf32, #tpu.memory_space<vmem>>, vector<512x8xf32>
      %eq3A_297 = arith.constant 0 : i32
      %eq3A_298 = vector.broadcast %eq3A_297 : i32 to vector<512x8xi32>
      %eq3A_299 = arith.cmpi eq, %iota3A_290, %eq3A_298 : vector<512x8xi32>
      %jit3A_300 = arith.constant 0.000000e+00 : f32
      %broadcast_in_dim3A_301 = vector.broadcast %jit3A_300 : f32 to vector<512x8xf32>
      %select_n3A_302 = arith.select %eq3A_299, %get3A_296, %broadcast_in_dim3A_301 : vector<512x8xi1>, vector<512x8xf32>
      %reduce_sum3A_303 = arith.constant dense<0.000000e+00> : vector<512xf32>
      %reduce_sum3A_304 = vector.multi_reduction <add>, %select_n3A_302, %reduce_sum3A_303 [1] : vector<512x8xf32> to vector<512xf32>
      %broadcast_in_dim3A_305 = vector.shape_cast %reduce_sum3A_304 : vector<512xf32> to vector<512x1xf32>
      %eq3A_306 = arith.constant 1 : i32
      %eq3A_307 = vector.broadcast %eq3A_306 : i32 to vector<512x8xi32>
      %eq3A_308 = arith.cmpi eq, %iota3A_290, %eq3A_307 : vector<512x8xi32>
      %jit3A_309 = arith.constant 0.000000e+00 : f32
      %broadcast_in_dim3A_310 = vector.broadcast %jit3A_309 : f32 to vector<512x8xf32>
      %select_n3A_311 = arith.select %eq3A_308, %get3A_296, %broadcast_in_dim3A_310 : vector<512x8xi1>, vector<512x8xf32>
      %reduce_sum3A_312 = arith.constant dense<0.000000e+00> : vector<512xf32>
      %reduce_sum3A_313 = vector.multi_reduction <add>, %select_n3A_311, %reduce_sum3A_312 [1] : vector<512x8xf32> to vector<512xf32>
      %broadcast_in_dim3A_314 = vector.shape_cast %reduce_sum3A_313 : vector<512xf32> to vector<512x1xf32>
      %eq3A_315 = arith.constant 4 : i32
      %eq3A_316 = vector.broadcast %eq3A_315 : i32 to vector<512x8xi32>
      %eq3A_317 = arith.cmpi eq, %iota3A_290, %eq3A_316 : vector<512x8xi32>
      %jit3A_318 = arith.constant 0.000000e+00 : f32
      %broadcast_in_dim3A_319 = vector.broadcast %jit3A_318 : f32 to vector<512x8xf32>
      %select_n3A_320 = arith.select %eq3A_317, %get3A_296, %broadcast_in_dim3A_319 : vector<512x8xi1>, vector<512x8xf32>
      %reduce_sum3A_321 = arith.constant dense<0.000000e+00> : vector<512xf32>
      %reduce_sum3A_322 = vector.multi_reduction <add>, %select_n3A_320, %reduce_sum3A_321 [1] : vector<512x8xf32> to vector<512xf32>
      %broadcast_in_dim3A_323 = vector.shape_cast %reduce_sum3A_322 : vector<512xf32> to vector<512x1xf32>
      %eq3A_324 = arith.constant 5 : i32
      %eq3A_325 = vector.broadcast %eq3A_324 : i32 to vector<512x8xi32>
      %eq3A_326 = arith.cmpi eq, %iota3A_290, %eq3A_325 : vector<512x8xi32>
      %jit3A_327 = arith.constant 0.000000e+00 : f32
      %broadcast_in_dim3A_328 = vector.broadcast %jit3A_327 : f32 to vector<512x8xf32>
      %select_n3A_329 = arith.select %eq3A_326, %get3A_296, %broadcast_in_dim3A_328 : vector<512x8xi1>, vector<512x8xf32>
      %reduce_sum3A_330 = arith.constant dense<0.000000e+00> : vector<512xf32>
      %reduce_sum3A_331 = vector.multi_reduction <add>, %select_n3A_329, %reduce_sum3A_330 [1] : vector<512x8xf32> to vector<512xf32>
      %broadcast_in_dim3A_332 = vector.shape_cast %reduce_sum3A_331 : vector<512xf32> to vector<512x1xf32>
      %eq3A_333 = vector.broadcast %broadcast_in_dim3A_305 : vector<512x1xf32> to vector<512x16xf32>
      %eq3A_334 = arith.cmpf oeq, %convert_element_type3A_293, %eq3A_333 : vector<512x16xf32>
      %jit3A_335 = arith.constant 0.000000e+00 : f32
      %broadcast_in_dim3A_336 = vector.shape_cast %dot_general3A_166 : vector<1x16xf32> to vector<1x16xf32>
      %broadcast_in_dim3A_337 = vector.broadcast %broadcast_in_dim3A_336 : vector<1x16xf32> to vector<512x16xf32>
      %broadcast_in_dim3A_338 = vector.broadcast %jit3A_335 : f32 to vector<512x16xf32>
      %select_n3A_339 = arith.select %eq3A_334, %broadcast_in_dim3A_337, %broadcast_in_dim3A_338 : vector<512x16xi1>, vector<512x16xf32>
      %reduce_sum3A_340 = arith.constant dense<0.000000e+00> : vector<512xf32>
      %reduce_sum3A_341 = vector.multi_reduction <add>, %select_n3A_339, %reduce_sum3A_340 [1] : vector<512x16xf32> to vector<512xf32>
      %broadcast_in_dim3A_342 = vector.shape_cast %reduce_sum3A_341 : vector<512xf32> to vector<512x1xf32>
      %eq3A_343 = vector.broadcast %broadcast_in_dim3A_314 : vector<512x1xf32> to vector<512x16xf32>
      %eq3A_344 = arith.cmpf oeq, %convert_element_type3A_293, %eq3A_343 : vector<512x16xf32>
      %jit3A_345 = arith.constant 0.000000e+00 : f32
      %broadcast_in_dim3A_346 = vector.shape_cast %dot_general3A_166 : vector<1x16xf32> to vector<1x16xf32>
      %broadcast_in_dim3A_347 = vector.broadcast %broadcast_in_dim3A_346 : vector<1x16xf32> to vector<512x16xf32>
      %broadcast_in_dim3A_348 = vector.broadcast %jit3A_345 : f32 to vector<512x16xf32>
      %select_n3A_349 = arith.select %eq3A_344, %broadcast_in_dim3A_347, %broadcast_in_dim3A_348 : vector<512x16xi1>, vector<512x16xf32>
      %reduce_sum3A_350 = arith.constant dense<0.000000e+00> : vector<512xf32>
      %reduce_sum3A_351 = vector.multi_reduction <add>, %select_n3A_349, %reduce_sum3A_350 [1] : vector<512x16xf32> to vector<512xf32>
      %broadcast_in_dim3A_352 = vector.shape_cast %reduce_sum3A_351 : vector<512xf32> to vector<512x1xf32>
      %eq3A_353 = arith.constant 0 : i32
      %eq3A_354 = vector.broadcast %eq3A_353 : i32 to vector<512x2xi32>
      %eq3A_355 = arith.cmpi eq, %iota3A_291, %eq3A_354 : vector<512x2xi32>
      %add3A_356 = arith.addf %broadcast_in_dim3A_342, %broadcast_in_dim3A_323 : vector<512x1xf32>
      %add3A_357 = arith.addf %broadcast_in_dim3A_352, %broadcast_in_dim3A_332 : vector<512x1xf32>
      %broadcast_in_dim3A_358 = vector.shape_cast %add3A_356 : vector<512x1xf32> to vector<512x1xf32>
      %broadcast_in_dim3A_359 = vector.broadcast %broadcast_in_dim3A_358 : vector<512x1xf32> to vector<512x2xf32>
      %broadcast_in_dim3A_360 = vector.shape_cast %add3A_357 : vector<512x1xf32> to vector<512x1xf32>
      %broadcast_in_dim3A_361 = vector.broadcast %broadcast_in_dim3A_360 : vector<512x1xf32> to vector<512x2xf32>
      %select_n3A_362 = arith.select %eq3A_355, %broadcast_in_dim3A_359, %broadcast_in_dim3A_361 : vector<512x2xi1>, vector<512x2xf32>
      %swap3A_363 = arith.constant 0 : index
      %swap3A_364 = arith.constant 0 : index
      %swap3A_365 = vector.load %arg5[%swap3A_363, %swap3A_364] : memref<4096x2xf32, #tpu.memory_space<vmem>>, vector<512x2xf32>
      tpu.vector_store %arg5[%swap3A_363, %swap3A_364], %select_n3A_362 {strides = array<i32>} : memref<4096x2xf32, #tpu.memory_space<vmem>>, vector<512x2xf32>,
      %get3A_366 = arith.constant 512 : index
      %get3A_367 = arith.constant 0 : index
      %get3A_368 = vector.load %arg8[%get3A_366, %get3A_367] : memref<4096x8xf32, #tpu.memory_space<vmem>>, vector<512x8xf32>
      %eq3A_369 = arith.constant 0 : i32
      %eq3A_370 = vector.broadcast %eq3A_369 : i32 to vector<512x8xi32>
      %eq3A_371 = arith.cmpi eq, %iota3A_290, %eq3A_370 : vector<512x8xi32>
      %jit3A_372 = arith.constant 0.000000e+00 : f32
      %broadcast_in_dim3A_373 = vector.broadcast %jit3A_372 : f32 to vector<512x8xf32>
      %select_n3A_374 = arith.select %eq3A_371, %get3A_368, %broadcast_in_dim3A_373 : vector<512x8xi1>, vector<512x8xf32>
      %reduce_sum3A_375 = arith.constant dense<0.000000e+00> : vector<512xf32>
      %reduce_sum3A_376 = vector.multi_reduction <add>, %select_n3A_374, %reduce_sum3A_375 [1] : vector<512x8xf32> to vector<512xf32>
      %broadcast_in_dim3A_377 = vector.shape_cast %reduce_sum3A_376 : vector<512xf32> to vector<512x1xf32>
      %eq3A_378 = arith.constant 1 : i32
      %eq3A_379 = vector.broadcast %eq3A_378 : i32 to vector<512x8xi32>
      %eq3A_380 = arith.cmpi eq, %iota3A_290, %eq3A_379 : vector<512x8xi32>
      %jit3A_381 = arith.constant 0.000000e+00 : f32
      %broadcast_in_dim3A_382 = vector.broadcast %jit3A_381 : f32 to vector<512x8xf32>
      %select_n3A_383 = arith.select %eq3A_380, %get3A_368, %broadcast_in_dim3A_382 : vector<512x8xi1>, vector<512x8xf32>
      %reduce_sum3A_384 = arith.constant dense<0.000000e+00> : vector<512xf32>
      %reduce_sum3A_385 = vector.multi_reduction <add>, %select_n3A_383, %reduce_sum3A_384 [1] : vector<512x8xf32> to vector<512xf32>
      %broadcast_in_dim3A_386 = vector.shape_cast %reduce_sum3A_385 : vector<512xf32> to vector<512x1xf32>
      %eq3A_387 = arith.constant 4 : i32
      %eq3A_388 = vector.broadcast %eq3A_387 : i32 to vector<512x8xi32>
      %eq3A_389 = arith.cmpi eq, %iota3A_290, %eq3A_388 : vector<512x8xi32>
      %jit3A_390 = arith.constant 0.000000e+00 : f32
      %broadcast_in_dim3A_391 = vector.broadcast %jit3A_390 : f32 to vector<512x8xf32>
      %select_n3A_392 = arith.select %eq3A_389, %get3A_368, %broadcast_in_dim3A_391 : vector<512x8xi1>, vector<512x8xf32>
      %reduce_sum3A_393 = arith.constant dense<0.000000e+00> : vector<512xf32>
      %reduce_sum3A_394 = vector.multi_reduction <add>, %select_n3A_392, %reduce_sum3A_393 [1] : vector<512x8xf32> to vector<512xf32>
      %broadcast_in_dim3A_395 = vector.shape_cast %reduce_sum3A_394 : vector<512xf32> to vector<512x1xf32>
      %eq3A_396 = arith.constant 5 : i32
      %eq3A_397 = vector.broadcast %eq3A_396 : i32 to vector<512x8xi32>
      %eq3A_398 = arith.cmpi eq, %iota3A_290, %eq3A_397 : vector<512x8xi32>
      %jit3A_399 = arith.constant 0.000000e+00 : f32
      %broadcast_in_dim3A_400 = vector.broadcast %jit3A_399 : f32 to vector<512x8xf32>
      %select_n3A_401 = arith.select %eq3A_398, %get3A_368, %broadcast_in_dim3A_400 : vector<512x8xi1>, vector<512x8xf32>
      %reduce_sum3A_402 = arith.constant dense<0.000000e+00> : vector<512xf32>
      %reduce_sum3A_403 = vector.multi_reduction <add>, %select_n3A_401, %reduce_sum3A_402 [1] : vector<512x8xf32> to vector<512xf32>
      %broadcast_in_dim3A_404 = vector.shape_cast %reduce_sum3A_403 : vector<512xf32> to vector<512x1xf32>
      %eq3A_405 = vector.broadcast %broadcast_in_dim3A_377 : vector<512x1xf32> to vector<512x16xf32>
      %eq3A_406 = arith.cmpf oeq, %convert_element_type3A_293, %eq3A_405 : vector<512x16xf32>
      %jit3A_407 = arith.constant 0.000000e+00 : f32
      %broadcast_in_dim3A_408 = vector.shape_cast %dot_general3A_166 : vector<1x16xf32> to vector<1x16xf32>
      %broadcast_in_dim3A_409 = vector.broadcast %broadcast_in_dim3A_408 : vector<1x16xf32> to vector<512x16xf32>
      %broadcast_in_dim3A_410 = vector.broadcast %jit3A_407 : f32 to vector<512x16xf32>
      %select_n3A_411 = arith.select %eq3A_406, %broadcast_in_dim3A_409, %broadcast_in_dim3A_410 : vector<512x16xi1>, vector<512x16xf32>
      %reduce_sum3A_412 = arith.constant dense<0.000000e+00> : vector<512xf32>
      %reduce_sum3A_413 = vector.multi_reduction <add>, %select_n3A_411, %reduce_sum3A_412 [1] : vector<512x16xf32> to vector<512xf32>
      %broadcast_in_dim3A_414 = vector.shape_cast %reduce_sum3A_413 : vector<512xf32> to vector<512x1xf32>
      %eq3A_415 = vector.broadcast %broadcast_in_dim3A_386 : vector<512x1xf32> to vector<512x16xf32>
      %eq3A_416 = arith.cmpf oeq, %convert_element_type3A_293, %eq3A_415 : vector<512x16xf32>
      %jit3A_417 = arith.constant 0.000000e+00 : f32
      %broadcast_in_dim3A_418 = vector.shape_cast %dot_general3A_166 : vector<1x16xf32> to vector<1x16xf32>
      %broadcast_in_dim3A_419 = vector.broadcast %broadcast_in_dim3A_418 : vector<1x16xf32> to vector<512x16xf32>
      %broadcast_in_dim3A_420 = vector.broadcast %jit3A_417 : f32 to vector<512x16xf32>
      %select_n3A_421 = arith.select %eq3A_416, %broadcast_in_dim3A_419, %broadcast_in_dim3A_420 : vector<512x16xi1>, vector<512x16xf32>
      %reduce_sum3A_422 = arith.constant dense<0.000000e+00> : vector<512xf32>
      %reduce_sum3A_423 = vector.multi_reduction <add>, %select_n3A_421, %reduce_sum3A_422 [1] : vector<512x16xf32> to vector<512xf32>
      %broadcast_in_dim3A_424 = vector.shape_cast %reduce_sum3A_423 : vector<512xf32> to vector<512x1xf32>
      %eq3A_425 = arith.constant 0 : i32
      %eq3A_426 = vector.broadcast %eq3A_425 : i32 to vector<512x2xi32>
      %eq3A_427 = arith.cmpi eq, %iota3A_291, %eq3A_426 : vector<512x2xi32>
      %add3A_428 = arith.addf %broadcast_in_dim3A_414, %broadcast_in_dim3A_395 : vector<512x1xf32>
      %add3A_429 = arith.addf %broadcast_in_dim3A_424, %broadcast_in_dim3A_404 : vector<512x1xf32>
      %broadcast_in_dim3A_430 = vector.shape_cast %add3A_428 : vector<512x1xf32> to vector<512x1xf32>
      %broadcast_in_dim3A_431 = vector.broadcast %broadcast_in_dim3A_430 : vector<512x1xf32> to vector<512x2xf32>
      %broadcast_in_dim3A_432 = vector.shape_cast %add3A_429 : vector<512x1xf32> to vector<512x1xf32>
      %broadcast_in_dim3A_433 = vector.broadcast %broadcast_in_dim3A_432 : vector<512x1xf32> to vector<512x2xf32>
      %select_n3A_434 = arith.select %eq3A_427, %broadcast_in_dim3A_431, %broadcast_in_dim3A_433 : vector<512x2xi1>, vector<512x2xf32>
      %swap3A_435 = arith.constant 512 : index
      %swap3A_436 = arith.constant 0 : index
      %swap3A_437 = vector.load %arg5[%swap3A_435, %swap3A_436] : memref<4096x2xf32, #tpu.memory_space<vmem>>, vector<512x2xf32>
      tpu.vector_store %arg5[%swap3A_435, %swap3A_436], %select_n3A_434 {strides = array<i32>} : memref<4096x2xf32, #tpu.memory_space<vmem>>, vector<512x2xf32>,
      %get3A_438 = arith.constant 1024 : index
      %get3A_439 = arith.constant 0 : index
      %get3A_440 = vector.load %arg8[%get3A_438, %get3A_439] : memref<4096x8xf32, #tpu.memory_space<vmem>>, vector<512x8xf32>
      %eq3A_441 = arith.constant 0 : i32
      %eq3A_442 = vector.broadcast %eq3A_441 : i32 to vector<512x8xi32>
      %eq3A_443 = arith.cmpi eq, %iota3A_290, %eq3A_442 : vector<512x8xi32>
      %jit3A_444 = arith.constant 0.000000e+00 : f32
      %broadcast_in_dim3A_445 = vector.broadcast %jit3A_444 : f32 to vector<512x8xf32>
      %select_n3A_446 = arith.select %eq3A_443, %get3A_440, %broadcast_in_dim3A_445 : vector<512x8xi1>, vector<512x8xf32>
      %reduce_sum3A_447 = arith.constant dense<0.000000e+00> : vector<512xf32>
      %reduce_sum3A_448 = vector.multi_reduction <add>, %select_n3A_446, %reduce_sum3A_447 [1] : vector<512x8xf32> to vector<512xf32>
      %broadcast_in_dim3A_449 = vector.shape_cast %reduce_sum3A_448 : vector<512xf32> to vector<512x1xf32>
      %eq3A_450 = arith.constant 1 : i32
      %eq3A_451 = vector.broadcast %eq3A_450 : i32 to vector<512x8xi32>
      %eq3A_452 = arith.cmpi eq, %iota3A_290, %eq3A_451 : vector<512x8xi32>
      %jit3A_453 = arith.constant 0.000000e+00 : f32
      %broadcast_in_dim3A_454 = vector.broadcast %jit3A_453 : f32 to vector<512x8xf32>
      %select_n3A_455 = arith.select %eq3A_452, %get3A_440, %broadcast_in_dim3A_454 : vector<512x8xi1>, vector<512x8xf32>
      %reduce_sum3A_456 = arith.constant dense<0.000000e+00> : vector<512xf32>
      %reduce_sum3A_457 = vector.multi_reduction <add>, %select_n3A_455, %reduce_sum3A_456 [1] : vector<512x8xf32> to vector<512xf32>
      %broadcast_in_dim3A_458 = vector.shape_cast %reduce_sum3A_457 : vector<512xf32> to vector<512x1xf32>
      %eq3A_459 = arith.constant 4 : i32
      %eq3A_460 = vector.broadcast %eq3A_459 : i32 to vector<512x8xi32>
      %eq3A_461 = arith.cmpi eq, %iota3A_290, %eq3A_460 : vector<512x8xi32>
      %jit3A_462 = arith.constant 0.000000e+00 : f32
      %broadcast_in_dim3A_463 = vector.broadcast %jit3A_462 : f32 to vector<512x8xf32>
      %select_n3A_464 = arith.select %eq3A_461, %get3A_440, %broadcast_in_dim3A_463 : vector<512x8xi1>, vector<512x8xf32>
      %reduce_sum3A_465 = arith.constant dense<0.000000e+00> : vector<512xf32>
      %reduce_sum3A_466 = vector.multi_reduction <add>, %select_n3A_464, %reduce_sum3A_465 [1] : vector<512x8xf32> to vector<512xf32>
      %broadcast_in_dim3A_467 = vector.shape_cast %reduce_sum3A_466 : vector<512xf32> to vector<512x1xf32>
      %eq3A_468 = arith.constant 5 : i32
      %eq3A_469 = vector.broadcast %eq3A_468 : i32 to vector<512x8xi32>
      %eq3A_470 = arith.cmpi eq, %iota3A_290, %eq3A_469 : vector<512x8xi32>
      %jit3A_471 = arith.constant 0.000000e+00 : f32
      %broadcast_in_dim3A_472 = vector.broadcast %jit3A_471 : f32 to vector<512x8xf32>
      %select_n3A_473 = arith.select %eq3A_470, %get3A_440, %broadcast_in_dim3A_472 : vector<512x8xi1>, vector<512x8xf32>
      %reduce_sum3A_474 = arith.constant dense<0.000000e+00> : vector<512xf32>
      %reduce_sum3A_475 = vector.multi_reduction <add>, %select_n3A_473, %reduce_sum3A_474 [1] : vector<512x8xf32> to vector<512xf32>
      %broadcast_in_dim3A_476 = vector.shape_cast %reduce_sum3A_475 : vector<512xf32> to vector<512x1xf32>
      %eq3A_477 = vector.broadcast %broadcast_in_dim3A_449 : vector<512x1xf32> to vector<512x16xf32>
      %eq3A_478 = arith.cmpf oeq, %convert_element_type3A_293, %eq3A_477 : vector<512x16xf32>
      %jit3A_479 = arith.constant 0.000000e+00 : f32
      %broadcast_in_dim3A_480 = vector.shape_cast %dot_general3A_166 : vector<1x16xf32> to vector<1x16xf32>
      %broadcast_in_dim3A_481 = vector.broadcast %broadcast_in_dim3A_480 : vector<1x16xf32> to vector<512x16xf32>
      %broadcast_in_dim3A_482 = vector.broadcast %jit3A_479 : f32 to vector<512x16xf32>
      %select_n3A_483 = arith.select %eq3A_478, %broadcast_in_dim3A_481, %broadcast_in_dim3A_482 : vector<512x16xi1>, vector<512x16xf32>
      %reduce_sum3A_484 = arith.constant dense<0.000000e+00> : vector<512xf32>
      %reduce_sum3A_485 = vector.multi_reduction <add>, %select_n3A_483, %reduce_sum3A_484 [1] : vector<512x16xf32> to vector<512xf32>
      %broadcast_in_dim3A_486 = vector.shape_cast %reduce_sum3A_485 : vector<512xf32> to vector<512x1xf32>
      %eq3A_487 = vector.broadcast %broadcast_in_dim3A_458 : vector<512x1xf32> to vector<512x16xf32>
      %eq3A_488 = arith.cmpf oeq, %convert_element_type3A_293, %eq3A_487 : vector<512x16xf32>
      %jit3A_489 = arith.constant 0.000000e+00 : f32
      %broadcast_in_dim3A_490 = vector.shape_cast %dot_general3A_166 : vector<1x16xf32> to vector<1x16xf32>
      %broadcast_in_dim3A_491 = vector.broadcast %broadcast_in_dim3A_490 : vector<1x16xf32> to vector<512x16xf32>
      %broadcast_in_dim3A_492 = vector.broadcast %jit3A_489 : f32 to vector<512x16xf32>
      %select_n3A_493 = arith.select %eq3A_488, %broadcast_in_dim3A_491, %broadcast_in_dim3A_492 : vector<512x16xi1>, vector<512x16xf32>
      %reduce_sum3A_494 = arith.constant dense<0.000000e+00> : vector<512xf32>
      %reduce_sum3A_495 = vector.multi_reduction <add>, %select_n3A_493, %reduce_sum3A_494 [1] : vector<512x16xf32> to vector<512xf32>
      %broadcast_in_dim3A_496 = vector.shape_cast %reduce_sum3A_495 : vector<512xf32> to vector<512x1xf32>
      %eq3A_497 = arith.constant 0 : i32
      %eq3A_498 = vector.broadcast %eq3A_497 : i32 to vector<512x2xi32>
      %eq3A_499 = arith.cmpi eq, %iota3A_291, %eq3A_498 : vector<512x2xi32>
      %add3A_500 = arith.addf %broadcast_in_dim3A_486, %broadcast_in_dim3A_467 : vector<512x1xf32>
      %add3A_501 = arith.addf %broadcast_in_dim3A_496, %broadcast_in_dim3A_476 : vector<512x1xf32>
      %broadcast_in_dim3A_502 = vector.shape_cast %add3A_500 : vector<512x1xf32> to vector<512x1xf32>
      %broadcast_in_dim3A_503 = vector.broadcast %broadcast_in_dim3A_502 : vector<512x1xf32> to vector<512x2xf32>
      %broadcast_in_dim3A_504 = vector.shape_cast %add3A_501 : vector<512x1xf32> to vector<512x1xf32>
      %broadcast_in_dim3A_505 = vector.broadcast %broadcast_in_dim3A_504 : vector<512x1xf32> to vector<512x2xf32>
      %select_n3A_506 = arith.select %eq3A_499, %broadcast_in_dim3A_503, %broadcast_in_dim3A_505 : vector<512x2xi1>, vector<512x2xf32>
      %swap3A_507 = arith.constant 1024 : index
      %swap3A_508 = arith.constant 0 : index
      %swap3A_509 = vector.load %arg5[%swap3A_507, %swap3A_508] : memref<4096x2xf32, #tpu.memory_space<vmem>>, vector<512x2xf32>
      tpu.vector_store %arg5[%swap3A_507, %swap3A_508], %select_n3A_506 {strides = array<i32>} : memref<4096x2xf32, #tpu.memory_space<vmem>>, vector<512x2xf32>,
      %get3A_510 = arith.constant 1536 : index
      %get3A_511 = arith.constant 0 : index
      %get3A_512 = vector.load %arg8[%get3A_510, %get3A_511] : memref<4096x8xf32, #tpu.memory_space<vmem>>, vector<512x8xf32>
      %eq3A_513 = arith.constant 0 : i32
      %eq3A_514 = vector.broadcast %eq3A_513 : i32 to vector<512x8xi32>
      %eq3A_515 = arith.cmpi eq, %iota3A_290, %eq3A_514 : vector<512x8xi32>
      %jit3A_516 = arith.constant 0.000000e+00 : f32
      %broadcast_in_dim3A_517 = vector.broadcast %jit3A_516 : f32 to vector<512x8xf32>
      %select_n3A_518 = arith.select %eq3A_515, %get3A_512, %broadcast_in_dim3A_517 : vector<512x8xi1>, vector<512x8xf32>
      %reduce_sum3A_519 = arith.constant dense<0.000000e+00> : vector<512xf32>
      %reduce_sum3A_520 = vector.multi_reduction <add>, %select_n3A_518, %reduce_sum3A_519 [1] : vector<512x8xf32> to vector<512xf32>
      %broadcast_in_dim3A_521 = vector.shape_cast %reduce_sum3A_520 : vector<512xf32> to vector<512x1xf32>
      %eq3A_522 = arith.constant 1 : i32
      %eq3A_523 = vector.broadcast %eq3A_522 : i32 to vector<512x8xi32>
      %eq3A_524 = arith.cmpi eq, %iota3A_290, %eq3A_523 : vector<512x8xi32>
      %jit3A_525 = arith.constant 0.000000e+00 : f32
      %broadcast_in_dim3A_526 = vector.broadcast %jit3A_525 : f32 to vector<512x8xf32>
      %select_n3A_527 = arith.select %eq3A_524, %get3A_512, %broadcast_in_dim3A_526 : vector<512x8xi1>, vector<512x8xf32>
      %reduce_sum3A_528 = arith.constant dense<0.000000e+00> : vector<512xf32>
      %reduce_sum3A_529 = vector.multi_reduction <add>, %select_n3A_527, %reduce_sum3A_528 [1] : vector<512x8xf32> to vector<512xf32>
      %broadcast_in_dim3A_530 = vector.shape_cast %reduce_sum3A_529 : vector<512xf32> to vector<512x1xf32>
      %eq3A_531 = arith.constant 4 : i32
      %eq3A_532 = vector.broadcast %eq3A_531 : i32 to vector<512x8xi32>
      %eq3A_533 = arith.cmpi eq, %iota3A_290, %eq3A_532 : vector<512x8xi32>
      %jit3A_534 = arith.constant 0.000000e+00 : f32
      %broadcast_in_dim3A_535 = vector.broadcast %jit3A_534 : f32 to vector<512x8xf32>
      %select_n3A_536 = arith.select %eq3A_533, %get3A_512, %broadcast_in_dim3A_535 : vector<512x8xi1>, vector<512x8xf32>
      %reduce_sum3A_537 = arith.constant dense<0.000000e+00> : vector<512xf32>
      %reduce_sum3A_538 = vector.multi_reduction <add>, %select_n3A_536, %reduce_sum3A_537 [1] : vector<512x8xf32> to vector<512xf32>
      %broadcast_in_dim3A_539 = vector.shape_cast %reduce_sum3A_538 : vector<512xf32> to vector<512x1xf32>
      %eq3A_540 = arith.constant 5 : i32
      %eq3A_541 = vector.broadcast %eq3A_540 : i32 to vector<512x8xi32>
      %eq3A_542 = arith.cmpi eq, %iota3A_290, %eq3A_541 : vector<512x8xi32>
      %jit3A_543 = arith.constant 0.000000e+00 : f32
      %broadcast_in_dim3A_544 = vector.broadcast %jit3A_543 : f32 to vector<512x8xf32>
      %select_n3A_545 = arith.select %eq3A_542, %get3A_512, %broadcast_in_dim3A_544 : vector<512x8xi1>, vector<512x8xf32>
      %reduce_sum3A_546 = arith.constant dense<0.000000e+00> : vector<512xf32>
      %reduce_sum3A_547 = vector.multi_reduction <add>, %select_n3A_545, %reduce_sum3A_546 [1] : vector<512x8xf32> to vector<512xf32>
      %broadcast_in_dim3A_548 = vector.shape_cast %reduce_sum3A_547 : vector<512xf32> to vector<512x1xf32>
      %eq3A_549 = vector.broadcast %broadcast_in_dim3A_521 : vector<512x1xf32> to vector<512x16xf32>
      %eq3A_550 = arith.cmpf oeq, %convert_element_type3A_293, %eq3A_549 : vector<512x16xf32>
      %jit3A_551 = arith.constant 0.000000e+00 : f32
      %broadcast_in_dim3A_552 = vector.shape_cast %dot_general3A_166 : vector<1x16xf32> to vector<1x16xf32>
      %broadcast_in_dim3A_553 = vector.broadcast %broadcast_in_dim3A_552 : vector<1x16xf32> to vector<512x16xf32>
      %broadcast_in_dim3A_554 = vector.broadcast %jit3A_551 : f32 to vector<512x16xf32>
      %select_n3A_555 = arith.select %eq3A_550, %broadcast_in_dim3A_553, %broadcast_in_dim3A_554 : vector<512x16xi1>, vector<512x16xf32>
      %reduce_sum3A_556 = arith.constant dense<0.000000e+00> : vector<512xf32>
      %reduce_sum3A_557 = vector.multi_reduction <add>, %select_n3A_555, %reduce_sum3A_556 [1] : vector<512x16xf32> to vector<512xf32>
      %broadcast_in_dim3A_558 = vector.shape_cast %reduce_sum3A_557 : vector<512xf32> to vector<512x1xf32>
      %eq3A_559 = vector.broadcast %broadcast_in_dim3A_530 : vector<512x1xf32> to vector<512x16xf32>
      %eq3A_560 = arith.cmpf oeq, %convert_element_type3A_293, %eq3A_559 : vector<512x16xf32>
      %jit3A_561 = arith.constant 0.000000e+00 : f32
      %broadcast_in_dim3A_562 = vector.shape_cast %dot_general3A_166 : vector<1x16xf32> to vector<1x16xf32>
      %broadcast_in_dim3A_563 = vector.broadcast %broadcast_in_dim3A_562 : vector<1x16xf32> to vector<512x16xf32>
      %broadcast_in_dim3A_564 = vector.broadcast %jit3A_561 : f32 to vector<512x16xf32>
      %select_n3A_565 = arith.select %eq3A_560, %broadcast_in_dim3A_563, %broadcast_in_dim3A_564 : vector<512x16xi1>, vector<512x16xf32>
      %reduce_sum3A_566 = arith.constant dense<0.000000e+00> : vector<512xf32>
      %reduce_sum3A_567 = vector.multi_reduction <add>, %select_n3A_565, %reduce_sum3A_566 [1] : vector<512x16xf32> to vector<512xf32>
      %broadcast_in_dim3A_568 = vector.shape_cast %reduce_sum3A_567 : vector<512xf32> to vector<512x1xf32>
      %eq3A_569 = arith.constant 0 : i32
      %eq3A_570 = vector.broadcast %eq3A_569 : i32 to vector<512x2xi32>
      %eq3A_571 = arith.cmpi eq, %iota3A_291, %eq3A_570 : vector<512x2xi32>
      %add3A_572 = arith.addf %broadcast_in_dim3A_558, %broadcast_in_dim3A_539 : vector<512x1xf32>
      %add3A_573 = arith.addf %broadcast_in_dim3A_568, %broadcast_in_dim3A_548 : vector<512x1xf32>
      %broadcast_in_dim3A_574 = vector.shape_cast %add3A_572 : vector<512x1xf32> to vector<512x1xf32>
      %broadcast_in_dim3A_575 = vector.broadcast %broadcast_in_dim3A_574 : vector<512x1xf32> to vector<512x2xf32>
      %broadcast_in_dim3A_576 = vector.shape_cast %add3A_573 : vector<512x1xf32> to vector<512x1xf32>
      %broadcast_in_dim3A_577 = vector.broadcast %broadcast_in_dim3A_576 : vector<512x1xf32> to vector<512x2xf32>
      %select_n3A_578 = arith.select %eq3A_571, %broadcast_in_dim3A_575, %broadcast_in_dim3A_577 : vector<512x2xi1>, vector<512x2xf32>
      %swap3A_579 = arith.constant 1536 : index
      %swap3A_580 = arith.constant 0 : index
      %swap3A_581 = vector.load %arg5[%swap3A_579, %swap3A_580] : memref<4096x2xf32, #tpu.memory_space<vmem>>, vector<512x2xf32>
      tpu.vector_store %arg5[%swap3A_579, %swap3A_580], %select_n3A_578 {strides = array<i32>} : memref<4096x2xf32, #tpu.memory_space<vmem>>, vector<512x2xf32>,
      %get3A_582 = arith.constant 2048 : index
      %get3A_583 = arith.constant 0 : index
      %get3A_584 = vector.load %arg8[%get3A_582, %get3A_583] : memref<4096x8xf32, #tpu.memory_space<vmem>>, vector<512x8xf32>
      %eq3A_585 = arith.constant 0 : i32
      %eq3A_586 = vector.broadcast %eq3A_585 : i32 to vector<512x8xi32>
      %eq3A_587 = arith.cmpi eq, %iota3A_290, %eq3A_586 : vector<512x8xi32>
      %jit3A_588 = arith.constant 0.000000e+00 : f32
      %broadcast_in_dim3A_589 = vector.broadcast %jit3A_588 : f32 to vector<512x8xf32>
      %select_n3A_590 = arith.select %eq3A_587, %get3A_584, %broadcast_in_dim3A_589 : vector<512x8xi1>, vector<512x8xf32>
      %reduce_sum3A_591 = arith.constant dense<0.000000e+00> : vector<512xf32>
      %reduce_sum3A_592 = vector.multi_reduction <add>, %select_n3A_590, %reduce_sum3A_591 [1] : vector<512x8xf32> to vector<512xf32>
      %broadcast_in_dim3A_593 = vector.shape_cast %reduce_sum3A_592 : vector<512xf32> to vector<512x1xf32>
      %eq3A_594 = arith.constant 1 : i32
      %eq3A_595 = vector.broadcast %eq3A_594 : i32 to vector<512x8xi32>
      %eq3A_596 = arith.cmpi eq, %iota3A_290, %eq3A_595 : vector<512x8xi32>
      %jit3A_597 = arith.constant 0.000000e+00 : f32
      %broadcast_in_dim3A_598 = vector.broadcast %jit3A_597 : f32 to vector<512x8xf32>
      %select_n3A_599 = arith.select %eq3A_596, %get3A_584, %broadcast_in_dim3A_598 : vector<512x8xi1>, vector<512x8xf32>
      %reduce_sum3A_600 = arith.constant dense<0.000000e+00> : vector<512xf32>
      %reduce_sum3A_601 = vector.multi_reduction <add>, %select_n3A_599, %reduce_sum3A_600 [1] : vector<512x8xf32> to vector<512xf32>
      %broadcast_in_dim3A_602 = vector.shape_cast %reduce_sum3A_601 : vector<512xf32> to vector<512x1xf32>
      %eq3A_603 = arith.constant 4 : i32
      %eq3A_604 = vector.broadcast %eq3A_603 : i32 to vector<512x8xi32>
      %eq3A_605 = arith.cmpi eq, %iota3A_290, %eq3A_604 : vector<512x8xi32>
      %jit3A_606 = arith.constant 0.000000e+00 : f32
      %broadcast_in_dim3A_607 = vector.broadcast %jit3A_606 : f32 to vector<512x8xf32>
      %select_n3A_608 = arith.select %eq3A_605, %get3A_584, %broadcast_in_dim3A_607 : vector<512x8xi1>, vector<512x8xf32>
      %reduce_sum3A_609 = arith.constant dense<0.000000e+00> : vector<512xf32>
      %reduce_sum3A_610 = vector.multi_reduction <add>, %select_n3A_608, %reduce_sum3A_609 [1] : vector<512x8xf32> to vector<512xf32>
      %broadcast_in_dim3A_611 = vector.shape_cast %reduce_sum3A_610 : vector<512xf32> to vector<512x1xf32>
      %eq3A_612 = arith.constant 5 : i32
      %eq3A_613 = vector.broadcast %eq3A_612 : i32 to vector<512x8xi32>
      %eq3A_614 = arith.cmpi eq, %iota3A_290, %eq3A_613 : vector<512x8xi32>
      %jit3A_615 = arith.constant 0.000000e+00 : f32
      %broadcast_in_dim3A_616 = vector.broadcast %jit3A_615 : f32 to vector<512x8xf32>
      %select_n3A_617 = arith.select %eq3A_614, %get3A_584, %broadcast_in_dim3A_616 : vector<512x8xi1>, vector<512x8xf32>
      %reduce_sum3A_618 = arith.constant dense<0.000000e+00> : vector<512xf32>
      %reduce_sum3A_619 = vector.multi_reduction <add>, %select_n3A_617, %reduce_sum3A_618 [1] : vector<512x8xf32> to vector<512xf32>
      %broadcast_in_dim3A_620 = vector.shape_cast %reduce_sum3A_619 : vector<512xf32> to vector<512x1xf32>
      %eq3A_621 = vector.broadcast %broadcast_in_dim3A_593 : vector<512x1xf32> to vector<512x16xf32>
      %eq3A_622 = arith.cmpf oeq, %convert_element_type3A_293, %eq3A_621 : vector<512x16xf32>
      %jit3A_623 = arith.constant 0.000000e+00 : f32
      %broadcast_in_dim3A_624 = vector.shape_cast %dot_general3A_166 : vector<1x16xf32> to vector<1x16xf32>
      %broadcast_in_dim3A_625 = vector.broadcast %broadcast_in_dim3A_624 : vector<1x16xf32> to vector<512x16xf32>
      %broadcast_in_dim3A_626 = vector.broadcast %jit3A_623 : f32 to vector<512x16xf32>
      %select_n3A_627 = arith.select %eq3A_622, %broadcast_in_dim3A_625, %broadcast_in_dim3A_626 : vector<512x16xi1>, vector<512x16xf32>
      %reduce_sum3A_628 = arith.constant dense<0.000000e+00> : vector<512xf32>
      %reduce_sum3A_629 = vector.multi_reduction <add>, %select_n3A_627, %reduce_sum3A_628 [1] : vector<512x16xf32> to vector<512xf32>
      %broadcast_in_dim3A_630 = vector.shape_cast %reduce_sum3A_629 : vector<512xf32> to vector<512x1xf32>
      %eq3A_631 = vector.broadcast %broadcast_in_dim3A_602 : vector<512x1xf32> to vector<512x16xf32>
      %eq3A_632 = arith.cmpf oeq, %convert_element_type3A_293, %eq3A_631 : vector<512x16xf32>
      %jit3A_633 = arith.constant 0.000000e+00 : f32
      %broadcast_in_dim3A_634 = vector.shape_cast %dot_general3A_166 : vector<1x16xf32> to vector<1x16xf32>
      %broadcast_in_dim3A_635 = vector.broadcast %broadcast_in_dim3A_634 : vector<1x16xf32> to vector<512x16xf32>
      %broadcast_in_dim3A_636 = vector.broadcast %jit3A_633 : f32 to vector<512x16xf32>
      %select_n3A_637 = arith.select %eq3A_632, %broadcast_in_dim3A_635, %broadcast_in_dim3A_636 : vector<512x16xi1>, vector<512x16xf32>
      %reduce_sum3A_638 = arith.constant dense<0.000000e+00> : vector<512xf32>
      %reduce_sum3A_639 = vector.multi_reduction <add>, %select_n3A_637, %reduce_sum3A_638 [1] : vector<512x16xf32> to vector<512xf32>
      %broadcast_in_dim3A_640 = vector.shape_cast %reduce_sum3A_639 : vector<512xf32> to vector<512x1xf32>
      %eq3A_641 = arith.constant 0 : i32
      %eq3A_642 = vector.broadcast %eq3A_641 : i32 to vector<512x2xi32>
      %eq3A_643 = arith.cmpi eq, %iota3A_291, %eq3A_642 : vector<512x2xi32>
      %add3A_644 = arith.addf %broadcast_in_dim3A_630, %broadcast_in_dim3A_611 : vector<512x1xf32>
      %add3A_645 = arith.addf %broadcast_in_dim3A_640, %broadcast_in_dim3A_620 : vector<512x1xf32>
      %broadcast_in_dim3A_646 = vector.shape_cast %add3A_644 : vector<512x1xf32> to vector<512x1xf32>
      %broadcast_in_dim3A_647 = vector.broadcast %broadcast_in_dim3A_646 : vector<512x1xf32> to vector<512x2xf32>
      %broadcast_in_dim3A_648 = vector.shape_cast %add3A_645 : vector<512x1xf32> to vector<512x1xf32>
      %broadcast_in_dim3A_649 = vector.broadcast %broadcast_in_dim3A_648 : vector<512x1xf32> to vector<512x2xf32>
      %select_n3A_650 = arith.select %eq3A_643, %broadcast_in_dim3A_647, %broadcast_in_dim3A_649 : vector<512x2xi1>, vector<512x2xf32>
      %swap3A_651 = arith.constant 2048 : index
      %swap3A_652 = arith.constant 0 : index
      %swap3A_653 = vector.load %arg5[%swap3A_651, %swap3A_652] : memref<4096x2xf32, #tpu.memory_space<vmem>>, vector<512x2xf32>
      tpu.vector_store %arg5[%swap3A_651, %swap3A_652], %select_n3A_650 {strides = array<i32>} : memref<4096x2xf32, #tpu.memory_space<vmem>>, vector<512x2xf32>,
      %get3A_654 = arith.constant 2560 : index
      %get3A_655 = arith.constant 0 : index
      %get3A_656 = vector.load %arg8[%get3A_654, %get3A_655] : memref<4096x8xf32, #tpu.memory_space<vmem>>, vector<512x8xf32>
      %eq3A_657 = arith.constant 0 : i32
      %eq3A_658 = vector.broadcast %eq3A_657 : i32 to vector<512x8xi32>
      %eq3A_659 = arith.cmpi eq, %iota3A_290, %eq3A_658 : vector<512x8xi32>
      %jit3A_660 = arith.constant 0.000000e+00 : f32
      %broadcast_in_dim3A_661 = vector.broadcast %jit3A_660 : f32 to vector<512x8xf32>
      %select_n3A_662 = arith.select %eq3A_659, %get3A_656, %broadcast_in_dim3A_661 : vector<512x8xi1>, vector<512x8xf32>
      %reduce_sum3A_663 = arith.constant dense<0.000000e+00> : vector<512xf32>
      %reduce_sum3A_664 = vector.multi_reduction <add>, %select_n3A_662, %reduce_sum3A_663 [1] : vector<512x8xf32> to vector<512xf32>
      %broadcast_in_dim3A_665 = vector.shape_cast %reduce_sum3A_664 : vector<512xf32> to vector<512x1xf32>
      %eq3A_666 = arith.constant 1 : i32
      %eq3A_667 = vector.broadcast %eq3A_666 : i32 to vector<512x8xi32>
      %eq3A_668 = arith.cmpi eq, %iota3A_290, %eq3A_667 : vector<512x8xi32>
      %jit3A_669 = arith.constant 0.000000e+00 : f32
      %broadcast_in_dim3A_670 = vector.broadcast %jit3A_669 : f32 to vector<512x8xf32>
      %select_n3A_671 = arith.select %eq3A_668, %get3A_656, %broadcast_in_dim3A_670 : vector<512x8xi1>, vector<512x8xf32>
      %reduce_sum3A_672 = arith.constant dense<0.000000e+00> : vector<512xf32>
      %reduce_sum3A_673 = vector.multi_reduction <add>, %select_n3A_671, %reduce_sum3A_672 [1] : vector<512x8xf32> to vector<512xf32>
      %broadcast_in_dim3A_674 = vector.shape_cast %reduce_sum3A_673 : vector<512xf32> to vector<512x1xf32>
      %eq3A_675 = arith.constant 4 : i32
      %eq3A_676 = vector.broadcast %eq3A_675 : i32 to vector<512x8xi32>
      %eq3A_677 = arith.cmpi eq, %iota3A_290, %eq3A_676 : vector<512x8xi32>
      %jit3A_678 = arith.constant 0.000000e+00 : f32
      %broadcast_in_dim3A_679 = vector.broadcast %jit3A_678 : f32 to vector<512x8xf32>
      %select_n3A_680 = arith.select %eq3A_677, %get3A_656, %broadcast_in_dim3A_679 : vector<512x8xi1>, vector<512x8xf32>
      %reduce_sum3A_681 = arith.constant dense<0.000000e+00> : vector<512xf32>
      %reduce_sum3A_682 = vector.multi_reduction <add>, %select_n3A_680, %reduce_sum3A_681 [1] : vector<512x8xf32> to vector<512xf32>
      %broadcast_in_dim3A_683 = vector.shape_cast %reduce_sum3A_682 : vector<512xf32> to vector<512x1xf32>
      %eq3A_684 = arith.constant 5 : i32
      %eq3A_685 = vector.broadcast %eq3A_684 : i32 to vector<512x8xi32>
      %eq3A_686 = arith.cmpi eq, %iota3A_290, %eq3A_685 : vector<512x8xi32>
      %jit3A_687 = arith.constant 0.000000e+00 : f32
      %broadcast_in_dim3A_688 = vector.broadcast %jit3A_687 : f32 to vector<512x8xf32>
      %select_n3A_689 = arith.select %eq3A_686, %get3A_656, %broadcast_in_dim3A_688 : vector<512x8xi1>, vector<512x8xf32>
      %reduce_sum3A_690 = arith.constant dense<0.000000e+00> : vector<512xf32>
      %reduce_sum3A_691 = vector.multi_reduction <add>, %select_n3A_689, %reduce_sum3A_690 [1] : vector<512x8xf32> to vector<512xf32>
      %broadcast_in_dim3A_692 = vector.shape_cast %reduce_sum3A_691 : vector<512xf32> to vector<512x1xf32>
      %eq3A_693 = vector.broadcast %broadcast_in_dim3A_665 : vector<512x1xf32> to vector<512x16xf32>
      %eq3A_694 = arith.cmpf oeq, %convert_element_type3A_293, %eq3A_693 : vector<512x16xf32>
      %jit3A_695 = arith.constant 0.000000e+00 : f32
      %broadcast_in_dim3A_696 = vector.shape_cast %dot_general3A_166 : vector<1x16xf32> to vector<1x16xf32>
      %broadcast_in_dim3A_697 = vector.broadcast %broadcast_in_dim3A_696 : vector<1x16xf32> to vector<512x16xf32>
      %broadcast_in_dim3A_698 = vector.broadcast %jit3A_695 : f32 to vector<512x16xf32>
      %select_n3A_699 = arith.select %eq3A_694, %broadcast_in_dim3A_697, %broadcast_in_dim3A_698 : vector<512x16xi1>, vector<512x16xf32>
      %reduce_sum3A_700 = arith.constant dense<0.000000e+00> : vector<512xf32>
      %reduce_sum3A_701 = vector.multi_reduction <add>, %select_n3A_699, %reduce_sum3A_700 [1] : vector<512x16xf32> to vector<512xf32>
      %broadcast_in_dim3A_702 = vector.shape_cast %reduce_sum3A_701 : vector<512xf32> to vector<512x1xf32>
      %eq3A_703 = vector.broadcast %broadcast_in_dim3A_674 : vector<512x1xf32> to vector<512x16xf32>
      %eq3A_704 = arith.cmpf oeq, %convert_element_type3A_293, %eq3A_703 : vector<512x16xf32>
      %jit3A_705 = arith.constant 0.000000e+00 : f32
      %broadcast_in_dim3A_706 = vector.shape_cast %dot_general3A_166 : vector<1x16xf32> to vector<1x16xf32>
      %broadcast_in_dim3A_707 = vector.broadcast %broadcast_in_dim3A_706 : vector<1x16xf32> to vector<512x16xf32>
      %broadcast_in_dim3A_708 = vector.broadcast %jit3A_705 : f32 to vector<512x16xf32>
      %select_n3A_709 = arith.select %eq3A_704, %broadcast_in_dim3A_707, %broadcast_in_dim3A_708 : vector<512x16xi1>, vector<512x16xf32>
      %reduce_sum3A_710 = arith.constant dense<0.000000e+00> : vector<512xf32>
      %reduce_sum3A_711 = vector.multi_reduction <add>, %select_n3A_709, %reduce_sum3A_710 [1] : vector<512x16xf32> to vector<512xf32>
      %broadcast_in_dim3A_712 = vector.shape_cast %reduce_sum3A_711 : vector<512xf32> to vector<512x1xf32>
      %eq3A_713 = arith.constant 0 : i32
      %eq3A_714 = vector.broadcast %eq3A_713 : i32 to vector<512x2xi32>
      %eq3A_715 = arith.cmpi eq, %iota3A_291, %eq3A_714 : vector<512x2xi32>
      %add3A_716 = arith.addf %broadcast_in_dim3A_702, %broadcast_in_dim3A_683 : vector<512x1xf32>
      %add3A_717 = arith.addf %broadcast_in_dim3A_712, %broadcast_in_dim3A_692 : vector<512x1xf32>
      %broadcast_in_dim3A_718 = vector.shape_cast %add3A_716 : vector<512x1xf32> to vector<512x1xf32>
      %broadcast_in_dim3A_719 = vector.broadcast %broadcast_in_dim3A_718 : vector<512x1xf32> to vector<512x2xf32>
      %broadcast_in_dim3A_720 = vector.shape_cast %add3A_717 : vector<512x1xf32> to vector<512x1xf32>
      %broadcast_in_dim3A_721 = vector.broadcast %broadcast_in_dim3A_720 : vector<512x1xf32> to vector<512x2xf32>
      %select_n3A_722 = arith.select %eq3A_715, %broadcast_in_dim3A_719, %broadcast_in_dim3A_721 : vector<512x2xi1>, vector<512x2xf32>
      %swap3A_723 = arith.constant 2560 : index
      %swap3A_724 = arith.constant 0 : index
      %swap3A_725 = vector.load %arg5[%swap3A_723, %swap3A_724] : memref<4096x2xf32, #tpu.memory_space<vmem>>, vector<512x2xf32>
      tpu.vector_store %arg5[%swap3A_723, %swap3A_724], %select_n3A_722 {strides = array<i32>} : memref<4096x2xf32, #tpu.memory_space<vmem>>, vector<512x2xf32>,
      %get3A_726 = arith.constant 3072 : index
      %get3A_727 = arith.constant 0 : index
      %get3A_728 = vector.load %arg8[%get3A_726, %get3A_727] : memref<4096x8xf32, #tpu.memory_space<vmem>>, vector<512x8xf32>
      %eq3A_729 = arith.constant 0 : i32
      %eq3A_730 = vector.broadcast %eq3A_729 : i32 to vector<512x8xi32>
      %eq3A_731 = arith.cmpi eq, %iota3A_290, %eq3A_730 : vector<512x8xi32>
      %jit3A_732 = arith.constant 0.000000e+00 : f32
      %broadcast_in_dim3A_733 = vector.broadcast %jit3A_732 : f32 to vector<512x8xf32>
      %select_n3A_734 = arith.select %eq3A_731, %get3A_728, %broadcast_in_dim3A_733 : vector<512x8xi1>, vector<512x8xf32>
      %reduce_sum3A_735 = arith.constant dense<0.000000e+00> : vector<512xf32>
      %reduce_sum3A_736 = vector.multi_reduction <add>, %select_n3A_734, %reduce_sum3A_735 [1] : vector<512x8xf32> to vector<512xf32>
      %broadcast_in_dim3A_737 = vector.shape_cast %reduce_sum3A_736 : vector<512xf32> to vector<512x1xf32>
      %eq3A_738 = arith.constant 1 : i32
      %eq3A_739 = vector.broadcast %eq3A_738 : i32 to vector<512x8xi32>
      %eq3A_740 = arith.cmpi eq, %iota3A_290, %eq3A_739 : vector<512x8xi32>
      %jit3A_741 = arith.constant 0.000000e+00 : f32
      %broadcast_in_dim3A_742 = vector.broadcast %jit3A_741 : f32 to vector<512x8xf32>
      %select_n3A_743 = arith.select %eq3A_740, %get3A_728, %broadcast_in_dim3A_742 : vector<512x8xi1>, vector<512x8xf32>
      %reduce_sum3A_744 = arith.constant dense<0.000000e+00> : vector<512xf32>
      %reduce_sum3A_745 = vector.multi_reduction <add>, %select_n3A_743, %reduce_sum3A_744 [1] : vector<512x8xf32> to vector<512xf32>
      %broadcast_in_dim3A_746 = vector.shape_cast %reduce_sum3A_745 : vector<512xf32> to vector<512x1xf32>
      %eq3A_747 = arith.constant 4 : i32
      %eq3A_748 = vector.broadcast %eq3A_747 : i32 to vector<512x8xi32>
      %eq3A_749 = arith.cmpi eq, %iota3A_290, %eq3A_748 : vector<512x8xi32>
      %jit3A_750 = arith.constant 0.000000e+00 : f32
      %broadcast_in_dim3A_751 = vector.broadcast %jit3A_750 : f32 to vector<512x8xf32>
      %select_n3A_752 = arith.select %eq3A_749, %get3A_728, %broadcast_in_dim3A_751 : vector<512x8xi1>, vector<512x8xf32>
      %reduce_sum3A_753 = arith.constant dense<0.000000e+00> : vector<512xf32>
      %reduce_sum3A_754 = vector.multi_reduction <add>, %select_n3A_752, %reduce_sum3A_753 [1] : vector<512x8xf32> to vector<512xf32>
      %broadcast_in_dim3A_755 = vector.shape_cast %reduce_sum3A_754 : vector<512xf32> to vector<512x1xf32>
      %eq3A_756 = arith.constant 5 : i32
      %eq3A_757 = vector.broadcast %eq3A_756 : i32 to vector<512x8xi32>
      %eq3A_758 = arith.cmpi eq, %iota3A_290, %eq3A_757 : vector<512x8xi32>
      %jit3A_759 = arith.constant 0.000000e+00 : f32
      %broadcast_in_dim3A_760 = vector.broadcast %jit3A_759 : f32 to vector<512x8xf32>
      %select_n3A_761 = arith.select %eq3A_758, %get3A_728, %broadcast_in_dim3A_760 : vector<512x8xi1>, vector<512x8xf32>
      %reduce_sum3A_762 = arith.constant dense<0.000000e+00> : vector<512xf32>
      %reduce_sum3A_763 = vector.multi_reduction <add>, %select_n3A_761, %reduce_sum3A_762 [1] : vector<512x8xf32> to vector<512xf32>
      %broadcast_in_dim3A_764 = vector.shape_cast %reduce_sum3A_763 : vector<512xf32> to vector<512x1xf32>
      %eq3A_765 = vector.broadcast %broadcast_in_dim3A_737 : vector<512x1xf32> to vector<512x16xf32>
      %eq3A_766 = arith.cmpf oeq, %convert_element_type3A_293, %eq3A_765 : vector<512x16xf32>
      %jit3A_767 = arith.constant 0.000000e+00 : f32
      %broadcast_in_dim3A_768 = vector.shape_cast %dot_general3A_166 : vector<1x16xf32> to vector<1x16xf32>
      %broadcast_in_dim3A_769 = vector.broadcast %broadcast_in_dim3A_768 : vector<1x16xf32> to vector<512x16xf32>
      %broadcast_in_dim3A_770 = vector.broadcast %jit3A_767 : f32 to vector<512x16xf32>
      %select_n3A_771 = arith.select %eq3A_766, %broadcast_in_dim3A_769, %broadcast_in_dim3A_770 : vector<512x16xi1>, vector<512x16xf32>
      %reduce_sum3A_772 = arith.constant dense<0.000000e+00> : vector<512xf32>
      %reduce_sum3A_773 = vector.multi_reduction <add>, %select_n3A_771, %reduce_sum3A_772 [1] : vector<512x16xf32> to vector<512xf32>
      %broadcast_in_dim3A_774 = vector.shape_cast %reduce_sum3A_773 : vector<512xf32> to vector<512x1xf32>
      %eq3A_775 = vector.broadcast %broadcast_in_dim3A_746 : vector<512x1xf32> to vector<512x16xf32>
      %eq3A_776 = arith.cmpf oeq, %convert_element_type3A_293, %eq3A_775 : vector<512x16xf32>
      %jit3A_777 = arith.constant 0.000000e+00 : f32
      %broadcast_in_dim3A_778 = vector.shape_cast %dot_general3A_166 : vector<1x16xf32> to vector<1x16xf32>
      %broadcast_in_dim3A_779 = vector.broadcast %broadcast_in_dim3A_778 : vector<1x16xf32> to vector<512x16xf32>
      %broadcast_in_dim3A_780 = vector.broadcast %jit3A_777 : f32 to vector<512x16xf32>
      %select_n3A_781 = arith.select %eq3A_776, %broadcast_in_dim3A_779, %broadcast_in_dim3A_780 : vector<512x16xi1>, vector<512x16xf32>
      %reduce_sum3A_782 = arith.constant dense<0.000000e+00> : vector<512xf32>
      %reduce_sum3A_783 = vector.multi_reduction <add>, %select_n3A_781, %reduce_sum3A_782 [1] : vector<512x16xf32> to vector<512xf32>
      %broadcast_in_dim3A_784 = vector.shape_cast %reduce_sum3A_783 : vector<512xf32> to vector<512x1xf32>
      %eq3A_785 = arith.constant 0 : i32
      %eq3A_786 = vector.broadcast %eq3A_785 : i32 to vector<512x2xi32>
      %eq3A_787 = arith.cmpi eq, %iota3A_291, %eq3A_786 : vector<512x2xi32>
      %add3A_788 = arith.addf %broadcast_in_dim3A_774, %broadcast_in_dim3A_755 : vector<512x1xf32>
      %add3A_789 = arith.addf %broadcast_in_dim3A_784, %broadcast_in_dim3A_764 : vector<512x1xf32>
      %broadcast_in_dim3A_790 = vector.shape_cast %add3A_788 : vector<512x1xf32> to vector<512x1xf32>
      %broadcast_in_dim3A_791 = vector.broadcast %broadcast_in_dim3A_790 : vector<512x1xf32> to vector<512x2xf32>
      %broadcast_in_dim3A_792 = vector.shape_cast %add3A_789 : vector<512x1xf32> to vector<512x1xf32>
      %broadcast_in_dim3A_793 = vector.broadcast %broadcast_in_dim3A_792 : vector<512x1xf32> to vector<512x2xf32>
      %select_n3A_794 = arith.select %eq3A_787, %broadcast_in_dim3A_791, %broadcast_in_dim3A_793 : vector<512x2xi1>, vector<512x2xf32>
      %swap3A_795 = arith.constant 3072 : index
      %swap3A_796 = arith.constant 0 : index
      %swap3A_797 = vector.load %arg5[%swap3A_795, %swap3A_796] : memref<4096x2xf32, #tpu.memory_space<vmem>>, vector<512x2xf32>
      tpu.vector_store %arg5[%swap3A_795, %swap3A_796], %select_n3A_794 {strides = array<i32>} : memref<4096x2xf32, #tpu.memory_space<vmem>>, vector<512x2xf32>,
      %get3A_798 = arith.constant 3584 : index
      %get3A_799 = arith.constant 0 : index
      %get3A_800 = vector.load %arg8[%get3A_798, %get3A_799] : memref<4096x8xf32, #tpu.memory_space<vmem>>, vector<512x8xf32>
      %eq3A_801 = arith.constant 0 : i32
      %eq3A_802 = vector.broadcast %eq3A_801 : i32 to vector<512x8xi32>
      %eq3A_803 = arith.cmpi eq, %iota3A_290, %eq3A_802 : vector<512x8xi32>
      %jit3A_804 = arith.constant 0.000000e+00 : f32
      %broadcast_in_dim3A_805 = vector.broadcast %jit3A_804 : f32 to vector<512x8xf32>
      %select_n3A_806 = arith.select %eq3A_803, %get3A_800, %broadcast_in_dim3A_805 : vector<512x8xi1>, vector<512x8xf32>
      %reduce_sum3A_807 = arith.constant dense<0.000000e+00> : vector<512xf32>
      %reduce_sum3A_808 = vector.multi_reduction <add>, %select_n3A_806, %reduce_sum3A_807 [1] : vector<512x8xf32> to vector<512xf32>
      %broadcast_in_dim3A_809 = vector.shape_cast %reduce_sum3A_808 : vector<512xf32> to vector<512x1xf32>
      %eq3A_810 = arith.constant 1 : i32
      %eq3A_811 = vector.broadcast %eq3A_810 : i32 to vector<512x8xi32>
      %eq3A_812 = arith.cmpi eq, %iota3A_290, %eq3A_811 : vector<512x8xi32>
      %jit3A_813 = arith.constant 0.000000e+00 : f32
      %broadcast_in_dim3A_814 = vector.broadcast %jit3A_813 : f32 to vector<512x8xf32>
      %select_n3A_815 = arith.select %eq3A_812, %get3A_800, %broadcast_in_dim3A_814 : vector<512x8xi1>, vector<512x8xf32>
      %reduce_sum3A_816 = arith.constant dense<0.000000e+00> : vector<512xf32>
      %reduce_sum3A_817 = vector.multi_reduction <add>, %select_n3A_815, %reduce_sum3A_816 [1] : vector<512x8xf32> to vector<512xf32>
      %broadcast_in_dim3A_818 = vector.shape_cast %reduce_sum3A_817 : vector<512xf32> to vector<512x1xf32>
      %eq3A_819 = arith.constant 4 : i32
      %eq3A_820 = vector.broadcast %eq3A_819 : i32 to vector<512x8xi32>
      %eq3A_821 = arith.cmpi eq, %iota3A_290, %eq3A_820 : vector<512x8xi32>
      %jit3A_822 = arith.constant 0.000000e+00 : f32
      %broadcast_in_dim3A_823 = vector.broadcast %jit3A_822 : f32 to vector<512x8xf32>
      %select_n3A_824 = arith.select %eq3A_821, %get3A_800, %broadcast_in_dim3A_823 : vector<512x8xi1>, vector<512x8xf32>
      %reduce_sum3A_825 = arith.constant dense<0.000000e+00> : vector<512xf32>
      %reduce_sum3A_826 = vector.multi_reduction <add>, %select_n3A_824, %reduce_sum3A_825 [1] : vector<512x8xf32> to vector<512xf32>
      %broadcast_in_dim3A_827 = vector.shape_cast %reduce_sum3A_826 : vector<512xf32> to vector<512x1xf32>
      %eq3A_828 = arith.constant 5 : i32
      %eq3A_829 = vector.broadcast %eq3A_828 : i32 to vector<512x8xi32>
      %eq3A_830 = arith.cmpi eq, %iota3A_290, %eq3A_829 : vector<512x8xi32>
      %jit3A_831 = arith.constant 0.000000e+00 : f32
      %broadcast_in_dim3A_832 = vector.broadcast %jit3A_831 : f32 to vector<512x8xf32>
      %select_n3A_833 = arith.select %eq3A_830, %get3A_800, %broadcast_in_dim3A_832 : vector<512x8xi1>, vector<512x8xf32>
      %reduce_sum3A_834 = arith.constant dense<0.000000e+00> : vector<512xf32>
      %reduce_sum3A_835 = vector.multi_reduction <add>, %select_n3A_833, %reduce_sum3A_834 [1] : vector<512x8xf32> to vector<512xf32>
      %broadcast_in_dim3A_836 = vector.shape_cast %reduce_sum3A_835 : vector<512xf32> to vector<512x1xf32>
      %eq3A_837 = vector.broadcast %broadcast_in_dim3A_809 : vector<512x1xf32> to vector<512x16xf32>
      %eq3A_838 = arith.cmpf oeq, %convert_element_type3A_293, %eq3A_837 : vector<512x16xf32>
      %jit3A_839 = arith.constant 0.000000e+00 : f32
      %broadcast_in_dim3A_840 = vector.shape_cast %dot_general3A_166 : vector<1x16xf32> to vector<1x16xf32>
      %broadcast_in_dim3A_841 = vector.broadcast %broadcast_in_dim3A_840 : vector<1x16xf32> to vector<512x16xf32>
      %broadcast_in_dim3A_842 = vector.broadcast %jit3A_839 : f32 to vector<512x16xf32>
      %select_n3A_843 = arith.select %eq3A_838, %broadcast_in_dim3A_841, %broadcast_in_dim3A_842 : vector<512x16xi1>, vector<512x16xf32>
      %reduce_sum3A_844 = arith.constant dense<0.000000e+00> : vector<512xf32>
      %reduce_sum3A_845 = vector.multi_reduction <add>, %select_n3A_843, %reduce_sum3A_844 [1] : vector<512x16xf32> to vector<512xf32>
      %broadcast_in_dim3A_846 = vector.shape_cast %reduce_sum3A_845 : vector<512xf32> to vector<512x1xf32>
      %eq3A_847 = vector.broadcast %broadcast_in_dim3A_818 : vector<512x1xf32> to vector<512x16xf32>
      %eq3A_848 = arith.cmpf oeq, %convert_element_type3A_293, %eq3A_847 : vector<512x16xf32>
      %jit3A_849 = arith.constant 0.000000e+00 : f32
      %broadcast_in_dim3A_850 = vector.shape_cast %dot_general3A_166 : vector<1x16xf32> to vector<1x16xf32>
      %broadcast_in_dim3A_851 = vector.broadcast %broadcast_in_dim3A_850 : vector<1x16xf32> to vector<512x16xf32>
      %broadcast_in_dim3A_852 = vector.broadcast %jit3A_849 : f32 to vector<512x16xf32>
      %select_n3A_853 = arith.select %eq3A_848, %broadcast_in_dim3A_851, %broadcast_in_dim3A_852 : vector<512x16xi1>, vector<512x16xf32>
      %reduce_sum3A_854 = arith.constant dense<0.000000e+00> : vector<512xf32>
      %reduce_sum3A_855 = vector.multi_reduction <add>, %select_n3A_853, %reduce_sum3A_854 [1] : vector<512x16xf32> to vector<512xf32>
      %broadcast_in_dim3A_856 = vector.shape_cast %reduce_sum3A_855 : vector<512xf32> to vector<512x1xf32>
      %eq3A_857 = arith.constant 0 : i32
      %eq3A_858 = vector.broadcast %eq3A_857 : i32 to vector<512x2xi32>
      %eq3A_859 = arith.cmpi eq, %iota3A_291, %eq3A_858 : vector<512x2xi32>
      %add3A_860 = arith.addf %broadcast_in_dim3A_846, %broadcast_in_dim3A_827 : vector<512x1xf32>
      %add3A_861 = arith.addf %broadcast_in_dim3A_856, %broadcast_in_dim3A_836 : vector<512x1xf32>
      %broadcast_in_dim3A_862 = vector.shape_cast %add3A_860 : vector<512x1xf32> to vector<512x1xf32>
      %broadcast_in_dim3A_863 = vector.broadcast %broadcast_in_dim3A_862 : vector<512x1xf32> to vector<512x2xf32>
      %broadcast_in_dim3A_864 = vector.shape_cast %add3A_861 : vector<512x1xf32> to vector<512x1xf32>
      %broadcast_in_dim3A_865 = vector.broadcast %broadcast_in_dim3A_864 : vector<512x1xf32> to vector<512x2xf32>
      %select_n3A_866 = arith.select %eq3A_859, %broadcast_in_dim3A_863, %broadcast_in_dim3A_865 : vector<512x2xi1>, vector<512x2xf32>
      %swap3A_867 = arith.constant 3584 : index
      %swap3A_868 = arith.constant 0 : index
      %swap3A_869 = vector.load %arg5[%swap3A_867, %swap3A_868] : memref<4096x2xf32, #tpu.memory_space<vmem>>, vector<512x2xf32>
      tpu.vector_store %arg5[%swap3A_867, %swap3A_868], %select_n3A_866 {strides = array<i32>} : memref<4096x2xf32, #tpu.memory_space<vmem>>, vector<512x2xf32>,
    } else {
    }
    return
  }
  func.func @transform_0(%arg0: i32) -> (i32, i32) {
    %c0_i32 = arith.constant 0 : i32
    %c0_i32_0 = arith.constant 0 : i32
    return %arg0, %c0_i32 : i32, i32
  }
  func.func @transform_1(%arg0: i32) -> (i32, i32) {
    %c0_i32 = arith.constant 0 : i32
    %c0_i32_0 = arith.constant 0 : i32
    %c0_i32_1 = arith.constant 0 : i32
    return %c0_i32, %c0_i32_0 : i32, i32
  }
  func.func @transform_2(%arg0: i32) -> (i32, i32) {
    %c0_i32 = arith.constant 0 : i32
    %c0_i32_0 = arith.constant 0 : i32
    %c0_i32_1 = arith.constant 0 : i32
    return %c0_i32, %c0_i32_0 : i32, i32
  }
  func.func @transform_3(%arg0: i32) -> (i32, i32) {
    %c0_i32 = arith.constant 0 : i32
    %c0_i32_0 = arith.constant 0 : i32
    return %arg0, %c0_i32 : i32, i32
  }
  func.func @transform_4(%arg0: i32) -> (i32, i32) {
    %c0_i32 = arith.constant 0 : i32
    %c0_i32_0 = arith.constant 0 : i32
    %c0_i32_1 = arith.constant 0 : i32
    return %c0_i32, %c0_i32_0 : i32, i32
  }
  func.func @transform_5(%arg0: i32) -> (i32, i32) {
    %c0_i32 = arith.constant 0 : i32
    %c0_i32_0 = arith.constant 0 : i32
    %c0_i32_1 = arith.constant 0 : i32
    return %c0_i32, %c0_i32_0 : i32, i32
  }
}

module attributes {stable_mosaic.version = 14 : i64} {
  func.func @_ffn_body(%arg0: i32, %arg1: memref<32xi32, #tpu.memory_space<smem>>, %arg2: memref<32xi32, #tpu.memory_space<smem>>, %arg3: memref<512x768xf32, #tpu.memory_space<vmem>>, %arg4: memref<1x768x1024xf32, #tpu.memory_space<vmem>>, %arg5: memref<1x1x1024xf32, #tpu.memory_space<vmem>>, %arg6: memref<1x1024x768xf32, #tpu.memory_space<vmem>>, %arg7: memref<1x1x768xf32, #tpu.memory_space<vmem>>, %arg8: memref<512x768xf32, #tpu.memory_space<vmem>>) attributes {dimension_semantics = [#tpu.dimension_semantics<arbitrary>], iteration_bounds = array<i64: 32>, scalar_prefetch = 2 : i64, scratch_operands = 0 : i64, tpu.core_type = #tpu.core_type<tc>, window_params = [{transform_indices = @transform_0, window_bounds = array<i64: 512, 768>}, {transform_indices = @transform_1, window_bounds = array<i64: 1, 768, 1024>}, {transform_indices = @transform_2, window_bounds = array<i64: 1, 1, 1024>}, {transform_indices = @transform_3, window_bounds = array<i64: 1, 1024, 768>}, {transform_indices = @transform_4, window_bounds = array<i64: 1, 1, 768>}, {transform_indices = @transform_5, window_bounds = array<i64: 512, 768>}]} {
    %get3A = arith.index_cast %arg0 : i32 to index
    %get3A_0 = memref.load %arg2[%get3A] : memref<32xi32, #tpu.memory_space<smem>>
    %eq3A = arith.constant 1 : i32
    %eq3A_1 = arith.cmpi eq, %get3A_0, %eq3A : i32
    %convert_element_type3A = arith.extui %eq3A_1 : i1 to i32
    %cond3A = arith.constant 0 : i32
    %cond3A_2 = arith.cmpi ne, %convert_element_type3A, %cond3A : i32
    scf.if %cond3A_2 {
      %get3A_3 = arith.constant 0 : index
      %get3A_4 = arith.constant 0 : index
      %get3A_5 = vector.load %arg3[%get3A_3, %get3A_4] : memref<512x768xf32, #tpu.memory_space<vmem>>, vector<512x768xf32>
      %get3A_6 = arith.constant 0 : index
      %get3A_7 = arith.constant 0 : index
      %get3A_8 = arith.constant 0 : index
      %get3A_9 = vector.load %arg4[%get3A_6, %get3A_7, %get3A_8] : memref<1x768x1024xf32, #tpu.memory_space<vmem>>, vector<1x768x1024xf32>
      %get3A_10 = vector.shape_cast %get3A_9 : vector<1x768x1024xf32> to vector<768x1024xf32>
      %dot_general3A = arith.constant dense<0.000000e+00> : vector<512x1024xf32>
      %dot_general3A_11 = tpu.matmul %get3A_5, %get3A_10, %dot_general3A {dimension_numbers = #tpu.dot_dimension_numbers<[1], [0], [0], [1], [0, 0, 1, 1], [], []>, transpose_lhs_hint = false} : vector<512x768xf32>, vector<768x1024xf32>, vector<512x1024xf32> -> vector<512x1024xf32>
      %get3A_12 = arith.constant 0 : index
      %get3A_13 = arith.constant 0 : index
      %get3A_14 = arith.constant 0 : index
      %get3A_15 = vector.load %arg5[%get3A_12, %get3A_13, %get3A_14] : memref<1x1x1024xf32, #tpu.memory_space<vmem>>, vector<1x1x1024xf32>
      %get3A_16 = vector.shape_cast %get3A_15 : vector<1x1x1024xf32> to vector<1x1024xf32>
      %add3A = vector.broadcast %get3A_16 : vector<1x1024xf32> to vector<512x1024xf32>
      %add3A_17 = arith.addf %dot_general3A_11, %add3A : vector<512x1024xf32>
      %max3A = arith.constant 0.000000e+00 : f32
      %max3A_18 = vector.broadcast %max3A : f32 to vector<512x1024xf32>
      %max3A_19 = arith.maximumf %add3A_17, %max3A_18 : vector<512x1024xf32>
      %get3A_20 = arith.constant 0 : index
      %get3A_21 = arith.constant 0 : index
      %get3A_22 = arith.constant 0 : index
      %get3A_23 = vector.load %arg6[%get3A_20, %get3A_21, %get3A_22] : memref<1x1024x768xf32, #tpu.memory_space<vmem>>, vector<1x1024x768xf32>
      %get3A_24 = vector.shape_cast %get3A_23 : vector<1x1024x768xf32> to vector<1024x768xf32>
      %dot_general3A_25 = arith.constant dense<0.000000e+00> : vector<512x768xf32>
      %dot_general3A_26 = tpu.matmul %max3A_19, %get3A_24, %dot_general3A_25 {dimension_numbers = #tpu.dot_dimension_numbers<[1], [0], [0], [1], [0, 0, 1, 1], [], []>, transpose_lhs_hint = false} : vector<512x1024xf32>, vector<1024x768xf32>, vector<512x768xf32> -> vector<512x768xf32>
      %get3A_27 = arith.constant 0 : index
      %get3A_28 = arith.constant 0 : index
      %get3A_29 = arith.constant 0 : index
      %get3A_30 = vector.load %arg7[%get3A_27, %get3A_28, %get3A_29] : memref<1x1x768xf32, #tpu.memory_space<vmem>>, vector<1x1x768xf32>
      %get3A_31 = vector.shape_cast %get3A_30 : vector<1x1x768xf32> to vector<1x768xf32>
      %add3A_32 = vector.broadcast %get3A_31 : vector<1x768xf32> to vector<512x768xf32>
      %add3A_33 = arith.addf %dot_general3A_26, %add3A_32 : vector<512x768xf32>
      %swap3A = arith.constant 0 : index
      %swap3A_34 = arith.constant 0 : index
      %swap3A_35 = vector.load %arg8[%swap3A, %swap3A_34] : memref<512x768xf32, #tpu.memory_space<vmem>>, vector<512x768xf32>
      tpu.vector_store %arg8[%swap3A, %swap3A_34], %add3A_33 {strides = array<i32>} : memref<512x768xf32, #tpu.memory_space<vmem>>, vector<512x768xf32>,
    } else {
    }
    return
  }
  func.func @transform_0(%arg0: i32, %arg1: memref<32xi32, #tpu.memory_space<smem>>, %arg2: memref<32xi32, #tpu.memory_space<smem>>) -> (i32, i32) {
    %c0_i32 = arith.constant 0 : i32
    %c0_i32_0 = arith.constant 0 : i32
    return %arg0, %c0_i32 : i32, i32
  }
  func.func @transform_1(%arg0: i32, %arg1: memref<32xi32, #tpu.memory_space<smem>>, %arg2: memref<32xi32, #tpu.memory_space<smem>>) -> (i32, i32, i32) {
    %get3A = arith.index_cast %arg0 : i32 to index
    %get3A_0 = memref.load %arg1[%get3A] : memref<32xi32, #tpu.memory_space<smem>>
    %c0_i32 = arith.constant 0 : i32
    %c0_i32_1 = arith.constant 0 : i32
    %c0_i32_2 = arith.constant 0 : i32
    return %get3A_0, %c0_i32, %c0_i32_1 : i32, i32, i32
  }
  func.func @transform_2(%arg0: i32, %arg1: memref<32xi32, #tpu.memory_space<smem>>, %arg2: memref<32xi32, #tpu.memory_space<smem>>) -> (i32, i32, i32) {
    %get3A = arith.index_cast %arg0 : i32 to index
    %get3A_0 = memref.load %arg1[%get3A] : memref<32xi32, #tpu.memory_space<smem>>
    %c0_i32 = arith.constant 0 : i32
    %c0_i32_1 = arith.constant 0 : i32
    %c0_i32_2 = arith.constant 0 : i32
    return %get3A_0, %c0_i32, %c0_i32_1 : i32, i32, i32
  }
  func.func @transform_3(%arg0: i32, %arg1: memref<32xi32, #tpu.memory_space<smem>>, %arg2: memref<32xi32, #tpu.memory_space<smem>>) -> (i32, i32, i32) {
    %get3A = arith.index_cast %arg0 : i32 to index
    %get3A_0 = memref.load %arg1[%get3A] : memref<32xi32, #tpu.memory_space<smem>>
    %c0_i32 = arith.constant 0 : i32
    %c0_i32_1 = arith.constant 0 : i32
    %c0_i32_2 = arith.constant 0 : i32
    return %get3A_0, %c0_i32, %c0_i32_1 : i32, i32, i32
  }
  func.func @transform_4(%arg0: i32, %arg1: memref<32xi32, #tpu.memory_space<smem>>, %arg2: memref<32xi32, #tpu.memory_space<smem>>) -> (i32, i32, i32) {
    %get3A = arith.index_cast %arg0 : i32 to index
    %get3A_0 = memref.load %arg1[%get3A] : memref<32xi32, #tpu.memory_space<smem>>
    %c0_i32 = arith.constant 0 : i32
    %c0_i32_1 = arith.constant 0 : i32
    %c0_i32_2 = arith.constant 0 : i32
    return %get3A_0, %c0_i32, %c0_i32_1 : i32, i32, i32
  }
  func.func @transform_5(%arg0: i32, %arg1: memref<32xi32, #tpu.memory_space<smem>>, %arg2: memref<32xi32, #tpu.memory_space<smem>>) -> (i32, i32) {
    %c0_i32 = arith.constant 0 : i32
    %c0_i32_0 = arith.constant 0 : i32
    return %arg0, %c0_i32 : i32, i32
  }
}

module attributes {stable_mosaic.version = 14 : i64} {
  func.func @_combine_body(%arg0: i32, %arg1: memref<1024x768xf32, #tpu.memory_space<vmem>>, %arg2: memref<1024x8xf32, #tpu.memory_space<vmem>>, %arg3: memref<1024x768xf32, #tpu.memory_space<vmem>>, %arg4: memref<1024x768xf32, #tpu.memory_space<vmem>>, %arg5: memref<1024x768xf32, #tpu.memory_space<vmem>>) attributes {dimension_semantics = [#tpu.dimension_semantics<arbitrary>], iteration_bounds = array<i64: 4>, scalar_prefetch = 0 : i64, scratch_operands = 0 : i64, tpu.core_type = #tpu.core_type<tc>, window_params = [{transform_indices = @transform_0, window_bounds = array<i64: 1024, 768>}, {transform_indices = @transform_1, window_bounds = array<i64: 1024, 8>}, {transform_indices = @transform_2, window_bounds = array<i64: 1024, 768>}, {transform_indices = @transform_3, window_bounds = array<i64: 1024, 768>}, {transform_indices = @transform_4, window_bounds = array<i64: 1024, 768>}]} {
    %iota3A = tpu.iota {dimensions = array<i32: 1>} : vector<1024x8xi32>
    %get3A = arith.constant 0 : index
    %get3A_0 = arith.constant 0 : index
    %get3A_1 = vector.load %arg2[%get3A, %get3A_0] : memref<1024x8xf32, #tpu.memory_space<vmem>>, vector<1024x8xf32>
    %eq3A = arith.constant 2 : i32
    %eq3A_2 = vector.broadcast %eq3A : i32 to vector<1024x8xi32>
    %eq3A_3 = arith.cmpi eq, %iota3A, %eq3A_2 : vector<1024x8xi32>
    %jit3A = arith.constant 0.000000e+00 : f32
    %broadcast_in_dim3A = vector.broadcast %jit3A : f32 to vector<1024x8xf32>
    %select_n3A = arith.select %eq3A_3, %get3A_1, %broadcast_in_dim3A : vector<1024x8xi1>, vector<1024x8xf32>
    %reduce_sum3A = arith.constant dense<0.000000e+00> : vector<1024xf32>
    %reduce_sum3A_4 = vector.multi_reduction <add>, %select_n3A, %reduce_sum3A [1] : vector<1024x8xf32> to vector<1024xf32>
    %broadcast_in_dim3A_5 = vector.shape_cast %reduce_sum3A_4 : vector<1024xf32> to vector<1024x1xf32>
    %eq3A_6 = arith.constant 3 : i32
    %eq3A_7 = vector.broadcast %eq3A_6 : i32 to vector<1024x8xi32>
    %eq3A_8 = arith.cmpi eq, %iota3A, %eq3A_7 : vector<1024x8xi32>
    %jit3A_9 = arith.constant 0.000000e+00 : f32
    %broadcast_in_dim3A_10 = vector.broadcast %jit3A_9 : f32 to vector<1024x8xf32>
    %select_n3A_11 = arith.select %eq3A_8, %get3A_1, %broadcast_in_dim3A_10 : vector<1024x8xi1>, vector<1024x8xf32>
    %reduce_sum3A_12 = arith.constant dense<0.000000e+00> : vector<1024xf32>
    %reduce_sum3A_13 = vector.multi_reduction <add>, %select_n3A_11, %reduce_sum3A_12 [1] : vector<1024x8xf32> to vector<1024xf32>
    %broadcast_in_dim3A_14 = vector.shape_cast %reduce_sum3A_13 : vector<1024xf32> to vector<1024x1xf32>
    %get3A_15 = arith.constant 0 : index
    %get3A_16 = arith.constant 0 : index
    %get3A_17 = vector.load %arg1[%get3A_15, %get3A_16] : memref<1024x768xf32, #tpu.memory_space<vmem>>, vector<1024x768xf32>
    %get3A_18 = arith.constant 0 : index
    %get3A_19 = arith.constant 0 : index
    %get3A_20 = vector.load %arg3[%get3A_18, %get3A_19] : memref<1024x768xf32, #tpu.memory_space<vmem>>, vector<1024x768xf32>
    %mul3A = vector.broadcast %broadcast_in_dim3A_5 : vector<1024x1xf32> to vector<1024x768xf32>
    %mul3A_21 = arith.mulf %mul3A, %get3A_20 : vector<1024x768xf32>
    %add3A = arith.addf %get3A_17, %mul3A_21 : vector<1024x768xf32>
    %get3A_22 = arith.constant 0 : index
    %get3A_23 = arith.constant 0 : index
    %get3A_24 = vector.load %arg4[%get3A_22, %get3A_23] : memref<1024x768xf32, #tpu.memory_space<vmem>>, vector<1024x768xf32>
    %mul3A_25 = vector.broadcast %broadcast_in_dim3A_14 : vector<1024x1xf32> to vector<1024x768xf32>
    %mul3A_26 = arith.mulf %mul3A_25, %get3A_24 : vector<1024x768xf32>
    %add3A_27 = arith.addf %add3A, %mul3A_26 : vector<1024x768xf32>
    %swap3A = arith.constant 0 : index
    %swap3A_28 = arith.constant 0 : index
    %swap3A_29 = vector.load %arg5[%swap3A, %swap3A_28] : memref<1024x768xf32, #tpu.memory_space<vmem>>, vector<1024x768xf32>
    tpu.vector_store %arg5[%swap3A, %swap3A_28], %add3A_27 {strides = array<i32>} : memref<1024x768xf32, #tpu.memory_space<vmem>>, vector<1024x768xf32>,
    return
  }
  func.func @transform_0(%arg0: i32) -> (i32, i32) {
    %c0_i32 = arith.constant 0 : i32
    %c0_i32_0 = arith.constant 0 : i32
    return %arg0, %c0_i32 : i32, i32
  }
  func.func @transform_1(%arg0: i32) -> (i32, i32) {
    %c0_i32 = arith.constant 0 : i32
    %c0_i32_0 = arith.constant 0 : i32
    return %arg0, %c0_i32 : i32, i32
  }
  func.func @transform_2(%arg0: i32) -> (i32, i32) {
    %c0_i32 = arith.constant 0 : i32
    %c0_i32_0 = arith.constant 0 : i32
    return %arg0, %c0_i32 : i32, i32
  }
  func.func @transform_3(%arg0: i32) -> (i32, i32) {
    %c0_i32 = arith.constant 0 : i32
    %c0_i32_0 = arith.constant 0 : i32
    return %arg0, %c0_i32 : i32, i32
  }
  func.func @transform_4(%arg0: i32) -> (i32, i32) {
    %c0_i32 = arith.constant 0 : i32
    %c0_i32_0 = arith.constant 0 : i32
    return %arg0, %c0_i32 : i32, i32
  }
}

</mosaic_0001>

<sc_bundles>
// kernel: kernel.10.cloned.1.call-start
scs
__scs_entry_jumppad:
0x0: {  	(pc) =	sbr.rel $0x88, $3  }
0x1: {  	(tag) =	ssettag $0x0;
	lr =	simm.s32 $0x1  }
0x2: {  	[smem:$0x3F9A] =	sst lr;
	_ =	strace $0xD0000000  }
0x3: {  	_ = 	snop  }
0x4: {  	_ = 	snop  }
0x5: {  	_ = 	snop  }
0x6: {  	_ = 	snop  }
0x7: {  	_ = 	snop  }
__scs_overlays_trampoline_lowered:
0x8: {  	[smem:$0x3FA9] =	sst s0  }
0x9: {  	[smem:$0x3FAA] =	sst s1  }
0xa: {  	[smem:$0x3FAB] =	sst s2  }
0xb: {  	[smem:$0x3FAC] =	sst s3  }
0xc: {  	[smem:$0x3FAD] =	sst s4  }
0xd: {  	[smem:$0x3FAE] =	sst s5  }
0xe: {  	[smem:$0x3FAF] =	sst s6  }
0xf: {  	[smem:$0x3FB0] =	sst s7  }
0x10: {  	[smem:$0x3FB1] =	sst s8  }
0x11: {  	[smem:$0x3FB2] =	sst s9;
	s0 =	simm.s32 @!p0 $0x0  }
0x12: {  	s1 =	sld [smem:$0x3F98];
	s0 =	simm.s32 @p0 $0x1  }
0x13: {  	[smem:$0x3FB3] =	sst s0;
	s0 =	simm.s32 @!p1 $0x0  }
0x14: {  	s2 =	sld [smem:$0x3F97];
	s0 =	simm.s32 @p1 $0x1  }
0x15: {  	[smem:$0x3FB4] =	sst s0;
	s0 =	simm.s32 @!p2 $0x0  }
0x16: {  	s3 =	sld [smem:$0x3FDB];
	s0 =	simm.s32 @p2 $0x1  }
0x17: {  	s4 =	simm.s32 $0x1BF5;
	[smem:$0x3FB6] =	sst s0  }
0x18: {  	s0 =	sld [smem:$0x3F99];
	_ =	swait.ge [sflag:s4], $0x0  }
0x19: {  	s7 =	sld [smem:$0x3F9A]  }
0x1a: {  	s8 =	sadd.s32 $0xFFFFE003, lr  }
0x1b: {  	s9 =	sadd.s32 $0xFFFFFEF7, lr;
	s5 =	simm.s32 $0xFFFFFFFF;
	p2 =	slt.u32 s8, $0xFFFFF086  }
0x1c: {  	p1 =	slt.u32 s9, $0xF7A;
	s5 =	simm.s32 @!p2 $0x0  }
0x1d: {  	s5 =	simm.s32 @p1 $0x1;
	p0 =	seq.s32 s7, s2  }
0x1e: {  	s7 =	smul.u32 @!p0 $0xF7A, s2;
	p2 =	seq.s32 @!p0 s5, $0x0  }
0x1f: {  	s9 =	smul.u32 $0xF7A, s1;
	s8 =	simm.s32 @!p0 $0x1BF5;
	p2 =	por !p2, p0  }
0x20: {  	[sflag:s8] =	ssyncset.s32 @!p0 $0xFFFFF086;
	s6 =	sadd.s32 @!p0 s3, s7;
	s7 =	simm.s32 @!p0 $0x108  }
0x21: {  	s3 =	sadd.s32 s3, s9;
	s6 =	sadd.s32 @!p0 $0x88, s6;
	s7 =	simm.s32 @p2 $0x1082  }
0x22: {  	[simem:s7], [sflag:s8] =	dma.local @!p0 [hbm:s6], $0xF7A  }
0x23: {  	s9 =	sor.u32 $0xD0000000, s2;
	s6 =	simm.s32 $0x108;
	_ =	swait.ge @!p0 [sflag:s8], $0x0  }
0x24: {  	s3 =	sadd.s32 $0x88, s3;
	s6 =	simm.s32 @!p1 $0x1082;
	[sflag:s4] =	ssyncset.s32 $0xFFFFF086  }
0x25: {  	[simem:s6], [sflag:s4] =	dma.local [hbm:s3], $0xF7A  }
0x26: {  	[smem:$0x3F9A] =	sst s1;
	(tag) =	ssettag s2;
	_ =	strace s9  }
0x27: {  	s1 =	sld [smem:$0x3FAA]  }
0x28: {  	s2 =	sld [smem:$0x3FAB]  }
0x29: {  	s4 =	sld [smem:$0x3FAD]  }
0x2a: {  	p0 =	seq.s32 s5, $0x0;
	s5 =	sld [smem:$0x3FAE]  }
0x2b: {  	s6 =	sld [smem:$0x3FAF]  }
0x2c: {  	s7 =	sld [smem:$0x3FB0]  }
0x2d: {  	s3 =	simm.s32 $0x108;
	s8 =	sld [smem:$0x3FB1]  }
0x2e: {  	s3 =	simm.s32 @!p0 $0x1082;
	s9 =	sld [smem:$0x3FB2]  }
0x2f: {  	lr =	sadd.s32 s0, s3;
	s0 =	sld [smem:$0x3FA9]  }
0x30: {  	s3 =	sld [smem:$0x3FAC]  }
0x31: {  	[smem:$0x3FB5] =	sst s10  }
0x32: {  	s10 =	sld [smem:$0x3FB3];
	_ =	sdelay $0x3  }
0x33: {  	p0 =	seq.s32 s10, $0x1;
	s10 =	sld [smem:$0x3FB5];
	_ =	sdelay $0x3  }
0x34: {  	[smem:$0x3FB5] =	sst s10  }
0x35: {  	s10 =	sld [smem:$0x3FB4];
	_ =	sdelay $0x3  }
0x36: {  	p1 =	seq.s32 s10, $0x1;
	s10 =	sld [smem:$0x3FB5];
	_ =	sdelay $0x3  }
0x37: {  	[smem:$0x3FB5] =	sst s10  }
0x38: {  	s10 =	sld [smem:$0x3FB6]  }
0x39: {  	_ = 	snop;
	(pc) =	sbr.ind lr, $3  }
0x3a: {  	_ = 	snop  }
0x3b: {  	_ = 	snop  }
0x3c: {  	p2 =	seq.s32 s10, $0x1;
	s10 =	sld [smem:$0x3FB5]  }
0x3d: {  	_ =	shalt  }
0x3e: {  	_ =	shalt  }
0x3f: {  	_ =	shalt  }
0x40: {  	_ =	shalt  }
0x41: {  	_ =	shalt  }
0x42: {  	_ =	shalt  }
0x43: {  	_ =	shalt  }
0x44: {  	_ =	shalt  }
0x45: {  	_ =	shalt  }
0x46: {  	_ =	shalt  }
0x47: {  	_ =	shalt  }
0x48: {  	_ =	shalt  }
0x49: {  	_ =	shalt  }
0x4a: {  	_ =	shalt  }
0x4b: {  	_ =	shalt  }
0x4c: {  	_ =	shalt  }
0x4d: {  	_ =	shalt  }
0x4e: {  	_ =	shalt  }
0x4f: {  	_ =	shalt  }
0x50: {  	_ =	shalt  }
0x51: {  	_ =	shalt  }
0x52: {  	_ =	shalt  }
0x53: {  	_ =	shalt  }
0x54: {  	_ =	shalt  }
0x55: {  	_ =	shalt  }
0x56: {  	_ =	shalt  }
0x57: {  	_ =	shalt  }
0x58: {  	_ =	shalt  }
0x59: {  	_ =	shalt  }
0x5a: {  	_ =	shalt  }
0x5b: {  	_ =	shalt  }
0x5c: {  	_ =	shalt  }
0x5d: {  	_ =	shalt  }
0x5e: {  	_ =	shalt  }
0x5f: {  	_ =	shalt  }
0x60: {  	_ =	shalt  }
0x61: {  	_ =	shalt  }
0x62: {  	_ =	shalt  }
0x63: {  	_ =	shalt  }
0x64: {  	_ =	shalt  }
0x65: {  	_ =	shalt  }
0x66: {  	_ =	shalt  }
0x67: {  	_ =	shalt  }
0x68: {  	_ =	shalt  }
0x69: {  	_ =	shalt  }
0x6a: {  	_ =	shalt  }
0x6b: {  	_ =	shalt  }
0x6c: {  	_ =	shalt  }
0x6d: {  	_ =	shalt  }
0x6e: {  	_ =	shalt  }
0x6f: {  	_ =	shalt  }
0x70: {  	_ =	shalt  }
0x71: {  	_ =	shalt  }
0x72: {  	_ =	shalt  }
0x73: {  	_ =	shalt  }
0x74: {  	_ =	shalt  }
0x75: {  	_ =	shalt  }
0x76: {  	_ =	shalt  }
0x77: {  	_ =	shalt  }
0x78: {  	_ =	shalt  }
0x79: {  	_ =	shalt  }
0x7a: {  	_ =	shalt  }
0x7b: {  	_ =	shalt  }
0x7c: {  	_ =	shalt  }
0x7d: {  	_ =	shalt  }
0x7e: {  	_ =	shalt  }
0x7f: {  	_ =	shalt  }
0x80: {  	_ =	shalt  }
0x81: {  	_ =	shalt  }
0x82: {  	_ =	shalt  }
0x83: {  	_ =	shalt  }
0x84: {  	_ =	shalt  }
0x85: {  	_ =	shalt  }
0x86: {  	_ =	shalt  }
0x87: {  	_ =	shalt  }
.Lfunc_end0:
.L_simem_size_0:
called_computation.1_lowered:
.L_overlay_start_0:
0x88: {  	s2 =	sld [smem:$0x3FD9]  }
0x89: {  	s3 =	sld [smem:$0x3FFE];
	_ =	sdelay $0x1  }
0x8a: {  	s1 =	srdreg.scid  }
0x8b: {  	s0 =	sand.u32 $0x1, s1  }
0x8c: {  	s16 =	sshll.u32 s0, $0xA;
	s2 =	sadd.s32 s3, s2  }
0x8d: {  	s2 =	sadd.s32 s2, s16  }
0x8e: {  	[smem:$0x3FC1] =	sst s2  }
0x8f: {  	_ = 	snop  }
0x90: {  	(tm) =	ssettm $0x1  }
0x91: {  	s17 =	sld [smem:$0x3FFB];
	_ =	sdelay $0x3  }
0x92: {  	_ =	strace s17  }
0x93: {  	s2 =	sld [smem:$0x3FFC];
	_ =	sdelay $0x3  }
0x94: {  	_ =	strace s2  }
0x95: {  	s2 =	sld [smem:$0x3FFD];
	_ =	sdelay $0x3  }
0x96: {  	_ =	strace s2  }
0x97: {  	_ =	strace $0x8FFFFFFF  }
0x98: {  	s18 =	sld [smem:$0x3FDB];
	_ =	sdelay $0x1  }
0x99: {  	s19 =	simm.s32 $_scs_section_size  }
0x9a: {  	s4 =	simm.s32 $_size__tile_overlayer_lowered;
	s5 =	simm.s32 $_tile_overlayer_lowered  }
0x9b: {  	s22 =	simm.s32 $0x1BFF;
	s21 =	sshll.u32 s5, $0x1;
	s2 =	sadd.s32 s19, s18  }
0x9c: {  	s6 =	simm.s32 $0x0;
	s20 =	sshll.u32 s4, $0x1;
	s4 =	sadd.s32 s21, s2  }
0x9d: {  	[timem:s6], [sflag:s22] =	dma.local [hbm:s4], s20  }
0x9e: {  	_ =	swait.ge [sflag:s22], s20  }
0x9f: {  	s3 =	ssub.s32 $0x0, s20;
	[sflag:s22] =	ssyncset.done $0x0  }
0xa0: {  	[sflag:s22] =	ssyncadd.s32 s3;
	_ =	sdelay $0x1  }
0xa1: {  	s23 =	simm.s32 $0x1B8B  }
0xa2: {  	_ =	swait.ge [sflag:s23], $0x1  }
0xa3: {  	[sflag:s23] =	ssyncset.done $0x0  }
0xa4: {  	s25 =	simm.s32 $0x1B8E;
	s24 =	sld [smem:$0x3FFE];
	[sflag:s23] =	ssyncadd.s32 $0xFFFFFFFF  }
0xa5: {  	s26 =	simm.s32 $execute0_lowered;
	[smem:$0x3FD2] =	sst s25  }
0xa6: {  	s4 =	sshll.u32 s26, $0x1;
	_ =	strace $0x80000049;
	[dreg:$0x1] =	wrdreg $0xFFFFFFFF  }
0xa7: {  	s28 =	simm.s32 $_size_execute0_lowered;
	s2 =	sadd.s32 s2, s4;
	[dreg:$0x0] =	wrdreg $0x0  }
0xa8: {  	s4 =	sshll.u32 s28, $0x1;
	[dreg:$0x2] =	wrdreg s2  }
0xa9: {  	[dreg:$0x3] =	wrdreg s4  }
0xaa: {  	[dreg:$0x4] =	wrdreg $0xC0  }
0xab: {  	_ =	task [dreg:s6], $0x5FFFF  }
0xac: {  	[dreg:$0x1] =	wrdreg $0xFFFFFFFF  }
0xad: {  	[dreg:$0x0] =	wrdreg $0x60  }
0xae: {  	[dreg:$0x2] =	wrdreg s24  }
0xaf: {  	[dreg:$0x3] =	wrdreg $0x9  }
0xb0: {  	_ =	task.clear_ibuf [dreg:s6], $0x4FFFF;
	_ =	strace $0x90000049  }
0xb1: {  	s29 =	simm.s32 $0x9;
	_ =	strace $0x8000004B  }
0xb2: {  	_ =	swait.ge [sflag:s29], $0x1  }
0xb3: {  	[sflag:s29] =	ssyncadd.s32 $0xFFFFFFFF  }
0xb4: {  	_ =	strace $0x9000004B  }
0xb5: {  	_ =	sfence  }
0xb6: {  	s30 =	sld [smem:$0x0];
	_ =	sdelay $0x2  }
0xb7: {  	s31 =	sshll.u32 s1, $0xD;
	s1 =	sshrl.u32 s1, $0x2  }
0xb8: {  	s3 =	sand.u32 $0x4000, s31;
	s1 =	sadd.s32 s1, s30  }
0xb9: {  	s0 =	sor.u32 s3, s0;
	s1 =	sshll.u32 s1, $0x11  }
0xba: {  	s0 =	sor.u32 s1, s0  }
0xbb: {  	s0 =	sadd.s32 $0x8F2B, s0  }
0xbc: {  	[sflag:s0] =	ssyncadd.remote.s32 $0x1  }
0xbd: {  	_ =	sfence.sel $0xFFFF  }
0xbe: {  	[dreg:$0x0] =	wrdreg $0xFFFFFFFF;
	(pc) =	sbr.abs _section_cstart, $3  }
0xbf: {  	[dreg:$0x1] =	wrdreg $0xFFFFFFFF  }
0xc0: {  	_ =	task.clear_ibuf [dreg:s6], $0x2FFFF;
	_ =	strace $0x9FFFFFFF  }
0xc1: {  	(tm) =	ssettm $0x7FFFFFFF  }
tec
execute0_lowered:
.L_overlay_start_1:
0x0: {  	(tag) =	ssettag $0x1  }
0x1: {  	s0 =	rddreg [dreg:$0x0]  }
0x2: {  	s1 =	srdreg.scid;
	s3 =	stileid.u32;
	s2 =	simm.s32 $0x0  }
0x3: {  	s26 =	simm.s32 $0x80;
	s28 =	simm.s32 $0x5900;
	s29 =	simm.s32 $0xC900  }
0x4: {  	s30 =	simm.s32 $0xD100;
	s31 =	simm.s32 $0xD900;
	s13 =	simm.s32 $0x6100  }
0x5: {  	s1 =	sand.u32 $0x1, s1;
	s3 =	sshll.u32 s3, $0x5;
	[smem:$0x7FF] =	sst s2  }
0x6: {  	s6 =	sadd.s32 $0x2400, s0;
	s7 =	sadd.s32 $0x62400, s0;
	s4 =	sshll.u32 s1, $0x4  }
0x7: {  	_ =	strace $0x8000004A;
	s1 =	ssub.s32 $0x2, s1;
	[dreg:$0xc] =	wrdreg s26  }
0x8: {  	s26 =	simm.s32 $0x5100;
	s4 =	sor.u32 s4, s3;
	s3 =	sadd.s32 $0x182400, s0  }
0x9: {  	s10 =	sshrl.u32 s1, $0x1;
	s5 =	sadd.s32 s4, s0;
	s9 =	smul.u32 $0x300, s4  }
0xa: {  	s4 =	smul.u32 $0x1800, s4;
	s1 =	ssub.s32 s1, s10;
	s8 =	sadd.s32 $0x2200, s5  }
0xb: {  	s5 =	sadd.s32 $0x2000, s5;
	s12 =	smax.u32 s1, $0x1;
	[dreg:$0x2] =	wrdreg s8  }
0xc: {  	s1 =	simm.s32 $0x3;
	[dreg:$0x3] =	wrdreg s5;
	s16 =	sadd.s32 s6, s9  }
0xd: {  	s17 =	sadd.s32 s7, s9;
	s18 =	sor.u32 $0xC00, s9;
	s4 =	sshrl.u32 s4, $0x3  }
0xe: {  	s5 =	sadd.s32 $0x182600, s0;
	s8 =	simm.s32 $0x12100;
	[dreg:$0x4] =	wrdreg s16  }
0xf: {  	[dreg:$0x5] =	wrdreg s17;
	s19 =	sadd.s32 s6, s18;
	s20 =	sadd.s32 s7, s18  }
0x10: {  	s21 =	sadd.s32 $0x1800, s4;
	s24 =	sadd.s32 $0x2400, s4;
	s4 =	sadd.s32 $0x182500, s0  }
0x11: {  	s16 =	simm.s32 $0x1100;
	s17 =	simm.s32 $0x1900;
	[dreg:$0x6] =	wrdreg s19  }
0x12: {  	s18 =	simm.s32 $0x2100;
	[dreg:$0x7] =	wrdreg s20;
	s22 =	sadd.s32 s6, s21  }
0x13: {  	s23 =	sadd.s32 s7, s21;
	s6 =	sadd.s32 s6, s24;
	[dreg:$0x8] =	wrdreg s22  }
0x14: {  	s25 =	sadd.s32 s7, s24;
	s7 =	simm.s32 $0x5;
	[dreg:$0x9] =	wrdreg s23  }
0x15: {  	v2 =	vlaneseq.u32;
	s19 =	simm.s32 $0x2900;
	s24 =	simm.s32 $0x4100;
	[dreg:$0xa] =	wrdreg s6  }
0x16: {  	vm0 =	vmmov $0xffff;
	v1 =	vshrl.u32 v2, $0x3;
	s21 =	simm.s32 $0xF900;
	s20 =	simm.s32 $0x10900;
	[dreg:$0xb] =	wrdreg s25  }
0x17: {  	v0 =	vand.u32 $0x7, v2;
	v2 =	vor.u32 $0x8, v2;
	v1 =	vmul.u32 $0x8, v1;
	s22 =	simm.s32 $0x3100;
	s23 =	simm.s32 $0x3900;
	s25 =	simm.s32 $0x4900  }
.LBB2_1:
0x18: {  	s14 =	rddreg [dreg:$0x2]  }
0x19: {  	[tilespmem:s2], [sflag:$0x5] =	stream.linear.gather [hbm4b:s14+s2], $0x80, $0x38;
	[tilespmem:$0x18100] =	vst v63  }
0x1a: {  	_ =	swait.ge [sflag:s7], $0x80  }
0x1b: {  	s0 =	rddreg [dreg:$0x3];
	[sflag:s7] =	ssyncset.done $0x0  }
0x1c: {  	s15 =	rddreg [dreg:$0xc];
	[sflag:s7] =	ssyncadd.s32 $0xFFFFFF80  }
0x1d: {  	[tilespmem:s15], [sflag:$0x5] =	stream.linear.gather [hbm4b:s0+s2], $0x80, $0x38;
	[tilespmem:$0x18100] =	vst v63  }
0x1e: {  	_ =	swait.ge [sflag:s7], $0x80  }
0x1f: {  	[sflag:s7] =	ssyncset.done $0x0  }
0x20: {  	[sflag:s7] =	ssyncadd.s32 $0xFFFFFF80  }
0x21: {  	v3 =	vld [tilespmem:$0x0];
	_ =	sdelay $0x4  }
0x22: {  	v4 =	vshrl.u32 v3, $0x3  }
0x23: {  	v4 =	vmul.u32 $0x30, v4  }
0x24: {  	v3 =	vand.u32 $0x7, v3  }
0x25: {  	v3 =	vor.u32 v3, v4  }
0x26: {  	v4 =	vperm.xlane v3, v0;
	_ =	sdelay $0x1  }
0x27: {  	v4 =	vadd.s32 v1, v4;
	_ =	sdelay $0x3  }
0x28: {  	s0 =	simm.s32 $0x100;
	v3 =	vperm.xlane v3, v2  }
0x29: {  	[tilespmem:s0], [sflag:$0x1] =	stream.indirect_vreg.gather [hbm4b:s3+s2], $0x80, v4, vm0, $0xb8;
	[tilespmem:$0x18100] =	vst v63  }
0x2a: {  	s15 =	simm.s32 $0x900;
	v3 =	vadd.s32 v1, v3  }
0x2b: {  	[tilespmem:s15], [sflag:$0x1] =	stream.indirect_vreg.gather [hbm4b:s4+s2], $0x80, v4, vm0, $0xb8;
	[tilespmem:$0x18100] =	vst v63  }
0x2c: {  	_ = 	snop  }
0x2d: {  	[tilespmem:s16], [sflag:$0x1] =	stream.indirect_vreg.gather [hbm4b:s5+s2], $0x80, v4, vm0, $0xb8;
	[tilespmem:$0x18100] =	vst v63  }
0x2e: {  	_ = 	snop  }
0x2f: {  	[tilespmem:s17], [sflag:$0x1] =	stream.indirect_vreg.gather [hbm4b:s3+s2], $0x80, v3, vm0, $0xb8;
	[tilespmem:$0x18100] =	vst v63  }
0x30: {  	_ = 	snop  }
0x31: {  	[tilespmem:s18], [sflag:$0x1] =	stream.indirect_vreg.gather [hbm4b:s4+s2], $0x80, v3, vm0, $0xb8;
	[tilespmem:$0x18100] =	vst v63  }
0x32: {  	_ = 	snop  }
0x33: {  	[tilespmem:s19], [sflag:$0x1] =	stream.indirect_vreg.gather [hbm4b:s5+s2], $0x80, v3, vm0, $0xb8;
	[tilespmem:$0x18100] =	vst v63  }
0x34: {  	v3 =	vld [tilespmem:$0x10];
	_ =	sdelay $0x4  }
0x35: {  	v49 =	vshrl.u32 v3, $0x3  }
0x36: {  	v4 =	vmul.u32 $0x30, v49  }
0x37: {  	v3 =	vand.u32 $0x7, v3  }
0x38: {  	v3 =	vor.u32 v3, v4  }
0x39: {  	v4 =	vperm.xlane v3, v0;
	_ =	sdelay $0x1  }
0x3a: {  	v4 =	vadd.s32 v1, v4;
	_ =	sdelay $0x3  }
0x3b: {  	v3 =	vperm.xlane v3, v2  }
0x3c: {  	[tilespmem:s22], [sflag:$0x1] =	stream.indirect_vreg.gather [hbm4b:s3+s2], $0x80, v4, vm0, $0xb8;
	[tilespmem:$0x18100] =	vst v63  }
0x3d: {  	v3 =	vadd.s32 v1, v3  }
0x3e: {  	[tilespmem:s23], [sflag:$0x1] =	stream.indirect_vreg.gather [hbm4b:s4+s2], $0x80, v4, vm0, $0xb8;
	[tilespmem:$0x18100] =	vst v63  }
0x3f: {  	_ = 	snop  }
0x40: {  	[tilespmem:s24], [sflag:$0x1] =	stream.indirect_vreg.gather [hbm4b:s5+s2], $0x80, v4, vm0, $0xb8;
	[tilespmem:$0x18100] =	vst v63  }
0x41: {  	_ = 	snop  }
0x42: {  	[tilespmem:s25], [sflag:$0x1] =	stream.indirect_vreg.gather [hbm4b:s3+s2], $0x80, v3, vm0, $0xb8;
	[tilespmem:$0x18100] =	vst v63  }
0x43: {  	_ = 	snop  }
0x44: {  	[tilespmem:s26], [sflag:$0x1] =	stream.indirect_vreg.gather [hbm4b:s4+s2], $0x80, v3, vm0, $0xb8;
	[tilespmem:$0x18100] =	vst v63  }
0x45: {  	_ = 	snop  }
0x46: {  	[tilespmem:s28], [sflag:$0x1] =	stream.indirect_vreg.gather [hbm4b:s5+s2], $0x80, v3, vm0, $0xb8;
	[tilespmem:$0x18100] =	vst v63  }
0x47: {  	v3 =	vld [tilespmem:$0x80];
	_ =	sdelay $0x4  }
0x48: {  	v50 =	vshrl.u32 v3, $0x3  }
0x49: {  	v4 =	vmul.u32 $0x30, v50  }
0x4a: {  	v3 =	vand.u32 $0x7, v3  }
0x4b: {  	v3 =	vor.u32 v3, v4  }
0x4c: {  	v4 =	vperm.xlane v3, v0;
	_ =	sdelay $0x1  }
0x4d: {  	v4 =	vadd.s32 v1, v4;
	_ =	sdelay $0x3  }
0x4e: {  	s6 =	simm.s32 $0xC100;
	v3 =	vperm.xlane v3, v2  }
0x4f: {  	[tilespmem:s6], [sflag:$0x3] =	stream.indirect_vreg.gather [hbm4b:s3+s2], $0x80, v4, vm0, $0xb8;
	[tilespmem:$0x18100] =	vst v63  }
0x50: {  	v3 =	vadd.s32 v1, v3  }
0x51: {  	[tilespmem:s29], [sflag:$0x3] =	stream.indirect_vreg.gather [hbm4b:s4+s2], $0x80, v4, vm0, $0xb8;
	[tilespmem:$0x18100] =	vst v63  }
0x52: {  	_ = 	snop  }
0x53: {  	[tilespmem:s30], [sflag:$0x3] =	stream.indirect_vreg.gather [hbm4b:s5+s2], $0x80, v4, vm0, $0xb8;
	[tilespmem:$0x18100] =	vst v63  }
0x54: {  	_ = 	snop  }
0x55: {  	[tilespmem:s31], [sflag:$0x3] =	stream.indirect_vreg.gather [hbm4b:s3+s2], $0x80, v3, vm0, $0xb8;
	[tilespmem:$0x18100] =	vst v63  }
0x56: {  	s9 =	simm.s32 $0xE100  }
0x57: {  	[tilespmem:s9], [sflag:$0x3] =	stream.indirect_vreg.gather [hbm4b:s4+s2], $0x80, v3, vm0, $0xb8;
	[tilespmem:$0x18100] =	vst v63  }
0x58: {  	s9 =	simm.s32 $0xE900  }
0x59: {  	[tilespmem:s9], [sflag:$0x3] =	stream.indirect_vreg.gather [hbm4b:s5+s2], $0x80, v3, vm0, $0xb8;
	[tilespmem:$0x18100] =	vst v63  }
0x5a: {  	v3 =	vld [tilespmem:$0x90];
	_ =	sdelay $0x4  }
0x5b: {  	v51 =	vshrl.u32 v3, $0x3  }
0x5c: {  	v4 =	vmul.u32 $0x30, v51  }
0x5d: {  	v3 =	vand.u32 $0x7, v3  }
0x5e: {  	v3 =	vor.u32 v3, v4  }
0x5f: {  	v4 =	vperm.xlane v3, v0;
	_ =	sdelay $0x1  }
0x60: {  	v4 =	vadd.s32 v1, v4;
	_ =	sdelay $0x3  }
0x61: {  	s10 =	simm.s32 $0xF100;
	v3 =	vperm.xlane v3, v2  }
0x62: {  	[tilespmem:s10], [sflag:$0x3] =	stream.indirect_vreg.gather [hbm4b:s3+s2], $0x80, v4, vm0, $0xb8;
	[tilespmem:$0x18100] =	vst v63  }
0x63: {  	v3 =	vadd.s32 v1, v3  }
0x64: {  	[tilespmem:s21], [sflag:$0x3] =	stream.indirect_vreg.gather [hbm4b:s4+s2], $0x80, v4, vm0, $0xb8;
	[tilespmem:$0x18100] =	vst v63  }
0x65: {  	s10 =	simm.s32 $0x10100  }
0x66: {  	[tilespmem:s10], [sflag:$0x3] =	stream.indirect_vreg.gather [hbm4b:s5+s2], $0x80, v4, vm0, $0xb8;
	[tilespmem:$0x18100] =	vst v63  }
0x67: {  	_ = 	snop  }
0x68: {  	[tilespmem:s20], [sflag:$0x3] =	stream.indirect_vreg.gather [hbm4b:s3+s2], $0x80, v3, vm0, $0xb8;
	[tilespmem:$0x18100] =	vst v63  }
0x69: {  	s11 =	simm.s32 $0x11100  }
0x6a: {  	[tilespmem:s11], [sflag:$0x3] =	stream.indirect_vreg.gather [hbm4b:s4+s2], $0x80, v3, vm0, $0xb8;
	[tilespmem:$0x18100] =	vst v63  }
0x6b: {  	s14 =	simm.s32 $0x11900  }
0x6c: {  	[tilespmem:s14], [sflag:$0x3] =	stream.indirect_vreg.gather [hbm4b:s5+s2], $0x80, v3, vm0, $0xb8;
	[tilespmem:$0x18100] =	vst v63  }
0x6d: {  	v3 =	vld [tilespmem:$0x20];
	_ =	sdelay $0x4  }
0x6e: {  	v52 =	vshrl.u32 v3, $0x3  }
0x6f: {  	v4 =	vmul.u32 $0x30, v52  }
0x70: {  	v3 =	vand.u32 $0x7, v3  }
0x71: {  	v3 =	vor.u32 v3, v4  }
0x72: {  	v4 =	vperm.xlane v3, v0;
	_ =	sdelay $0x1  }
0x73: {  	v4 =	vadd.s32 v1, v4;
	_ =	sdelay $0x3  }
0x74: {  	v3 =	vperm.xlane v3, v2  }
0x75: {  	[tilespmem:s13], [sflag:$0x2] =	stream.indirect_vreg.gather [hbm4b:s3+s2], $0x80, v4, vm0, $0xb8;
	[tilespmem:$0x18100] =	vst v63  }
0x76: {  	s6 =	simm.s32 $0x6900;
	v3 =	vadd.s32 v1, v3  }
0x77: {  	[tilespmem:s6], [sflag:$0x2] =	stream.indirect_vreg.gather [hbm4b:s4+s2], $0x80, v4, vm0, $0xb8;
	[tilespmem:$0x18100] =	vst v63  }
0x78: {  	s11 =	simm.s32 $0x7100  }
0x79: {  	[tilespmem:s11], [sflag:$0x2] =	stream.indirect_vreg.gather [hbm4b:s5+s2], $0x80, v4, vm0, $0xb8;
	[tilespmem:$0x18100] =	vst v63  }
0x7a: {  	s14 =	simm.s32 $0x7900  }
0x7b: {  	[tilespmem:s14], [sflag:$0x2] =	stream.indirect_vreg.gather [hbm4b:s3+s2], $0x80, v3, vm0, $0xb8;
	[tilespmem:$0x18100] =	vst v63  }
0x7c: {  	s6 =	simm.s32 $0x8100  }
0x7d: {  	[tilespmem:s6], [sflag:$0x2] =	stream.indirect_vreg.gather [hbm4b:s4+s2], $0x80, v3, vm0, $0xb8;
	[tilespmem:$0x18100] =	vst v63  }
0x7e: {  	s11 =	simm.s32 $0x8900  }
0x7f: {  	[tilespmem:s11], [sflag:$0x2] =	stream.indirect_vreg.gather [hbm4b:s5+s2], $0x80, v3, vm0, $0xb8;
	[tilespmem:$0x18100] =	vst v63  }
0x80: {  	v3 =	vld [tilespmem:$0x30];
	_ =	sdelay $0x4  }
0x81: {  	v53 =	vshrl.u32 v3, $0x3  }
0x82: {  	v4 =	vmul.u32 $0x30, v53  }
0x83: {  	v3 =	vand.u32 $0x7, v3  }
0x84: {  	v3 =	vor.u32 v3, v4  }
0x85: {  	v4 =	vperm.xlane v3, v0;
	_ =	sdelay $0x1  }
0x86: {  	v4 =	vadd.s32 v1, v4;
	_ =	sdelay $0x3  }
0x87: {  	s14 =	simm.s32 $0x9100;
	v3 =	vperm.xlane v3, v2  }
0x88: {  	[tilespmem:s14], [sflag:$0x2] =	stream.indirect_vreg.gather [hbm4b:s3+s2], $0x80, v4, vm0, $0xb8;
	[tilespmem:$0x18100] =	vst v63  }
0x89: {  	s6 =	simm.s32 $0x9900;
	v3 =	vadd.s32 v1, v3  }
0x8a: {  	[tilespmem:s6], [sflag:$0x2] =	stream.indirect_vreg.gather [hbm4b:s4+s2], $0x80, v4, vm0, $0xb8;
	[tilespmem:$0x18100] =	vst v63  }
0x8b: {  	s11 =	simm.s32 $0xA100  }
0x8c: {  	[tilespmem:s11], [sflag:$0x2] =	stream.indirect_vreg.gather [hbm4b:s5+s2], $0x80, v4, vm0, $0xb8;
	[tilespmem:$0x18100] =	vst v63  }
0x8d: {  	s14 =	simm.s32 $0xA900  }
0x8e: {  	[tilespmem:s14], [sflag:$0x2] =	stream.indirect_vreg.gather [hbm4b:s3+s2], $0x80, v3, vm0, $0xb8;
	[tilespmem:$0x18100] =	vst v63  }
0x8f: {  	s6 =	simm.s32 $0xB100  }
0x90: {  	[tilespmem:s6], [sflag:$0x2] =	stream.indirect_vreg.gather [hbm4b:s4+s2], $0x80, v3, vm0, $0xb8;
	[tilespmem:$0x18100] =	vst v63  }
0x91: {  	s11 =	simm.s32 $0xB900  }
0x92: {  	[tilespmem:s11], [sflag:$0x2] =	stream.indirect_vreg.gather [hbm4b:s5+s2], $0x80, v3, vm0, $0xb8;
	[tilespmem:$0x18100] =	vst v63  }
0x93: {  	v3 =	vld [tilespmem:$0xA0];
	_ =	sdelay $0x4  }
0x94: {  	v54 =	vshrl.u32 v3, $0x3  }
0x95: {  	v4 =	vmul.u32 $0x30, v54  }
0x96: {  	v3 =	vand.u32 $0x7, v3  }
0x97: {  	v3 =	vor.u32 v3, v4  }
0x98: {  	v4 =	vperm.xlane v3, v0;
	_ =	sdelay $0x1  }
0x99: {  	v4 =	vadd.s32 v1, v4;
	_ =	sdelay $0x3  }
0x9a: {  	v3 =	vperm.xlane v3, v2  }
0x9b: {  	[tilespmem:s8], [sflag:$0x4] =	stream.indirect_vreg.gather [hbm4b:s3+s2], $0x80, v4, vm0, $0xb8;
	[tilespmem:$0x18100] =	vst v63  }
0x9c: {  	s14 =	simm.s32 $0x12900;
	v3 =	vadd.s32 v1, v3  }
0x9d: {  	[tilespmem:s14], [sflag:$0x4] =	stream.indirect_vreg.gather [hbm4b:s4+s2], $0x80, v4, vm0, $0xb8;
	[tilespmem:$0x18100] =	vst v63  }
0x9e: {  	s6 =	simm.s32 $0x13100  }
0x9f: {  	[tilespmem:s6], [sflag:$0x4] =	stream.indirect_vreg.gather [hbm4b:s5+s2], $0x80, v4, vm0, $0xb8;
	[tilespmem:$0x18100] =	vst v63  }
0xa0: {  	s11 =	simm.s32 $0x13900  }
0xa1: {  	[tilespmem:s11], [sflag:$0x4] =	stream.indirect_vreg.gather [hbm4b:s3+s2], $0x80, v3, vm0, $0xb8;
	[tilespmem:$0x18100] =	vst v63  }
0xa2: {  	s14 =	simm.s32 $0x14100  }
0xa3: {  	[tilespmem:s14], [sflag:$0x4] =	stream.indirect_vreg.gather [hbm4b:s4+s2], $0x80, v3, vm0, $0xb8;
	[tilespmem:$0x18100] =	vst v63  }
0xa4: {  	s6 =	simm.s32 $0x14900  }
0xa5: {  	[tilespmem:s6], [sflag:$0x4] =	stream.indirect_vreg.gather [hbm4b:s5+s2], $0x80, v3, vm0, $0xb8;
	[tilespmem:$0x18100] =	vst v63  }
0xa6: {  	v3 =	vld [tilespmem:$0xB0];
	_ =	sdelay $0x4  }
0xa7: {  	v55 =	vshrl.u32 v3, $0x3  }
0xa8: {  	v4 =	vmul.u32 $0x30, v55  }
0xa9: {  	v3 =	vand.u32 $0x7, v3  }
0xaa: {  	v3 =	vor.u32 v3, v4  }
0xab: {  	v4 =	vperm.xlane v3, v0;
	_ =	sdelay $0x1  }
0xac: {  	v4 =	vadd.s32 v1, v4;
	_ =	sdelay $0x3  }
0xad: {  	s11 =	simm.s32 $0x15100;
	v3 =	vperm.xlane v3, v2  }
0xae: {  	[tilespmem:s11], [sflag:$0x4] =	stream.indirect_vreg.gather [hbm4b:s3+s2], $0x80, v4, vm0, $0xb8;
	[tilespmem:$0x18100] =	vst v63  }
0xaf: {  	s14 =	simm.s32 $0x15900;
	v3 =	vadd.s32 v1, v3  }
0xb0: {  	[tilespmem:s14], [sflag:$0x4] =	stream.indirect_vreg.gather [hbm4b:s4+s2], $0x80, v4, vm0, $0xb8;
	[tilespmem:$0x18100] =	vst v63  }
0xb1: {  	s6 =	simm.s32 $0x16100  }
0xb2: {  	[tilespmem:s6], [sflag:$0x4] =	stream.indirect_vreg.gather [hbm4b:s5+s2], $0x80, v4, vm0, $0xb8;
	[tilespmem:$0x18100] =	vst v63  }
0xb3: {  	s11 =	simm.s32 $0x16900  }
0xb4: {  	[tilespmem:s11], [sflag:$0x4] =	stream.indirect_vreg.gather [hbm4b:s3+s2], $0x80, v3, vm0, $0xb8;
	[tilespmem:$0x18100] =	vst v63  }
0xb5: {  	s14 =	simm.s32 $0x17100  }
0xb6: {  	[tilespmem:s14], [sflag:$0x4] =	stream.indirect_vreg.gather [hbm4b:s4+s2], $0x80, v3, vm0, $0xb8;
	[tilespmem:$0x18100] =	vst v63  }
0xb7: {  	s0 =	simm.s32 $0x1;
	s6 =	simm.s32 $0x17900  }
0xb8: {  	[tilespmem:s6], [sflag:$0x4] =	stream.indirect_vreg.gather [hbm4b:s5+s2], $0x80, v3, vm0, $0xb8;
	[tilespmem:$0x18100] =	vst v63  }
0xb9: {  	_ =	swait.ge [sflag:s0], $0x6000  }
0xba: {  	[sflag:s0] =	ssyncset.done $0x0  }
0xbb: {  	[sflag:s0] =	ssyncadd.s32 $0xFFFFA000  }
0xbc: {  	_ =	swait.ge [sflag:s1], $0x6000  }
0xbd: {  	[sflag:s1] =	ssyncset.done $0x0  }
0xbe: {  	s6 =	simm.s32 $0x100;
	s11 =	rddreg [dreg:$0x4];
	[sflag:s1] =	ssyncadd.s32 $0xFFFFA000  }
0xbf: {  	[hbm4b:s11+s2] =	stream.linear.scatter [tilespmem:s6], [sflag:$0x5], $0x6000, $0x38;
	[tilespmem:$0x18100] =	vst v63  }
0xc0: {  	_ =	swait.ge [sflag:s7], $0x6000  }
0xc1: {  	[sflag:s7] =	ssyncset.done $0x0  }
0xc2: {  	s11 =	simm.s32 $0xC100;
	s14 =	rddreg [dreg:$0x5];
	[sflag:s7] =	ssyncadd.s32 $0xFFFFA000  }
0xc3: {  	[hbm4b:s14+s2] =	stream.linear.scatter [tilespmem:s11], [sflag:$0x5], $0x6000, $0x38;
	[tilespmem:$0x18100] =	vst v63  }
0xc4: {  	_ =	swait.ge [sflag:s7], $0x6000  }
0xc5: {  	[sflag:s7] =	ssyncset.done $0x0  }
0xc6: {  	[sflag:s7] =	ssyncadd.s32 $0xFFFFA000  }
0xc7: {  	v3 =	vld [tilespmem:$0x40];
	_ =	sdelay $0x4  }
0xc8: {  	v56 =	vshrl.u32 v3, $0x3  }
0xc9: {  	v4 =	vmul.u32 $0x30, v56  }
0xca: {  	v3 =	vand.u32 $0x7, v3  }
0xcb: {  	v3 =	vor.u32 v3, v4  }
0xcc: {  	v4 =	vperm.xlane v3, v0;
	_ =	sdelay $0x1  }
0xcd: {  	v4 =	vadd.s32 v1, v4;
	_ =	sdelay $0x3  }
0xce: {  	v3 =	vperm.xlane v3, v2  }
0xcf: {  	[tilespmem:s6], [sflag:$0x1] =	stream.indirect_vreg.gather [hbm4b:s3+s2], $0x80, v4, vm0, $0xb8;
	[tilespmem:$0x18100] =	vst v63  }
0xd0: {  	v3 =	vadd.s32 v1, v3  }
0xd1: {  	[tilespmem:s15], [sflag:$0x1] =	stream.indirect_vreg.gather [hbm4b:s4+s2], $0x80, v4, vm0, $0xb8;
	[tilespmem:$0x18100] =	vst v63  }
0xd2: {  	_ = 	snop  }
0xd3: {  	[tilespmem:s16], [sflag:$0x1] =	stream.indirect_vreg.gather [hbm4b:s5+s2], $0x80, v4, vm0, $0xb8;
	[tilespmem:$0x18100] =	vst v63  }
0xd4: {  	_ = 	snop  }
0xd5: {  	[tilespmem:s17], [sflag:$0x1] =	stream.indirect_vreg.gather [hbm4b:s3+s2], $0x80, v3, vm0, $0xb8;
	[tilespmem:$0x18100] =	vst v63  }
0xd6: {  	_ = 	snop  }
0xd7: {  	[tilespmem:s18], [sflag:$0x1] =	stream.indirect_vreg.gather [hbm4b:s4+s2], $0x80, v3, vm0, $0xb8;
	[tilespmem:$0x18100] =	vst v63  }
0xd8: {  	_ = 	snop  }
0xd9: {  	[tilespmem:s19], [sflag:$0x1] =	stream.indirect_vreg.gather [hbm4b:s5+s2], $0x80, v3, vm0, $0xb8;
	[tilespmem:$0x18100] =	vst v63  }
0xda: {  	v3 =	vld [tilespmem:$0x50];
	_ =	sdelay $0x4  }
0xdb: {  	v57 =	vshrl.u32 v3, $0x3  }
0xdc: {  	v4 =	vmul.u32 $0x30, v57  }
0xdd: {  	v3 =	vand.u32 $0x7, v3  }
0xde: {  	v3 =	vor.u32 v3, v4  }
0xdf: {  	v4 =	vperm.xlane v3, v0;
	_ =	sdelay $0x1  }
0xe0: {  	v4 =	vadd.s32 v1, v4;
	_ =	sdelay $0x3  }
0xe1: {  	v3 =	vperm.xlane v3, v2  }
0xe2: {  	[tilespmem:s22], [sflag:$0x1] =	stream.indirect_vreg.gather [hbm4b:s3+s2], $0x80, v4, vm0, $0xb8;
	[tilespmem:$0x18100] =	vst v63  }
0xe3: {  	v3 =	vadd.s32 v1, v3  }
0xe4: {  	[tilespmem:s23], [sflag:$0x1] =	stream.indirect_vreg.gather [hbm4b:s4+s2], $0x80, v4, vm0, $0xb8;
	[tilespmem:$0x18100] =	vst v63  }
0xe5: {  	_ = 	snop  }
0xe6: {  	[tilespmem:s24], [sflag:$0x1] =	stream.indirect_vreg.gather [hbm4b:s5+s2], $0x80, v4, vm0, $0xb8;
	[tilespmem:$0x18100] =	vst v63  }
0xe7: {  	_ = 	snop  }
0xe8: {  	[tilespmem:s25], [sflag:$0x1] =	stream.indirect_vreg.gather [hbm4b:s3+s2], $0x80, v3, vm0, $0xb8;
	[tilespmem:$0x18100] =	vst v63  }
0xe9: {  	_ = 	snop  }
0xea: {  	[tilespmem:s26], [sflag:$0x1] =	stream.indirect_vreg.gather [hbm4b:s4+s2], $0x80, v3, vm0, $0xb8;
	[tilespmem:$0x18100] =	vst v63  }
0xeb: {  	_ = 	snop  }
0xec: {  	[tilespmem:s28], [sflag:$0x1] =	stream.indirect_vreg.gather [hbm4b:s5+s2], $0x80, v3, vm0, $0xb8;
	[tilespmem:$0x18100] =	vst v63  }
0xed: {  	v3 =	vld [tilespmem:$0xC0];
	_ =	sdelay $0x4  }
0xee: {  	v58 =	vshrl.u32 v3, $0x3  }
0xef: {  	v4 =	vmul.u32 $0x30, v58  }
0xf0: {  	v3 =	vand.u32 $0x7, v3  }
0xf1: {  	v3 =	vor.u32 v3, v4  }
0xf2: {  	v4 =	vperm.xlane v3, v0;
	_ =	sdelay $0x1  }
0xf3: {  	v4 =	vadd.s32 v1, v4;
	_ =	sdelay $0x3  }
0xf4: {  	v3 =	vperm.xlane v3, v2  }
0xf5: {  	[tilespmem:s11], [sflag:$0x3] =	stream.indirect_vreg.gather [hbm4b:s3+s2], $0x80, v4, vm0, $0xb8;
	[tilespmem:$0x18100] =	vst v63  }
0xf6: {  	v3 =	vadd.s32 v1, v3  }
0xf7: {  	[tilespmem:s29], [sflag:$0x3] =	stream.indirect_vreg.gather [hbm4b:s4+s2], $0x80, v4, vm0, $0xb8;
	[tilespmem:$0x18100] =	vst v63  }
0xf8: {  	_ = 	snop  }
0xf9: {  	[tilespmem:s30], [sflag:$0x3] =	stream.indirect_vreg.gather [hbm4b:s5+s2], $0x80, v4, vm0, $0xb8;
	[tilespmem:$0x18100] =	vst v63  }
0xfa: {  	_ = 	snop  }
0xfb: {  	[tilespmem:s31], [sflag:$0x3] =	stream.indirect_vreg.gather [hbm4b:s3+s2], $0x80, v3, vm0, $0xb8;
	[tilespmem:$0x18100] =	vst v63  }
0xfc: {  	s14 =	simm.s32 $0xE100  }
0xfd: {  	[tilespmem:s14], [sflag:$0x3] =	stream.indirect_vreg.gather [hbm4b:s4+s2], $0x80, v3, vm0, $0xb8;
	[tilespmem:$0x18100] =	vst v63  }
0xfe: {  	_ = 	snop  }
0xff: {  	[tilespmem:s9], [sflag:$0x3] =	stream.indirect_vreg.gather [hbm4b:s5+s2], $0x80, v3, vm0, $0xb8;
	[tilespmem:$0x18100] =	vst v63  }
0x100: {  	v3 =	vld [tilespmem:$0xD0];
	_ =	sdelay $0x4  }
0x101: {  	v59 =	vshrl.u32 v3, $0x3  }
0x102: {  	v4 =	vmul.u32 $0x30, v59  }
0x103: {  	v3 =	vand.u32 $0x7, v3  }
0x104: {  	v3 =	vor.u32 v3, v4  }
0x105: {  	v4 =	vperm.xlane v3, v0;
	_ =	sdelay $0x1  }
0x106: {  	v4 =	vadd.s32 v1, v4;
	_ =	sdelay $0x3  }
0x107: {  	s15 =	simm.s32 $0xF100;
	v3 =	vperm.xlane v3, v2  }
0x108: {  	[tilespmem:s15], [sflag:$0x3] =	stream.indirect_vreg.gather [hbm4b:s3+s2], $0x80, v4, vm0, $0xb8;
	[tilespmem:$0x18100] =	vst v63  }
0x109: {  	v3 =	vadd.s32 v1, v3  }
0x10a: {  	[tilespmem:s21], [sflag:$0x3] =	stream.indirect_vreg.gather [hbm4b:s4+s2], $0x80, v4, vm0, $0xb8;
	[tilespmem:$0x18100] =	vst v63  }
0x10b: {  	_ = 	snop  }
0x10c: {  	[tilespmem:s10], [sflag:$0x3] =	stream.indirect_vreg.gather [hbm4b:s5+s2], $0x80, v4, vm0, $0xb8;
	[tilespmem:$0x18100] =	vst v63  }
0x10d: {  	_ = 	snop  }
0x10e: {  	[tilespmem:s20], [sflag:$0x3] =	stream.indirect_vreg.gather [hbm4b:s3+s2], $0x80, v3, vm0, $0xb8;
	[tilespmem:$0x18100] =	vst v63  }
0x10f: {  	s11 =	simm.s32 $0x11100  }
0x110: {  	[tilespmem:s11], [sflag:$0x3] =	stream.indirect_vreg.gather [hbm4b:s4+s2], $0x80, v3, vm0, $0xb8;
	[tilespmem:$0x18100] =	vst v63  }
0x111: {  	s14 =	simm.s32 $0x11900;
	s9 =	simm.s32 $0x2  }
0x112: {  	[tilespmem:s14], [sflag:$0x3] =	stream.indirect_vreg.gather [hbm4b:s5+s2], $0x80, v3, vm0, $0xb8;
	[tilespmem:$0x18100] =	vst v63  }
0x113: {  	_ =	swait.ge [sflag:s9], $0x6000  }
0x114: {  	[sflag:s9] =	ssyncset.done $0x0  }
0x115: {  	s10 =	simm.s32 $0x4;
	[sflag:s9] =	ssyncadd.s32 $0xFFFFA000  }
0x116: {  	_ =	swait.ge [sflag:s10], $0x6000  }
0x117: {  	[sflag:s10] =	ssyncset.done $0x0  }
0x118: {  	s15 =	rddreg [dreg:$0x6];
	[sflag:s10] =	ssyncadd.s32 $0xFFFFA000  }
0x119: {  	[hbm4b:s15+s2] =	stream.linear.scatter [tilespmem:s13], [sflag:$0x5], $0x6000, $0x38;
	[tilespmem:$0x18100] =	vst v63  }
0x11a: {  	_ =	swait.ge [sflag:s7], $0x6000  }
0x11b: {  	[sflag:s7] =	ssyncset.done $0x0  }
0x11c: {  	s11 =	rddreg [dreg:$0x7];
	[sflag:s7] =	ssyncadd.s32 $0xFFFFA000  }
0x11d: {  	[hbm4b:s11+s2] =	stream.linear.scatter [tilespmem:s8], [sflag:$0x5], $0x6000, $0x38;
	[tilespmem:$0x18100] =	vst v63  }
0x11e: {  	_ =	swait.ge [sflag:s7], $0x6000  }
0x11f: {  	[sflag:s7] =	ssyncset.done $0x0  }
0x120: {  	[sflag:s7] =	ssyncadd.s32 $0xFFFFA000  }
0x121: {  	v3 =	vld [tilespmem:$0x60];
	_ =	sdelay $0x4  }
0x122: {  	v60 =	vshrl.u32 v3, $0x3  }
0x123: {  	v4 =	vmul.u32 $0x30, v60  }
0x124: {  	v3 =	vand.u32 $0x7, v3  }
0x125: {  	v3 =	vor.u32 v3, v4  }
0x126: {  	v4 =	vperm.xlane v3, v0;
	_ =	sdelay $0x1  }
0x127: {  	v4 =	vadd.s32 v1, v4;
	_ =	sdelay $0x3  }
0x128: {  	v3 =	vperm.xlane v3, v2  }
0x129: {  	[tilespmem:s13], [sflag:$0x2] =	stream.indirect_vreg.gather [hbm4b:s3+s2], $0x80, v4, vm0, $0xb8;
	[tilespmem:$0x18100] =	vst v63  }
0x12a: {  	s14 =	simm.s32 $0x6900;
	v3 =	vadd.s32 v1, v3  }
0x12b: {  	[tilespmem:s14], [sflag:$0x2] =	stream.indirect_vreg.gather [hbm4b:s4+s2], $0x80, v4, vm0, $0xb8;
	[tilespmem:$0x18100] =	vst v63  }
0x12c: {  	s15 =	simm.s32 $0x7100  }
0x12d: {  	[tilespmem:s15], [sflag:$0x2] =	stream.indirect_vreg.gather [hbm4b:s5+s2], $0x80, v4, vm0, $0xb8;
	[tilespmem:$0x18100] =	vst v63  }
0x12e: {  	s14 =	simm.s32 $0x7900  }
0x12f: {  	[tilespmem:s14], [sflag:$0x2] =	stream.indirect_vreg.gather [hbm4b:s3+s2], $0x80, v3, vm0, $0xb8;
	[tilespmem:$0x18100] =	vst v63  }
0x130: {  	s15 =	simm.s32 $0x8100  }
0x131: {  	[tilespmem:s15], [sflag:$0x2] =	stream.indirect_vreg.gather [hbm4b:s4+s2], $0x80, v3, vm0, $0xb8;
	[tilespmem:$0x18100] =	vst v63  }
0x132: {  	s14 =	simm.s32 $0x8900  }
0x133: {  	[tilespmem:s14], [sflag:$0x2] =	stream.indirect_vreg.gather [hbm4b:s5+s2], $0x80, v3, vm0, $0xb8;
	[tilespmem:$0x18100] =	vst v63  }
0x134: {  	v3 =	vld [tilespmem:$0x70];
	_ =	sdelay $0x4  }
0x135: {  	v61 =	vshrl.u32 v3, $0x3  }
0x136: {  	v4 =	vmul.u32 $0x30, v61  }
0x137: {  	v3 =	vand.u32 $0x7, v3  }
0x138: {  	v3 =	vor.u32 v3, v4  }
0x139: {  	v4 =	vperm.xlane v3, v0;
	_ =	sdelay $0x1  }
0x13a: {  	v4 =	vadd.s32 v1, v4;
	_ =	sdelay $0x3  }
0x13b: {  	s15 =	simm.s32 $0x9100;
	v3 =	vperm.xlane v3, v2  }
0x13c: {  	[tilespmem:s15], [sflag:$0x2] =	stream.indirect_vreg.gather [hbm4b:s3+s2], $0x80, v4, vm0, $0xb8;
	[tilespmem:$0x18100] =	vst v63  }
0x13d: {  	s14 =	simm.s32 $0x9900;
	v3 =	vadd.s32 v1, v3  }
0x13e: {  	[tilespmem:s14], [sflag:$0x2] =	stream.indirect_vreg.gather [hbm4b:s4+s2], $0x80, v4, vm0, $0xb8;
	[tilespmem:$0x18100] =	vst v63  }
0x13f: {  	s15 =	simm.s32 $0xA100  }
0x140: {  	[tilespmem:s15], [sflag:$0x2] =	stream.indirect_vreg.gather [hbm4b:s5+s2], $0x80, v4, vm0, $0xb8;
	[tilespmem:$0x18100] =	vst v63  }
0x141: {  	s14 =	simm.s32 $0xA900  }
0x142: {  	[tilespmem:s14], [sflag:$0x2] =	stream.indirect_vreg.gather [hbm4b:s3+s2], $0x80, v3, vm0, $0xb8;
	[tilespmem:$0x18100] =	vst v63  }
0x143: {  	s15 =	simm.s32 $0xB100  }
0x144: {  	[tilespmem:s15], [sflag:$0x2] =	stream.indirect_vreg.gather [hbm4b:s4+s2], $0x80, v3, vm0, $0xb8;
	[tilespmem:$0x18100] =	vst v63  }
0x145: {  	s14 =	simm.s32 $0xB900  }
0x146: {  	[tilespmem:s14], [sflag:$0x2] =	stream.indirect_vreg.gather [hbm4b:s5+s2], $0x80, v3, vm0, $0xb8;
	[tilespmem:$0x18100] =	vst v63  }
0x147: {  	v3 =	vld [tilespmem:$0xE0];
	_ =	sdelay $0x4  }
0x148: {  	v62 =	vshrl.u32 v3, $0x3  }
0x149: {  	v4 =	vmul.u32 $0x30, v62  }
0x14a: {  	v3 =	vand.u32 $0x7, v3  }
0x14b: {  	v3 =	vor.u32 v3, v4  }
0x14c: {  	v4 =	vperm.xlane v3, v0;
	_ =	sdelay $0x1  }
0x14d: {  	v4 =	vadd.s32 v1, v4;
	_ =	sdelay $0x3  }
0x14e: {  	v3 =	vperm.xlane v3, v2  }
0x14f: {  	[tilespmem:s8], [sflag:$0x4] =	stream.indirect_vreg.gather [hbm4b:s3+s2], $0x80, v4, vm0, $0xb8;
	[tilespmem:$0x18100] =	vst v63  }
0x150: {  	s15 =	simm.s32 $0x12900;
	v3 =	vadd.s32 v1, v3  }
0x151: {  	[tilespmem:s15], [sflag:$0x4] =	stream.indirect_vreg.gather [hbm4b:s4+s2], $0x80, v4, vm0, $0xb8;
	[tilespmem:$0x18100] =	vst v63  }
0x152: {  	s14 =	simm.s32 $0x13100  }
0x153: {  	[tilespmem:s14], [sflag:$0x4] =	stream.indirect_vreg.gather [hbm4b:s5+s2], $0x80, v4, vm0, $0xb8;
	[tilespmem:$0x18100] =	vst v63  }
0x154: {  	s15 =	simm.s32 $0x13900  }
0x155: {  	[tilespmem:s15], [sflag:$0x4] =	stream.indirect_vreg.gather [hbm4b:s3+s2], $0x80, v3, vm0, $0xb8;
	[tilespmem:$0x18100] =	vst v63  }
0x156: {  	s14 =	simm.s32 $0x14100  }
0x157: {  	[tilespmem:s14], [sflag:$0x4] =	stream.indirect_vreg.gather [hbm4b:s4+s2], $0x80, v3, vm0, $0xb8;
	[tilespmem:$0x18100] =	vst v63  }
0x158: {  	s15 =	simm.s32 $0x14900  }
0x159: {  	[tilespmem:s15], [sflag:$0x4] =	stream.indirect_vreg.gather [hbm4b:s5+s2], $0x80, v3, vm0, $0xb8;
	[tilespmem:$0x18100] =	vst v63  }
0x15a: {  	v3 =	vld [tilespmem:$0xF0];
	_ =	sdelay $0x4  }
0x15b: {  	v63 =	vshrl.u32 v3, $0x3  }
0x15c: {  	v4 =	vmul.u32 $0x30, v63  }
0x15d: {  	v3 =	vand.u32 $0x7, v3  }
0x15e: {  	v3 =	vor.u32 v3, v4  }
0x15f: {  	v4 =	vperm.xlane v3, v0;
	_ =	sdelay $0x1  }
0x160: {  	v4 =	vadd.s32 v1, v4;
	_ =	sdelay $0x3  }
0x161: {  	s14 =	simm.s32 $0x15100;
	v3 =	vperm.xlane v3, v2  }
0x162: {  	[tilespmem:s14], [sflag:$0x4] =	stream.indirect_vreg.gather [hbm4b:s3+s2], $0x80, v4, vm0, $0xb8;
	[tilespmem:$0x18100] =	vst v63  }
0x163: {  	s15 =	simm.s32 $0x15900;
	v3 =	vadd.s32 v1, v3  }
0x164: {  	[tilespmem:s15], [sflag:$0x4] =	stream.indirect_vreg.gather [hbm4b:s4+s2], $0x80, v4, vm0, $0xb8;
	[tilespmem:$0x18100] =	vst v63  }
0x165: {  	s14 =	simm.s32 $0x16100  }
0x166: {  	[tilespmem:s14], [sflag:$0x4] =	stream.indirect_vreg.gather [hbm4b:s5+s2], $0x80, v4, vm0, $0xb8;
	[tilespmem:$0x18100] =	vst v63  }
0x167: {  	s15 =	simm.s32 $0x16900  }
0x168: {  	[tilespmem:s15], [sflag:$0x4] =	stream.indirect_vreg.gather [hbm4b:s3+s2], $0x80, v3, vm0, $0xb8;
	[tilespmem:$0x18100] =	vst v63  }
0x169: {  	s14 =	simm.s32 $0x17100  }
0x16a: {  	[tilespmem:s14], [sflag:$0x4] =	stream.indirect_vreg.gather [hbm4b:s4+s2], $0x80, v3, vm0, $0xb8;
	[tilespmem:$0x18100] =	vst v63  }
0x16b: {  	s15 =	simm.s32 $0x17900  }
0x16c: {  	[tilespmem:s15], [sflag:$0x4] =	stream.indirect_vreg.gather [hbm4b:s5+s2], $0x80, v3, vm0, $0xb8;
	[tilespmem:$0x18100] =	vst v63  }
0x16d: {  	_ =	swait.ge [sflag:s0], $0x6000  }
0x16e: {  	[sflag:s0] =	ssyncset.done $0x0  }
0x16f: {  	[sflag:s0] =	ssyncadd.s32 $0xFFFFA000  }
0x170: {  	_ =	swait.ge [sflag:s1], $0x6000  }
0x171: {  	[sflag:s1] =	ssyncset.done $0x0  }
0x172: {  	s15 =	simm.s32 $0x100;
	s11 =	rddreg [dreg:$0x8];
	[sflag:s1] =	ssyncadd.s32 $0xFFFFA000  }
0x173: {  	[hbm4b:s11+s2] =	stream.linear.scatter [tilespmem:s15], [sflag:$0x5], $0x6000, $0x38;
	[tilespmem:$0x18100] =	vst v63  }
0x174: {  	_ =	swait.ge [sflag:s7], $0x6000  }
0x175: {  	[sflag:s7] =	ssyncset.done $0x0  }
0x176: {  	s6 =	simm.s32 $0xC100;
	s0 =	rddreg [dreg:$0x9];
	[sflag:s7] =	ssyncadd.s32 $0xFFFFA000  }
0x177: {  	[hbm4b:s0+s2] =	stream.linear.scatter [tilespmem:s6], [sflag:$0x5], $0x6000, $0x38;
	[tilespmem:$0x18100] =	vst v63  }
0x178: {  	_ =	swait.ge [sflag:s7], $0x6000  }
0x179: {  	[sflag:s7] =	ssyncset.done $0x0  }
0x17a: {  	[sflag:s7] =	ssyncadd.s32 $0xFFFFA000  }
0x17b: {  	_ =	swait.ge [sflag:s9], $0x6000  }
0x17c: {  	[sflag:s9] =	ssyncset.done $0x0  }
0x17d: {  	[sflag:s9] =	ssyncadd.s32 $0xFFFFA000  }
0x17e: {  	_ =	swait.ge [sflag:s10], $0x6000  }
0x17f: {  	[sflag:s10] =	ssyncset.done $0x0  }
0x180: {  	s11 =	rddreg [dreg:$0xa];
	[sflag:s10] =	ssyncadd.s32 $0xFFFFA000  }
0x181: {  	[hbm4b:s11+s2] =	stream.linear.scatter [tilespmem:s13], [sflag:$0x5], $0x6000, $0x38;
	[tilespmem:$0x18100] =	vst v63  }
0x182: {  	_ =	swait.ge [sflag:s7], $0x6000  }
0x183: {  	p0 =	sne.s32 s12, $0x1;
	[sflag:s7] =	ssyncset.done $0x0  }
.Ltmp0:
0x184: {  	s15 =	rddreg [dreg:$0xb];
	[sflag:s7] =	ssyncadd.s32 $0xFFFFA000;
	(pc) =	sbr.rel @p0 .LBB2_1-.Ltmp0, $4  }
0x185: {  	[hbm4b:s15+s2] =	stream.linear.scatter [tilespmem:s8], [sflag:$0x5], $0x6000, $0x38;
	[tilespmem:$0x18100] =	vst v63  }
0x186: {  	_ =	swait.ge [sflag:s7], $0x6000  }
0x187: {  	[sflag:s7] =	ssyncset.done $0x0  }
0x188: {  	s12 =	sadd.s32 $0xFFFFFFFF, s12;
	[sflag:s7] =	ssyncadd.s32 $0xFFFFA000  }
0x189: {  	_ =	sfence.sel $0x180000  }
0x18a: {  	[bflag:$0x0] =	sbarrier.arrive $0xFFFF  }
0x18b: {  	_ =	strace $0x9000004A  }
0x18c: {  	s0 =	stileid.u32;
	[bflag:$0x2] =	sbarrier.arrive $0xFFFF  }
0x18d: {  	p0 =	sne.s32 s0, $0x0;
	s0 =	rddreg [dreg:$0x1]  }
0x18e: {  	s0 =	sadd.s32 @!p0 $0x100000, s0  }
0x18f: {  	[sflag:s0] =	ssyncadd.tile.s32 @!p0 $0x1;
	_ =	shalt  }
.Lfunc_end2:
_tile_overlayer_lowered:
.L_overlay_start_2:
0x190: {  	(tag) =	ssettag $0x2  }
0x191: {  	s0 =	rddreg [dreg:$0x0];
	s2 =	stileid.u32  }
0x192: {  	s1 =	rddreg [dreg:$0x1];
	p0 =	sne.s32 s2, $0x0  }
0x193: {  	s3 =	rddreg [dreg:$0x2];
	[bflag:$0x3] =	sbarrier.arrive $0xFFFF;
	s2 =	simm.s32 @!p0 $0x1C05  }
0x194: {  	[timem:s3], [sflag:s2] =	dma.local @!p0 [hbm:s0], s1  }
0x195: {  	s0 =	simm.s32 @!p0 $0x5  }
0x196: {  	_ =	swait.ge @!p0 [sflag:s0], s1  }
0x197: {  	s1 =	ssub.s32 @!p0 $0x0, s1;
	[sflag:s0] =	ssyncset.done @!p0 $0x0  }
0x198: {  	[sflag:s0] =	ssyncadd.s32 @!p0 s1  }
0x199: {  	[bflag:$0x3] =	sbarrier.arrive $0xFFFF  }
0x19a: {  	_ =	shalt  }

// kernel: kernel.7.cloned.1.call-start
scs
__scs_entry_jumppad:
0x0: {  	(pc) =	sbr.rel $0x88, $3  }
0x1: {  	(tag) =	ssettag $0x0;
	lr =	simm.s32 $0x1  }
0x2: {  	[smem:$0x3F9A] =	sst lr;
	_ =	strace $0xD0000000  }
0x3: {  	_ = 	snop  }
0x4: {  	_ = 	snop  }
0x5: {  	_ = 	snop  }
0x6: {  	_ = 	snop  }
0x7: {  	_ = 	snop  }
__scs_overlays_trampoline_lowered:
0x8: {  	[smem:$0x3FA9] =	sst s0  }
0x9: {  	[smem:$0x3FAA] =	sst s1  }
0xa: {  	[smem:$0x3FAB] =	sst s2  }
0xb: {  	[smem:$0x3FAC] =	sst s3  }
0xc: {  	[smem:$0x3FAD] =	sst s4  }
0xd: {  	[smem:$0x3FAE] =	sst s5  }
0xe: {  	[smem:$0x3FAF] =	sst s6  }
0xf: {  	[smem:$0x3FB0] =	sst s7  }
0x10: {  	[smem:$0x3FB1] =	sst s8  }
0x11: {  	[smem:$0x3FB2] =	sst s9;
	s0 =	simm.s32 @!p0 $0x0  }
0x12: {  	s1 =	sld [smem:$0x3F98];
	s0 =	simm.s32 @p0 $0x1  }
0x13: {  	[smem:$0x3FB3] =	sst s0;
	s0 =	simm.s32 @!p1 $0x0  }
0x14: {  	s2 =	sld [smem:$0x3F97];
	s0 =	simm.s32 @p1 $0x1  }
0x15: {  	[smem:$0x3FB4] =	sst s0;
	s0 =	simm.s32 @!p2 $0x0  }
0x16: {  	s3 =	sld [smem:$0x3FDB];
	s0 =	simm.s32 @p2 $0x1  }
0x17: {  	s4 =	simm.s32 $0x1BF5;
	[smem:$0x3FB6] =	sst s0  }
0x18: {  	s0 =	sld [smem:$0x3F99];
	_ =	swait.ge [sflag:s4], $0x0  }
0x19: {  	s7 =	sld [smem:$0x3F9A]  }
0x1a: {  	s8 =	sadd.s32 $0xFFFFE003, lr  }
0x1b: {  	s9 =	sadd.s32 $0xFFFFFEF7, lr;
	s5 =	simm.s32 $0xFFFFFFFF;
	p2 =	slt.u32 s8, $0xFFFFF086  }
0x1c: {  	p1 =	slt.u32 s9, $0xF7A;
	s5 =	simm.s32 @!p2 $0x0  }
0x1d: {  	s5 =	simm.s32 @p1 $0x1;
	p0 =	seq.s32 s7, s2  }
0x1e: {  	s7 =	smul.u32 @!p0 $0xF7A, s2;
	p2 =	seq.s32 @!p0 s5, $0x0  }
0x1f: {  	s9 =	smul.u32 $0xF7A, s1;
	s8 =	simm.s32 @!p0 $0x1BF5;
	p2 =	por !p2, p0  }
0x20: {  	[sflag:s8] =	ssyncset.s32 @!p0 $0xFFFFF086;
	s6 =	sadd.s32 @!p0 s3, s7;
	s7 =	simm.s32 @!p0 $0x108  }
0x21: {  	s3 =	sadd.s32 s3, s9;
	s6 =	sadd.s32 @!p0 $0x88, s6;
	s7 =	simm.s32 @p2 $0x1082  }
0x22: {  	[simem:s7], [sflag:s8] =	dma.local @!p0 [hbm:s6], $0xF7A  }
0x23: {  	s9 =	sor.u32 $0xD0000000, s2;
	s6 =	simm.s32 $0x108;
	_ =	swait.ge @!p0 [sflag:s8], $0x0  }
0x24: {  	s3 =	sadd.s32 $0x88, s3;
	s6 =	simm.s32 @!p1 $0x1082;
	[sflag:s4] =	ssyncset.s32 $0xFFFFF086  }
0x25: {  	[simem:s6], [sflag:s4] =	dma.local [hbm:s3], $0xF7A  }
0x26: {  	[smem:$0x3F9A] =	sst s1;
	(tag) =	ssettag s2;
	_ =	strace s9  }
0x27: {  	s1 =	sld [smem:$0x3FAA]  }
0x28: {  	s2 =	sld [smem:$0x3FAB]  }
0x29: {  	s4 =	sld [smem:$0x3FAD]  }
0x2a: {  	p0 =	seq.s32 s5, $0x0;
	s5 =	sld [smem:$0x3FAE]  }
0x2b: {  	s6 =	sld [smem:$0x3FAF]  }
0x2c: {  	s7 =	sld [smem:$0x3FB0]  }
0x2d: {  	s3 =	simm.s32 $0x108;
	s8 =	sld [smem:$0x3FB1]  }
0x2e: {  	s3 =	simm.s32 @!p0 $0x1082;
	s9 =	sld [smem:$0x3FB2]  }
0x2f: {  	lr =	sadd.s32 s0, s3;
	s0 =	sld [smem:$0x3FA9]  }
0x30: {  	s3 =	sld [smem:$0x3FAC]  }
0x31: {  	[smem:$0x3FB5] =	sst s10  }
0x32: {  	s10 =	sld [smem:$0x3FB3];
	_ =	sdelay $0x3  }
0x33: {  	p0 =	seq.s32 s10, $0x1;
	s10 =	sld [smem:$0x3FB5];
	_ =	sdelay $0x3  }
0x34: {  	[smem:$0x3FB5] =	sst s10  }
0x35: {  	s10 =	sld [smem:$0x3FB4];
	_ =	sdelay $0x3  }
0x36: {  	p1 =	seq.s32 s10, $0x1;
	s10 =	sld [smem:$0x3FB5];
	_ =	sdelay $0x3  }
0x37: {  	[smem:$0x3FB5] =	sst s10  }
0x38: {  	s10 =	sld [smem:$0x3FB6]  }
0x39: {  	_ = 	snop;
	(pc) =	sbr.ind lr, $3  }
0x3a: {  	_ = 	snop  }
0x3b: {  	_ = 	snop  }
0x3c: {  	p2 =	seq.s32 s10, $0x1;
	s10 =	sld [smem:$0x3FB5]  }
0x3d: {  	_ =	shalt  }
0x3e: {  	_ =	shalt  }
0x3f: {  	_ =	shalt  }
0x40: {  	_ =	shalt  }
0x41: {  	_ =	shalt  }
0x42: {  	_ =	shalt  }
0x43: {  	_ =	shalt  }
0x44: {  	_ =	shalt  }
0x45: {  	_ =	shalt  }
0x46: {  	_ =	shalt  }
0x47: {  	_ =	shalt  }
0x48: {  	_ =	shalt  }
0x49: {  	_ =	shalt  }
0x4a: {  	_ =	shalt  }
0x4b: {  	_ =	shalt  }
0x4c: {  	_ =	shalt  }
0x4d: {  	_ =	shalt  }
0x4e: {  	_ =	shalt  }
0x4f: {  	_ =	shalt  }
0x50: {  	_ =	shalt  }
0x51: {  	_ =	shalt  }
0x52: {  	_ =	shalt  }
0x53: {  	_ =	shalt  }
0x54: {  	_ =	shalt  }
0x55: {  	_ =	shalt  }
0x56: {  	_ =	shalt  }
0x57: {  	_ =	shalt  }
0x58: {  	_ =	shalt  }
0x59: {  	_ =	shalt  }
0x5a: {  	_ =	shalt  }
0x5b: {  	_ =	shalt  }
0x5c: {  	_ =	shalt  }
0x5d: {  	_ =	shalt  }
0x5e: {  	_ =	shalt  }
0x5f: {  	_ =	shalt  }
0x60: {  	_ =	shalt  }
0x61: {  	_ =	shalt  }
0x62: {  	_ =	shalt  }
0x63: {  	_ =	shalt  }
0x64: {  	_ =	shalt  }
0x65: {  	_ =	shalt  }
0x66: {  	_ =	shalt  }
0x67: {  	_ =	shalt  }
0x68: {  	_ =	shalt  }
0x69: {  	_ =	shalt  }
0x6a: {  	_ =	shalt  }
0x6b: {  	_ =	shalt  }
0x6c: {  	_ =	shalt  }
0x6d: {  	_ =	shalt  }
0x6e: {  	_ =	shalt  }
0x6f: {  	_ =	shalt  }
0x70: {  	_ =	shalt  }
0x71: {  	_ =	shalt  }
0x72: {  	_ =	shalt  }
0x73: {  	_ =	shalt  }
0x74: {  	_ =	shalt  }
0x75: {  	_ =	shalt  }
0x76: {  	_ =	shalt  }
0x77: {  	_ =	shalt  }
0x78: {  	_ =	shalt  }
0x79: {  	_ =	shalt  }
0x7a: {  	_ =	shalt  }
0x7b: {  	_ =	shalt  }
0x7c: {  	_ =	shalt  }
0x7d: {  	_ =	shalt  }
0x7e: {  	_ =	shalt  }
0x7f: {  	_ =	shalt  }
0x80: {  	_ =	shalt  }
0x81: {  	_ =	shalt  }
0x82: {  	_ =	shalt  }
0x83: {  	_ =	shalt  }
0x84: {  	_ =	shalt  }
0x85: {  	_ =	shalt  }
0x86: {  	_ =	shalt  }
0x87: {  	_ =	shalt  }
.Lfunc_end0:
.L_simem_size_0:
called_computation_lowered:
.L_overlay_start_0:
0x88: {  	s2 =	sld [smem:$0x3FD9]  }
0x89: {  	s3 =	sld [smem:$0x3FFE];
	_ =	sdelay $0x1  }
0x8a: {  	s1 =	srdreg.scid  }
0x8b: {  	s0 =	sand.u32 $0x1, s1  }
0x8c: {  	s17 =	sshll.u32 s0, $0xA;
	s2 =	sadd.s32 s3, s2  }
0x8d: {  	s2 =	sadd.s32 s2, s17  }
0x8e: {  	[smem:$0x3FC1] =	sst s2  }
0x8f: {  	_ = 	snop  }
0x90: {  	s2 =	sld [smem:$0x3FC9];
	(tm) =	ssettm $0x1  }
0x91: {  	s18 =	sld [smem:$0x3FFB];
	_ =	sdelay $0x3  }
0x92: {  	_ =	strace s18  }
0x93: {  	s3 =	sld [smem:$0x3FFC];
	_ =	sdelay $0x3  }
0x94: {  	_ =	strace s3  }
0x95: {  	s3 =	sld [smem:$0x3FFD];
	_ =	sdelay $0x3  }
0x96: {  	_ =	strace s3  }
0x97: {  	_ =	strace $0x8FFFFFFF  }
0x98: {  	s19 =	sld [smem:$0x3FDB];
	_ =	sdelay $0x1  }
0x99: {  	s4 =	simm.s32 $_scs_section_size  }
0x9a: {  	s5 =	simm.s32 $_size__tile_overlayer_lowered;
	s6 =	simm.s32 $_tile_overlayer_lowered  }
0x9b: {  	s22 =	simm.s32 $0x1BFF;
	s21 =	sshll.u32 s6, $0x1;
	s3 =	sadd.s32 s4, s19  }
0x9c: {  	s7 =	simm.s32 $0x0;
	s20 =	sshll.u32 s5, $0x1;
	s5 =	sadd.s32 s21, s3  }
0x9d: {  	[timem:s7], [sflag:s22] =	dma.local [hbm:s5], s20  }
0x9e: {  	_ =	swait.ge [sflag:s22], s20  }
0x9f: {  	s4 =	ssub.s32 $0x0, s20;
	[sflag:s22] =	ssyncset.done $0x0  }
0xa0: {  	[sflag:s22] =	ssyncadd.s32 s4;
	_ =	sdelay $0x1  }
0xa1: {  	s23 =	simm.s32 $0x1B8B  }
0xa2: {  	_ =	swait.ge [sflag:s23], $0x1  }
0xa3: {  	[sflag:s23] =	ssyncset.done $0x0  }
0xa4: {  	s25 =	simm.s32 $0x1B8E;
	s24 =	sld [smem:$0x3FFE];
	[sflag:s23] =	ssyncadd.s32 $0xFFFFFFFF  }
0xa5: {  	s26 =	simm.s32 $execute0_lowered;
	[smem:$0x3FD2] =	sst s25  }
0xa6: {  	s5 =	sshll.u32 s26, $0x1;
	_ =	strace $0x80000046;
	[dreg:$0x1] =	wrdreg $0xFFFFFFFF  }
0xa7: {  	s28 =	simm.s32 $_size_execute0_lowered;
	s3 =	sadd.s32 s3, s5;
	[dreg:$0x0] =	wrdreg $0x0  }
0xa8: {  	s5 =	sshll.u32 s28, $0x1;
	[dreg:$0x2] =	wrdreg s3  }
0xa9: {  	[dreg:$0x3] =	wrdreg s5  }
0xaa: {  	[dreg:$0x4] =	wrdreg $0xC0  }
0xab: {  	_ =	task [dreg:s7], $0x5FFFF  }
0xac: {  	[dreg:$0x1] =	wrdreg $0xFFFFFFFF  }
0xad: {  	[dreg:$0x0] =	wrdreg $0x60  }
0xae: {  	[dreg:$0x2] =	wrdreg s24  }
0xaf: {  	[dreg:$0x3] =	wrdreg s2  }
0xb0: {  	[dreg:$0x4] =	wrdreg $0x9  }
0xb1: {  	_ =	task.clear_ibuf [dreg:s7], $0x5FFFF;
	_ =	strace $0x90000046  }
0xb2: {  	s29 =	simm.s32 $0x9;
	_ =	strace $0x80000048  }
0xb3: {  	_ =	swait.ge [sflag:s29], $0x1  }
0xb4: {  	[sflag:s29] =	ssyncadd.s32 $0xFFFFFFFF  }
0xb5: {  	_ =	strace $0x90000048  }
0xb6: {  	_ =	sfence  }
0xb7: {  	s30 =	sld [smem:$0x0];
	_ =	sdelay $0x2  }
0xb8: {  	s31 =	sshll.u32 s1, $0xD;
	s1 =	sshrl.u32 s1, $0x2  }
0xb9: {  	s3 =	sand.u32 $0x4000, s31;
	s1 =	sadd.s32 s1, s30  }
0xba: {  	s0 =	sor.u32 s3, s0;
	s1 =	sshll.u32 s1, $0x11  }
0xbb: {  	s0 =	sor.u32 s1, s0  }
0xbc: {  	s0 =	sadd.s32 $0x8F2B, s0  }
0xbd: {  	[sflag:s0] =	ssyncadd.remote.s32 $0x1  }
0xbe: {  	_ =	sfence.sel $0xFFFF  }
0xbf: {  	[dreg:$0x0] =	wrdreg $0xFFFFFFFF;
	(pc) =	sbr.abs _section_cstart, $3  }
0xc0: {  	[dreg:$0x1] =	wrdreg $0xFFFFFFFF  }
0xc1: {  	_ =	task.clear_ibuf [dreg:s7], $0x2FFFF;
	_ =	strace $0x9FFFFFFF  }
0xc2: {  	(tm) =	ssettm $0x7FFFFFFF  }
0xc3: {  	_ =	shalt  }
tec
execute0_lowered:
.L_overlay_start_1:
0x0: {  	(tag) =	ssettag $0x1  }
0x1: {  	s0 =	srdreg.scid  }
0x2: {  	s1 =	rddreg [dreg:$0x0];
	s2 =	stileid.u32  }
0x3: {  	s4 =	rddreg [dreg:$0x1];
	s28 =	simm.s32 $0x18000;
	s29 =	simm.s32 $0x18080  }
0x4: {  	s30 =	simm.s32 $0x18100;
	s31 =	simm.s32 $0x18180;
	s11 =	simm.s32 $0x3  }
0x5: {  	s0 =	sand.u32 $0x1, s0;
	s3 =	sshll.u32 s2, $0x5;
	s2 =	simm.s32 $0x0  }
0x6: {  	s7 =	sadd.s32 $0x2200, s1;
	s8 =	sadd.s32 $0x2000, s1;
	[smem:$0x7FF] =	sst s2  }
0x7: {  	s5 =	sshll.u32 s0, $0x4;
	_ =	strace $0x80000047;
	[dreg:$0x9] =	wrdreg s28  }
0x8: {  	s0 =	ssub.s32 $0x2, s0;
	s5 =	sor.u32 s5, s3;
	[dreg:$0xa] =	wrdreg s29  }
0x9: {  	s3 =	sadd.s32 $0x2400, s1;
	s9 =	sshrl.u32 s0, $0x1;
	[dreg:$0xb] =	wrdreg s30  }
0xa: {  	[dreg:$0xc] =	wrdreg s31;
	s6 =	smul.u32 $0x300, s5;
	s23 =	sadd.s32 s7, s5  }
0xb: {  	s24 =	sadd.s32 s8, s5;
	s5 =	sor.u32 $0x8, s5;
	[dreg:$0x4] =	wrdreg s23  }
0xc: {  	s0 =	ssub.s32 s0, s9;
	[dreg:$0x5] =	wrdreg s24;
	s25 =	sadd.s32 s7, s5  }
0xd: {  	s26 =	smul.u32 $0x300, s5;
	s5 =	sadd.s32 s8, s5;
	[dreg:$0x6] =	wrdreg s25  }
0xe: {  	v2 =	vlaneseq.u32;
	s7 =	simm.s32 $0x4;
	s6 =	sadd.s32 s4, s6;
	[dreg:$0x7] =	wrdreg s5  }
0xf: {  	vm0 =	vmmov $0xffff;
	v1 =	vshrl.u32 v2, $0x3;
	s5 =	sadd.s32 $0x2600, s1;
	[dreg:$0x3] =	wrdreg s6;
	s4 =	sadd.s32 s4, s26  }
0x10: {  	v0 =	vand.u32 $0x7, v2;
	v2 =	vor.u32 $0x8, v2;
	v1 =	vmul.u32 $0x8, v1;
	s6 =	smax.u32 s0, $0x1;
	[dreg:$0x8] =	wrdreg s4;
	s4 =	sadd.s32 $0x2500, s1  }
.LBB2_1:
0x11: {  	s12 =	rddreg [dreg:$0x3]  }
0x12: {  	s13 =	rddreg [dreg:$0x4]  }
0x13: {  	[tilespmem:s2], [sflag:$0x1] =	stream.linear.gather [hbm4b:s12+s2], $0xC000, $0x38;
	[tilespmem:$0x18200] =	vst v63  }
0x14: {  	s14 =	rddreg [dreg:$0x9]  }
0x15: {  	[tilespmem:s14], [sflag:$0x4] =	stream.linear.gather [hbm4b:s13+s2], $0x40, $0x38;
	[tilespmem:$0x18200] =	vst v63  }
0x16: {  	_ =	swait.ge [sflag:s7], $0x40  }
0x17: {  	s23 =	rddreg [dreg:$0x5];
	[sflag:s7] =	ssyncset.done $0x0  }
0x18: {  	s24 =	rddreg [dreg:$0xa];
	[sflag:s7] =	ssyncadd.s32 $0xFFFFFFC0  }
0x19: {  	[tilespmem:s24], [sflag:$0x4] =	stream.linear.gather [hbm4b:s23+s2], $0x40, $0x38;
	[tilespmem:$0x18200] =	vst v63  }
0x1a: {  	_ =	swait.ge [sflag:s7], $0x40  }
0x1b: {  	s25 =	rddreg [dreg:$0x6];
	[sflag:s7] =	ssyncset.done $0x0  }
0x1c: {  	s26 =	rddreg [dreg:$0xb];
	[sflag:s7] =	ssyncadd.s32 $0xFFFFFFC0  }
0x1d: {  	[tilespmem:s26], [sflag:$0x4] =	stream.linear.gather [hbm4b:s25+s2], $0x40, $0x38;
	[tilespmem:$0x18200] =	vst v63  }
0x1e: {  	_ =	swait.ge [sflag:s7], $0x40  }
0x1f: {  	s28 =	rddreg [dreg:$0x7];
	[sflag:s7] =	ssyncset.done $0x0  }
0x20: {  	s29 =	rddreg [dreg:$0xc];
	[sflag:s7] =	ssyncadd.s32 $0xFFFFFFC0  }
0x21: {  	[tilespmem:s29], [sflag:$0x4] =	stream.linear.gather [hbm4b:s28+s2], $0x40, $0x38;
	[tilespmem:$0x18200] =	vst v63  }
0x22: {  	_ =	swait.ge [sflag:s7], $0x40  }
0x23: {  	s0 =	simm.s32 $0xC000;
	[sflag:s7] =	ssyncset.done $0x0  }
0x24: {  	s10 =	simm.s32 $0x1;
	s30 =	rddreg [dreg:$0x8];
	[sflag:s7] =	ssyncadd.s32 $0xFFFFFFC0  }
0x25: {  	[tilespmem:s0], [sflag:$0x1] =	stream.linear.gather [hbm4b:s30+s2], $0xC000, $0x38;
	[tilespmem:$0x18200] =	vst v63  }
0x26: {  	_ =	swait.ge [sflag:s10], $0xC000  }
0x27: {  	[sflag:s10] =	ssyncset.done $0x0  }
0x28: {  	[sflag:s10] =	ssyncadd.s32 $0xFFFF4000  }
0x29: {  	v3 =	vld [tilespmem:$0x18000];
	_ =	sdelay $0x4  }
0x2a: {  	v4 =	vshrl.u32 v3, $0x3  }
0x2b: {  	v4 =	vmul.u32 $0x30, v4  }
0x2c: {  	v3 =	vand.u32 $0x7, v3  }
0x2d: {  	v3 =	vor.u32 v3, v4  }
0x2e: {  	v4 =	vperm.xlane v3, v0;
	_ =	sdelay $0x1  }
0x2f: {  	v4 =	vadd.s32 v1, v4;
	_ =	sdelay $0x3  }
0x30: {  	v3 =	vperm.xlane v3, v2  }
0x31: {  	[hbm4b:s3+s2] =	stream.indirect_vreg.scatter [tilespmem:s2], [sflag:$0x2], $0x80, v4, vm0, $0xb8;
	[tilespmem:$0x18200] =	vst v63  }
0x32: {  	s12 =	simm.s32 $0x800;
	v3 =	vadd.s32 v1, v3  }
0x33: {  	[hbm4b:s4+s2] =	stream.indirect_vreg.scatter [tilespmem:s12], [sflag:$0x2], $0x80, v4, vm0, $0xb8;
	[tilespmem:$0x18200] =	vst v63  }
0x34: {  	s13 =	simm.s32 $0x1000  }
0x35: {  	[hbm4b:s5+s2] =	stream.indirect_vreg.scatter [tilespmem:s13], [sflag:$0x2], $0x80, v4, vm0, $0xb8;
	[tilespmem:$0x18200] =	vst v63  }
0x36: {  	s14 =	simm.s32 $0x1800  }
0x37: {  	[hbm4b:s3+s2] =	stream.indirect_vreg.scatter [tilespmem:s14], [sflag:$0x2], $0x80, v3, vm0, $0xb8;
	[tilespmem:$0x18200] =	vst v63  }
0x38: {  	s15 =	simm.s32 $0x2000  }
0x39: {  	[hbm4b:s4+s2] =	stream.indirect_vreg.scatter [tilespmem:s15], [sflag:$0x2], $0x80, v3, vm0, $0xb8;
	[tilespmem:$0x18200] =	vst v63  }
0x3a: {  	s16 =	simm.s32 $0x2800  }
0x3b: {  	[hbm4b:s5+s2] =	stream.indirect_vreg.scatter [tilespmem:s16], [sflag:$0x2], $0x80, v3, vm0, $0xb8;
	[tilespmem:$0x18200] =	vst v63  }
0x3c: {  	v3 =	vld [tilespmem:$0x18010];
	_ =	sdelay $0x4  }
0x3d: {  	v49 =	vshrl.u32 v3, $0x3  }
0x3e: {  	v4 =	vmul.u32 $0x30, v49  }
0x3f: {  	v3 =	vand.u32 $0x7, v3  }
0x40: {  	v3 =	vor.u32 v3, v4  }
0x41: {  	v4 =	vperm.xlane v3, v0;
	_ =	sdelay $0x1  }
0x42: {  	v4 =	vadd.s32 v1, v4;
	_ =	sdelay $0x3  }
0x43: {  	s17 =	simm.s32 $0x3000;
	v3 =	vperm.xlane v3, v2  }
0x44: {  	[hbm4b:s3+s2] =	stream.indirect_vreg.scatter [tilespmem:s17], [sflag:$0x2], $0x80, v4, vm0, $0xb8;
	[tilespmem:$0x18200] =	vst v63  }
0x45: {  	s18 =	simm.s32 $0x3800;
	v3 =	vadd.s32 v1, v3  }
0x46: {  	[hbm4b:s4+s2] =	stream.indirect_vreg.scatter [tilespmem:s18], [sflag:$0x2], $0x80, v4, vm0, $0xb8;
	[tilespmem:$0x18200] =	vst v63  }
0x47: {  	s19 =	simm.s32 $0x4000  }
0x48: {  	[hbm4b:s5+s2] =	stream.indirect_vreg.scatter [tilespmem:s19], [sflag:$0x2], $0x80, v4, vm0, $0xb8;
	[tilespmem:$0x18200] =	vst v63  }
0x49: {  	s20 =	simm.s32 $0x4800  }
0x4a: {  	[hbm4b:s3+s2] =	stream.indirect_vreg.scatter [tilespmem:s20], [sflag:$0x2], $0x80, v3, vm0, $0xb8;
	[tilespmem:$0x18200] =	vst v63  }
0x4b: {  	s21 =	simm.s32 $0x5000  }
0x4c: {  	[hbm4b:s4+s2] =	stream.indirect_vreg.scatter [tilespmem:s21], [sflag:$0x2], $0x80, v3, vm0, $0xb8;
	[tilespmem:$0x18200] =	vst v63  }
0x4d: {  	s22 =	simm.s32 $0x5800  }
0x4e: {  	[hbm4b:s5+s2] =	stream.indirect_vreg.scatter [tilespmem:s22], [sflag:$0x2], $0x80, v3, vm0, $0xb8;
	[tilespmem:$0x18200] =	vst v63  }
0x4f: {  	v3 =	vld [tilespmem:$0x18020];
	_ =	sdelay $0x4  }
0x50: {  	v50 =	vshrl.u32 v3, $0x3  }
0x51: {  	v4 =	vmul.u32 $0x30, v50  }
0x52: {  	v3 =	vand.u32 $0x7, v3  }
0x53: {  	v3 =	vor.u32 v3, v4  }
0x54: {  	v4 =	vperm.xlane v3, v0;
	_ =	sdelay $0x1  }
0x55: {  	v4 =	vadd.s32 v1, v4;
	_ =	sdelay $0x3  }
0x56: {  	s23 =	simm.s32 $0x6000;
	v3 =	vperm.xlane v3, v2  }
0x57: {  	[hbm4b:s3+s2] =	stream.indirect_vreg.scatter [tilespmem:s23], [sflag:$0x2], $0x80, v4, vm0, $0xb8;
	[tilespmem:$0x18200] =	vst v63  }
0x58: {  	s24 =	simm.s32 $0x6800;
	v3 =	vadd.s32 v1, v3  }
0x59: {  	[hbm4b:s4+s2] =	stream.indirect_vreg.scatter [tilespmem:s24], [sflag:$0x2], $0x80, v4, vm0, $0xb8;
	[tilespmem:$0x18200] =	vst v63  }
0x5a: {  	s25 =	simm.s32 $0x7000  }
0x5b: {  	[hbm4b:s5+s2] =	stream.indirect_vreg.scatter [tilespmem:s25], [sflag:$0x2], $0x80, v4, vm0, $0xb8;
	[tilespmem:$0x18200] =	vst v63  }
0x5c: {  	s26 =	simm.s32 $0x7800  }
0x5d: {  	[hbm4b:s3+s2] =	stream.indirect_vreg.scatter [tilespmem:s26], [sflag:$0x2], $0x80, v3, vm0, $0xb8;
	[tilespmem:$0x18200] =	vst v63  }
0x5e: {  	s28 =	simm.s32 $0x8000  }
0x5f: {  	[hbm4b:s4+s2] =	stream.indirect_vreg.scatter [tilespmem:s28], [sflag:$0x2], $0x80, v3, vm0, $0xb8;
	[tilespmem:$0x18200] =	vst v63  }
0x60: {  	s29 =	simm.s32 $0x8800  }
0x61: {  	[hbm4b:s5+s2] =	stream.indirect_vreg.scatter [tilespmem:s29], [sflag:$0x2], $0x80, v3, vm0, $0xb8;
	[tilespmem:$0x18200] =	vst v63  }
0x62: {  	v3 =	vld [tilespmem:$0x18030];
	_ =	sdelay $0x4  }
0x63: {  	v51 =	vshrl.u32 v3, $0x3  }
0x64: {  	v4 =	vmul.u32 $0x30, v51  }
0x65: {  	v3 =	vand.u32 $0x7, v3  }
0x66: {  	v3 =	vor.u32 v3, v4  }
0x67: {  	v4 =	vperm.xlane v3, v0;
	_ =	sdelay $0x1  }
0x68: {  	v4 =	vadd.s32 v1, v4;
	_ =	sdelay $0x3  }
0x69: {  	s30 =	simm.s32 $0x9000;
	v3 =	vperm.xlane v3, v2  }
0x6a: {  	[hbm4b:s3+s2] =	stream.indirect_vreg.scatter [tilespmem:s30], [sflag:$0x2], $0x80, v4, vm0, $0xb8;
	[tilespmem:$0x18200] =	vst v63  }
0x6b: {  	s31 =	simm.s32 $0x9800;
	v3 =	vadd.s32 v1, v3  }
0x6c: {  	[hbm4b:s4+s2] =	stream.indirect_vreg.scatter [tilespmem:s31], [sflag:$0x2], $0x80, v4, vm0, $0xb8;
	[tilespmem:$0x18200] =	vst v63  }
0x6d: {  	s1 =	simm.s32 $0xA000  }
0x6e: {  	[hbm4b:s5+s2] =	stream.indirect_vreg.scatter [tilespmem:s1], [sflag:$0x2], $0x80, v4, vm0, $0xb8;
	[tilespmem:$0x18200] =	vst v63  }
0x6f: {  	s0 =	simm.s32 $0xA800  }
0x70: {  	[hbm4b:s3+s2] =	stream.indirect_vreg.scatter [tilespmem:s0], [sflag:$0x2], $0x80, v3, vm0, $0xb8;
	[tilespmem:$0x18200] =	vst v63  }
0x71: {  	s8 =	simm.s32 $0xB000  }
0x72: {  	[hbm4b:s4+s2] =	stream.indirect_vreg.scatter [tilespmem:s8], [sflag:$0x2], $0x80, v3, vm0, $0xb8;
	[tilespmem:$0x18200] =	vst v63  }
0x73: {  	s9 =	simm.s32 $0xB800  }
0x74: {  	[hbm4b:s5+s2] =	stream.indirect_vreg.scatter [tilespmem:s9], [sflag:$0x2], $0x80, v3, vm0, $0xb8;
	[tilespmem:$0x18200] =	vst v63  }
0x75: {  	v3 =	vld [tilespmem:$0x18080];
	_ =	sdelay $0x4  }
0x76: {  	v52 =	vshrl.u32 v3, $0x3  }
0x77: {  	v4 =	vmul.u32 $0x30, v52  }
0x78: {  	v3 =	vand.u32 $0x7, v3  }
0x79: {  	v3 =	vor.u32 v3, v4  }
0x7a: {  	v4 =	vperm.xlane v3, v0;
	_ =	sdelay $0x1  }
0x7b: {  	v4 =	vadd.s32 v1, v4;
	_ =	sdelay $0x3  }
0x7c: {  	v3 =	vperm.xlane v3, v2  }
0x7d: {  	[hbm4b:s3+s2] =	stream.indirect_vreg.scatter [tilespmem:s2], [sflag:$0x3], $0x80, v4, vm0, $0xb8;
	[tilespmem:$0x18200] =	vst v63  }
0x7e: {  	v3 =	vadd.s32 v1, v3  }
0x7f: {  	[hbm4b:s4+s2] =	stream.indirect_vreg.scatter [tilespmem:s12], [sflag:$0x3], $0x80, v4, vm0, $0xb8;
	[tilespmem:$0x18200] =	vst v63  }
0x80: {  	_ = 	snop  }
0x81: {  	[hbm4b:s5+s2] =	stream.indirect_vreg.scatter [tilespmem:s13], [sflag:$0x3], $0x80, v4, vm0, $0xb8;
	[tilespmem:$0x18200] =	vst v63  }
0x82: {  	_ = 	snop  }
0x83: {  	[hbm4b:s3+s2] =	stream.indirect_vreg.scatter [tilespmem:s14], [sflag:$0x3], $0x80, v3, vm0, $0xb8;
	[tilespmem:$0x18200] =	vst v63  }
0x84: {  	_ = 	snop  }
0x85: {  	[hbm4b:s4+s2] =	stream.indirect_vreg.scatter [tilespmem:s15], [sflag:$0x3], $0x80, v3, vm0, $0xb8;
	[tilespmem:$0x18200] =	vst v63  }
0x86: {  	_ = 	snop  }
0x87: {  	[hbm4b:s5+s2] =	stream.indirect_vreg.scatter [tilespmem:s16], [sflag:$0x3], $0x80, v3, vm0, $0xb8;
	[tilespmem:$0x18200] =	vst v63  }
0x88: {  	v3 =	vld [tilespmem:$0x18090];
	_ =	sdelay $0x4  }
0x89: {  	v53 =	vshrl.u32 v3, $0x3  }
0x8a: {  	v4 =	vmul.u32 $0x30, v53  }
0x8b: {  	v3 =	vand.u32 $0x7, v3  }
0x8c: {  	v3 =	vor.u32 v3, v4  }
0x8d: {  	v4 =	vperm.xlane v3, v0;
	_ =	sdelay $0x1  }
0x8e: {  	v4 =	vadd.s32 v1, v4;
	_ =	sdelay $0x3  }
0x8f: {  	v3 =	vperm.xlane v3, v2  }
0x90: {  	[hbm4b:s3+s2] =	stream.indirect_vreg.scatter [tilespmem:s17], [sflag:$0x3], $0x80, v4, vm0, $0xb8;
	[tilespmem:$0x18200] =	vst v63  }
0x91: {  	v3 =	vadd.s32 v1, v3  }
0x92: {  	[hbm4b:s4+s2] =	stream.indirect_vreg.scatter [tilespmem:s18], [sflag:$0x3], $0x80, v4, vm0, $0xb8;
	[tilespmem:$0x18200] =	vst v63  }
0x93: {  	_ = 	snop  }
0x94: {  	[hbm4b:s5+s2] =	stream.indirect_vreg.scatter [tilespmem:s19], [sflag:$0x3], $0x80, v4, vm0, $0xb8;
	[tilespmem:$0x18200] =	vst v63  }
0x95: {  	_ = 	snop  }
0x96: {  	[hbm4b:s3+s2] =	stream.indirect_vreg.scatter [tilespmem:s20], [sflag:$0x3], $0x80, v3, vm0, $0xb8;
	[tilespmem:$0x18200] =	vst v63  }
0x97: {  	_ = 	snop  }
0x98: {  	[hbm4b:s4+s2] =	stream.indirect_vreg.scatter [tilespmem:s21], [sflag:$0x3], $0x80, v3, vm0, $0xb8;
	[tilespmem:$0x18200] =	vst v63  }
0x99: {  	_ = 	snop  }
0x9a: {  	[hbm4b:s5+s2] =	stream.indirect_vreg.scatter [tilespmem:s22], [sflag:$0x3], $0x80, v3, vm0, $0xb8;
	[tilespmem:$0x18200] =	vst v63  }
0x9b: {  	v3 =	vld [tilespmem:$0x180A0];
	_ =	sdelay $0x4  }
0x9c: {  	v54 =	vshrl.u32 v3, $0x3  }
0x9d: {  	v4 =	vmul.u32 $0x30, v54  }
0x9e: {  	v3 =	vand.u32 $0x7, v3  }
0x9f: {  	v3 =	vor.u32 v3, v4  }
0xa0: {  	v4 =	vperm.xlane v3, v0;
	_ =	sdelay $0x1  }
0xa1: {  	v4 =	vadd.s32 v1, v4;
	_ =	sdelay $0x3  }
0xa2: {  	v3 =	vperm.xlane v3, v2  }
0xa3: {  	[hbm4b:s3+s2] =	stream.indirect_vreg.scatter [tilespmem:s23], [sflag:$0x3], $0x80, v4, vm0, $0xb8;
	[tilespmem:$0x18200] =	vst v63  }
0xa4: {  	v3 =	vadd.s32 v1, v3  }
0xa5: {  	[hbm4b:s4+s2] =	stream.indirect_vreg.scatter [tilespmem:s24], [sflag:$0x3], $0x80, v4, vm0, $0xb8;
	[tilespmem:$0x18200] =	vst v63  }
0xa6: {  	_ = 	snop  }
0xa7: {  	[hbm4b:s5+s2] =	stream.indirect_vreg.scatter [tilespmem:s25], [sflag:$0x3], $0x80, v4, vm0, $0xb8;
	[tilespmem:$0x18200] =	vst v63  }
0xa8: {  	_ = 	snop  }
0xa9: {  	[hbm4b:s3+s2] =	stream.indirect_vreg.scatter [tilespmem:s26], [sflag:$0x3], $0x80, v3, vm0, $0xb8;
	[tilespmem:$0x18200] =	vst v63  }
0xaa: {  	_ = 	snop  }
0xab: {  	[hbm4b:s4+s2] =	stream.indirect_vreg.scatter [tilespmem:s28], [sflag:$0x3], $0x80, v3, vm0, $0xb8;
	[tilespmem:$0x18200] =	vst v63  }
0xac: {  	_ = 	snop  }
0xad: {  	[hbm4b:s5+s2] =	stream.indirect_vreg.scatter [tilespmem:s29], [sflag:$0x3], $0x80, v3, vm0, $0xb8;
	[tilespmem:$0x18200] =	vst v63  }
0xae: {  	v3 =	vld [tilespmem:$0x180B0];
	_ =	sdelay $0x4  }
0xaf: {  	v55 =	vshrl.u32 v3, $0x3  }
0xb0: {  	v4 =	vmul.u32 $0x30, v55  }
0xb1: {  	v3 =	vand.u32 $0x7, v3  }
0xb2: {  	v3 =	vor.u32 v3, v4  }
0xb3: {  	v4 =	vperm.xlane v3, v0;
	_ =	sdelay $0x1  }
0xb4: {  	v4 =	vadd.s32 v1, v4;
	_ =	sdelay $0x3  }
0xb5: {  	v3 =	vperm.xlane v3, v2  }
0xb6: {  	[hbm4b:s3+s2] =	stream.indirect_vreg.scatter [tilespmem:s30], [sflag:$0x3], $0x80, v4, vm0, $0xb8;
	[tilespmem:$0x18200] =	vst v63  }
0xb7: {  	v3 =	vadd.s32 v1, v3  }
0xb8: {  	[hbm4b:s4+s2] =	stream.indirect_vreg.scatter [tilespmem:s31], [sflag:$0x3], $0x80, v4, vm0, $0xb8;
	[tilespmem:$0x18200] =	vst v63  }
0xb9: {  	_ = 	snop  }
0xba: {  	[hbm4b:s5+s2] =	stream.indirect_vreg.scatter [tilespmem:s1], [sflag:$0x3], $0x80, v4, vm0, $0xb8;
	[tilespmem:$0x18200] =	vst v63  }
0xbb: {  	_ = 	snop  }
0xbc: {  	[hbm4b:s3+s2] =	stream.indirect_vreg.scatter [tilespmem:s0], [sflag:$0x3], $0x80, v3, vm0, $0xb8;
	[tilespmem:$0x18200] =	vst v63  }
0xbd: {  	_ = 	snop  }
0xbe: {  	[hbm4b:s4+s2] =	stream.indirect_vreg.scatter [tilespmem:s8], [sflag:$0x3], $0x80, v3, vm0, $0xb8;
	[tilespmem:$0x18200] =	vst v63  }
0xbf: {  	_ = 	snop  }
0xc0: {  	[hbm4b:s5+s2] =	stream.indirect_vreg.scatter [tilespmem:s9], [sflag:$0x3], $0x80, v3, vm0, $0xb8;
	[tilespmem:$0x18200] =	vst v63  }
0xc1: {  	_ =	swait.ge [sflag:s10], $0xC000  }
0xc2: {  	[sflag:s10] =	ssyncset.done $0x0  }
0xc3: {  	[sflag:s10] =	ssyncadd.s32 $0xFFFF4000  }
0xc4: {  	v3 =	vld [tilespmem:$0x18100];
	_ =	sdelay $0x4  }
0xc5: {  	v56 =	vshrl.u32 v3, $0x3  }
0xc6: {  	v4 =	vmul.u32 $0x30, v56  }
0xc7: {  	v3 =	vand.u32 $0x7, v3  }
0xc8: {  	v3 =	vor.u32 v3, v4  }
0xc9: {  	v4 =	vperm.xlane v3, v0;
	_ =	sdelay $0x1  }
0xca: {  	v4 =	vadd.s32 v1, v4;
	_ =	sdelay $0x3  }
0xcb: {  	s31 =	simm.s32 $0xC000;
	v3 =	vperm.xlane v3, v2  }
0xcc: {  	[hbm4b:s3+s2] =	stream.indirect_vreg.scatter [tilespmem:s31], [sflag:$0x2], $0x80, v4, vm0, $0xb8;
	[tilespmem:$0x18200] =	vst v63  }
0xcd: {  	s0 =	simm.s32 $0xC800;
	v3 =	vadd.s32 v1, v3  }
0xce: {  	[hbm4b:s4+s2] =	stream.indirect_vreg.scatter [tilespmem:s0], [sflag:$0x2], $0x80, v4, vm0, $0xb8;
	[tilespmem:$0x18200] =	vst v63  }
0xcf: {  	s1 =	simm.s32 $0xD000  }
0xd0: {  	[hbm4b:s5+s2] =	stream.indirect_vreg.scatter [tilespmem:s1], [sflag:$0x2], $0x80, v4, vm0, $0xb8;
	[tilespmem:$0x18200] =	vst v63  }
0xd1: {  	s8 =	simm.s32 $0xD800  }
0xd2: {  	[hbm4b:s3+s2] =	stream.indirect_vreg.scatter [tilespmem:s8], [sflag:$0x2], $0x80, v3, vm0, $0xb8;
	[tilespmem:$0x18200] =	vst v63  }
0xd3: {  	s9 =	simm.s32 $0xE000  }
0xd4: {  	[hbm4b:s4+s2] =	stream.indirect_vreg.scatter [tilespmem:s9], [sflag:$0x2], $0x80, v3, vm0, $0xb8;
	[tilespmem:$0x18200] =	vst v63  }
0xd5: {  	s10 =	simm.s32 $0xE800  }
0xd6: {  	[hbm4b:s5+s2] =	stream.indirect_vreg.scatter [tilespmem:s10], [sflag:$0x2], $0x80, v3, vm0, $0xb8;
	[tilespmem:$0x18200] =	vst v63  }
0xd7: {  	v3 =	vld [tilespmem:$0x18110];
	_ =	sdelay $0x4  }
0xd8: {  	v57 =	vshrl.u32 v3, $0x3  }
0xd9: {  	v4 =	vmul.u32 $0x30, v57  }
0xda: {  	v3 =	vand.u32 $0x7, v3  }
0xdb: {  	v3 =	vor.u32 v3, v4  }
0xdc: {  	v4 =	vperm.xlane v3, v0;
	_ =	sdelay $0x1  }
0xdd: {  	v4 =	vadd.s32 v1, v4;
	_ =	sdelay $0x3  }
0xde: {  	s12 =	simm.s32 $0xF000;
	v3 =	vperm.xlane v3, v2  }
0xdf: {  	[hbm4b:s3+s2] =	stream.indirect_vreg.scatter [tilespmem:s12], [sflag:$0x2], $0x80, v4, vm0, $0xb8;
	[tilespmem:$0x18200] =	vst v63  }
0xe0: {  	s13 =	simm.s32 $0xF800;
	v3 =	vadd.s32 v1, v3  }
0xe1: {  	[hbm4b:s4+s2] =	stream.indirect_vreg.scatter [tilespmem:s13], [sflag:$0x2], $0x80, v4, vm0, $0xb8;
	[tilespmem:$0x18200] =	vst v63  }
0xe2: {  	s14 =	simm.s32 $0x10000  }
0xe3: {  	[hbm4b:s5+s2] =	stream.indirect_vreg.scatter [tilespmem:s14], [sflag:$0x2], $0x80, v4, vm0, $0xb8;
	[tilespmem:$0x18200] =	vst v63  }
0xe4: {  	s15 =	simm.s32 $0x10800  }
0xe5: {  	[hbm4b:s3+s2] =	stream.indirect_vreg.scatter [tilespmem:s15], [sflag:$0x2], $0x80, v3, vm0, $0xb8;
	[tilespmem:$0x18200] =	vst v63  }
0xe6: {  	s16 =	simm.s32 $0x11000  }
0xe7: {  	[hbm4b:s4+s2] =	stream.indirect_vreg.scatter [tilespmem:s16], [sflag:$0x2], $0x80, v3, vm0, $0xb8;
	[tilespmem:$0x18200] =	vst v63  }
0xe8: {  	s17 =	simm.s32 $0x11800  }
0xe9: {  	[hbm4b:s5+s2] =	stream.indirect_vreg.scatter [tilespmem:s17], [sflag:$0x2], $0x80, v3, vm0, $0xb8;
	[tilespmem:$0x18200] =	vst v63  }
0xea: {  	v3 =	vld [tilespmem:$0x18120];
	_ =	sdelay $0x4  }
0xeb: {  	v58 =	vshrl.u32 v3, $0x3  }
0xec: {  	v4 =	vmul.u32 $0x30, v58  }
0xed: {  	v3 =	vand.u32 $0x7, v3  }
0xee: {  	v3 =	vor.u32 v3, v4  }
0xef: {  	v4 =	vperm.xlane v3, v0;
	_ =	sdelay $0x1  }
0xf0: {  	v4 =	vadd.s32 v1, v4;
	_ =	sdelay $0x3  }
0xf1: {  	s18 =	simm.s32 $0x12000;
	v3 =	vperm.xlane v3, v2  }
0xf2: {  	[hbm4b:s3+s2] =	stream.indirect_vreg.scatter [tilespmem:s18], [sflag:$0x2], $0x80, v4, vm0, $0xb8;
	[tilespmem:$0x18200] =	vst v63  }
0xf3: {  	s19 =	simm.s32 $0x12800;
	v3 =	vadd.s32 v1, v3  }
0xf4: {  	[hbm4b:s4+s2] =	stream.indirect_vreg.scatter [tilespmem:s19], [sflag:$0x2], $0x80, v4, vm0, $0xb8;
	[tilespmem:$0x18200] =	vst v63  }
0xf5: {  	s20 =	simm.s32 $0x13000  }
0xf6: {  	[hbm4b:s5+s2] =	stream.indirect_vreg.scatter [tilespmem:s20], [sflag:$0x2], $0x80, v4, vm0, $0xb8;
	[tilespmem:$0x18200] =	vst v63  }
0xf7: {  	s21 =	simm.s32 $0x13800  }
0xf8: {  	[hbm4b:s3+s2] =	stream.indirect_vreg.scatter [tilespmem:s21], [sflag:$0x2], $0x80, v3, vm0, $0xb8;
	[tilespmem:$0x18200] =	vst v63  }
0xf9: {  	s22 =	simm.s32 $0x14000  }
0xfa: {  	[hbm4b:s4+s2] =	stream.indirect_vreg.scatter [tilespmem:s22], [sflag:$0x2], $0x80, v3, vm0, $0xb8;
	[tilespmem:$0x18200] =	vst v63  }
0xfb: {  	s23 =	simm.s32 $0x14800  }
0xfc: {  	[hbm4b:s5+s2] =	stream.indirect_vreg.scatter [tilespmem:s23], [sflag:$0x2], $0x80, v3, vm0, $0xb8;
	[tilespmem:$0x18200] =	vst v63  }
0xfd: {  	v3 =	vld [tilespmem:$0x18130];
	_ =	sdelay $0x4  }
0xfe: {  	v59 =	vshrl.u32 v3, $0x3  }
0xff: {  	v4 =	vmul.u32 $0x30, v59  }
0x100: {  	v3 =	vand.u32 $0x7, v3  }
0x101: {  	v3 =	vor.u32 v3, v4  }
0x102: {  	v4 =	vperm.xlane v3, v0;
	_ =	sdelay $0x1  }
0x103: {  	v4 =	vadd.s32 v1, v4;
	_ =	sdelay $0x3  }
0x104: {  	s24 =	simm.s32 $0x15000;
	v3 =	vperm.xlane v3, v2  }
0x105: {  	[hbm4b:s3+s2] =	stream.indirect_vreg.scatter [tilespmem:s24], [sflag:$0x2], $0x80, v4, vm0, $0xb8;
	[tilespmem:$0x18200] =	vst v63  }
0x106: {  	s25 =	simm.s32 $0x15800;
	v3 =	vadd.s32 v1, v3  }
0x107: {  	[hbm4b:s4+s2] =	stream.indirect_vreg.scatter [tilespmem:s25], [sflag:$0x2], $0x80, v4, vm0, $0xb8;
	[tilespmem:$0x18200] =	vst v63  }
0x108: {  	s26 =	simm.s32 $0x16000  }
0x109: {  	[hbm4b:s5+s2] =	stream.indirect_vreg.scatter [tilespmem:s26], [sflag:$0x2], $0x80, v4, vm0, $0xb8;
	[tilespmem:$0x18200] =	vst v63  }
0x10a: {  	s28 =	simm.s32 $0x16800  }
0x10b: {  	[hbm4b:s3+s2] =	stream.indirect_vreg.scatter [tilespmem:s28], [sflag:$0x2], $0x80, v3, vm0, $0xb8;
	[tilespmem:$0x18200] =	vst v63  }
0x10c: {  	s29 =	simm.s32 $0x17000  }
0x10d: {  	[hbm4b:s4+s2] =	stream.indirect_vreg.scatter [tilespmem:s29], [sflag:$0x2], $0x80, v3, vm0, $0xb8;
	[tilespmem:$0x18200] =	vst v63  }
0x10e: {  	s30 =	simm.s32 $0x17800  }
0x10f: {  	[hbm4b:s5+s2] =	stream.indirect_vreg.scatter [tilespmem:s30], [sflag:$0x2], $0x80, v3, vm0, $0xb8;
	[tilespmem:$0x18200] =	vst v63  }
0x110: {  	v3 =	vld [tilespmem:$0x18180];
	_ =	sdelay $0x4  }
0x111: {  	v60 =	vshrl.u32 v3, $0x3  }
0x112: {  	v4 =	vmul.u32 $0x30, v60  }
0x113: {  	v3 =	vand.u32 $0x7, v3  }
0x114: {  	v3 =	vor.u32 v3, v4  }
0x115: {  	v4 =	vperm.xlane v3, v0;
	_ =	sdelay $0x1  }
0x116: {  	v4 =	vadd.s32 v1, v4;
	_ =	sdelay $0x3  }
0x117: {  	v3 =	vperm.xlane v3, v2  }
0x118: {  	[hbm4b:s3+s2] =	stream.indirect_vreg.scatter [tilespmem:s31], [sflag:$0x3], $0x80, v4, vm0, $0xb8;
	[tilespmem:$0x18200] =	vst v63  }
0x119: {  	v3 =	vadd.s32 v1, v3  }
0x11a: {  	[hbm4b:s4+s2] =	stream.indirect_vreg.scatter [tilespmem:s0], [sflag:$0x3], $0x80, v4, vm0, $0xb8;
	[tilespmem:$0x18200] =	vst v63  }
0x11b: {  	_ = 	snop  }
0x11c: {  	[hbm4b:s5+s2] =	stream.indirect_vreg.scatter [tilespmem:s1], [sflag:$0x3], $0x80, v4, vm0, $0xb8;
	[tilespmem:$0x18200] =	vst v63  }
0x11d: {  	_ = 	snop  }
0x11e: {  	[hbm4b:s3+s2] =	stream.indirect_vreg.scatter [tilespmem:s8], [sflag:$0x3], $0x80, v3, vm0, $0xb8;
	[tilespmem:$0x18200] =	vst v63  }
0x11f: {  	_ = 	snop  }
0x120: {  	[hbm4b:s4+s2] =	stream.indirect_vreg.scatter [tilespmem:s9], [sflag:$0x3], $0x80, v3, vm0, $0xb8;
	[tilespmem:$0x18200] =	vst v63  }
0x121: {  	_ = 	snop  }
0x122: {  	[hbm4b:s5+s2] =	stream.indirect_vreg.scatter [tilespmem:s10], [sflag:$0x3], $0x80, v3, vm0, $0xb8;
	[tilespmem:$0x18200] =	vst v63  }
0x123: {  	v3 =	vld [tilespmem:$0x18190];
	_ =	sdelay $0x4  }
0x124: {  	v61 =	vshrl.u32 v3, $0x3  }
0x125: {  	v4 =	vmul.u32 $0x30, v61  }
0x126: {  	v3 =	vand.u32 $0x7, v3  }
0x127: {  	v3 =	vor.u32 v3, v4  }
0x128: {  	v4 =	vperm.xlane v3, v0;
	_ =	sdelay $0x1  }
0x129: {  	v4 =	vadd.s32 v1, v4;
	_ =	sdelay $0x3  }
0x12a: {  	v3 =	vperm.xlane v3, v2  }
0x12b: {  	[hbm4b:s3+s2] =	stream.indirect_vreg.scatter [tilespmem:s12], [sflag:$0x3], $0x80, v4, vm0, $0xb8;
	[tilespmem:$0x18200] =	vst v63  }
0x12c: {  	v3 =	vadd.s32 v1, v3  }
0x12d: {  	[hbm4b:s4+s2] =	stream.indirect_vreg.scatter [tilespmem:s13], [sflag:$0x3], $0x80, v4, vm0, $0xb8;
	[tilespmem:$0x18200] =	vst v63  }
0x12e: {  	_ = 	snop  }
0x12f: {  	[hbm4b:s5+s2] =	stream.indirect_vreg.scatter [tilespmem:s14], [sflag:$0x3], $0x80, v4, vm0, $0xb8;
	[tilespmem:$0x18200] =	vst v63  }
0x130: {  	_ = 	snop  }
0x131: {  	[hbm4b:s3+s2] =	stream.indirect_vreg.scatter [tilespmem:s15], [sflag:$0x3], $0x80, v3, vm0, $0xb8;
	[tilespmem:$0x18200] =	vst v63  }
0x132: {  	_ = 	snop  }
0x133: {  	[hbm4b:s4+s2] =	stream.indirect_vreg.scatter [tilespmem:s16], [sflag:$0x3], $0x80, v3, vm0, $0xb8;
	[tilespmem:$0x18200] =	vst v63  }
0x134: {  	_ = 	snop  }
0x135: {  	[hbm4b:s5+s2] =	stream.indirect_vreg.scatter [tilespmem:s17], [sflag:$0x3], $0x80, v3, vm0, $0xb8;
	[tilespmem:$0x18200] =	vst v63  }
0x136: {  	v3 =	vld [tilespmem:$0x181A0];
	_ =	sdelay $0x4  }
0x137: {  	v62 =	vshrl.u32 v3, $0x3  }
0x138: {  	v4 =	vmul.u32 $0x30, v62  }
0x139: {  	v3 =	vand.u32 $0x7, v3  }
0x13a: {  	v3 =	vor.u32 v3, v4  }
0x13b: {  	v4 =	vperm.xlane v3, v0;
	_ =	sdelay $0x1  }
0x13c: {  	v4 =	vadd.s32 v1, v4;
	_ =	sdelay $0x3  }
0x13d: {  	v3 =	vperm.xlane v3, v2  }
0x13e: {  	[hbm4b:s3+s2] =	stream.indirect_vreg.scatter [tilespmem:s18], [sflag:$0x3], $0x80, v4, vm0, $0xb8;
	[tilespmem:$0x18200] =	vst v63  }
0x13f: {  	v3 =	vadd.s32 v1, v3  }
0x140: {  	[hbm4b:s4+s2] =	stream.indirect_vreg.scatter [tilespmem:s19], [sflag:$0x3], $0x80, v4, vm0, $0xb8;
	[tilespmem:$0x18200] =	vst v63  }
0x141: {  	_ = 	snop  }
0x142: {  	[hbm4b:s5+s2] =	stream.indirect_vreg.scatter [tilespmem:s20], [sflag:$0x3], $0x80, v4, vm0, $0xb8;
	[tilespmem:$0x18200] =	vst v63  }
0x143: {  	_ = 	snop  }
0x144: {  	[hbm4b:s3+s2] =	stream.indirect_vreg.scatter [tilespmem:s21], [sflag:$0x3], $0x80, v3, vm0, $0xb8;
	[tilespmem:$0x18200] =	vst v63  }
0x145: {  	_ = 	snop  }
0x146: {  	[hbm4b:s4+s2] =	stream.indirect_vreg.scatter [tilespmem:s22], [sflag:$0x3], $0x80, v3, vm0, $0xb8;
	[tilespmem:$0x18200] =	vst v63  }
0x147: {  	_ = 	snop  }
0x148: {  	[hbm4b:s5+s2] =	stream.indirect_vreg.scatter [tilespmem:s23], [sflag:$0x3], $0x80, v3, vm0, $0xb8;
	[tilespmem:$0x18200] =	vst v63  }
0x149: {  	v3 =	vld [tilespmem:$0x181B0];
	_ =	sdelay $0x4  }
0x14a: {  	v63 =	vshrl.u32 v3, $0x3  }
0x14b: {  	v4 =	vmul.u32 $0x30, v63  }
0x14c: {  	v3 =	vand.u32 $0x7, v3  }
0x14d: {  	v3 =	vor.u32 v3, v4  }
0x14e: {  	v4 =	vperm.xlane v3, v0;
	_ =	sdelay $0x1  }
0x14f: {  	v4 =	vadd.s32 v1, v4;
	_ =	sdelay $0x3  }
0x150: {  	v3 =	vperm.xlane v3, v2  }
0x151: {  	[hbm4b:s3+s2] =	stream.indirect_vreg.scatter [tilespmem:s24], [sflag:$0x3], $0x80, v4, vm0, $0xb8;
	[tilespmem:$0x18200] =	vst v63  }
0x152: {  	v3 =	vadd.s32 v1, v3  }
0x153: {  	[hbm4b:s4+s2] =	stream.indirect_vreg.scatter [tilespmem:s25], [sflag:$0x3], $0x80, v4, vm0, $0xb8;
	[tilespmem:$0x18200] =	vst v63  }
0x154: {  	_ = 	snop  }
0x155: {  	[hbm4b:s5+s2] =	stream.indirect_vreg.scatter [tilespmem:s26], [sflag:$0x3], $0x80, v4, vm0, $0xb8;
	[tilespmem:$0x18200] =	vst v63  }
0x156: {  	_ = 	snop  }
0x157: {  	[hbm4b:s3+s2] =	stream.indirect_vreg.scatter [tilespmem:s28], [sflag:$0x3], $0x80, v3, vm0, $0xb8;
	[tilespmem:$0x18200] =	vst v63  }
0x158: {  	_ = 	snop  }
0x159: {  	[hbm4b:s4+s2] =	stream.indirect_vreg.scatter [tilespmem:s29], [sflag:$0x3], $0x80, v3, vm0, $0xb8;
	[tilespmem:$0x18200] =	vst v63  }
0x15a: {  	s31 =	simm.s32 $0x2  }
0x15b: {  	[hbm4b:s5+s2] =	stream.indirect_vreg.scatter [tilespmem:s30], [sflag:$0x3], $0x80, v3, vm0, $0xb8;
	[tilespmem:$0x18200] =	vst v63  }
0x15c: {  	_ =	swait.ge [sflag:s31], $0xC000  }
0x15d: {  	[sflag:s31] =	ssyncset.done $0x0  }
0x15e: {  	[sflag:s31] =	ssyncadd.s32 $0xFFFF4000  }
0x15f: {  	_ =	swait.ge [sflag:s11], $0xC000  }
0x160: {  	[sflag:s11] =	ssyncset.done $0x0  }
0x161: {  	[sflag:s11] =	ssyncadd.s32 $0xFFFF4000  }
0x162: {  	p0 =	sne.s32 s6, $0x1;
	_ =	swait.ge [sflag:s31], $0xC000  }
.Ltmp0:
0x163: {  	[sflag:s31] =	ssyncset.done $0x0;
	(pc) =	sbr.rel @p0 .LBB2_1-.Ltmp0, $4  }
0x164: {  	[sflag:s31] =	ssyncadd.s32 $0xFFFF4000  }
0x165: {  	_ =	swait.ge [sflag:s11], $0xC000  }
0x166: {  	[sflag:s11] =	ssyncset.done $0x0  }
0x167: {  	s6 =	sadd.s32 $0xFFFFFFFF, s6;
	[sflag:s11] =	ssyncadd.s32 $0xFFFF4000  }
0x168: {  	_ =	sfence.sel $0x180000  }
0x169: {  	[bflag:$0x0] =	sbarrier.arrive $0xFFFF  }
0x16a: {  	_ =	strace $0x90000047  }
0x16b: {  	s0 =	stileid.u32;
	[bflag:$0x2] =	sbarrier.arrive $0xFFFF  }
0x16c: {  	p0 =	sne.s32 s0, $0x0;
	s0 =	rddreg [dreg:$0x2]  }
0x16d: {  	s0 =	sadd.s32 @!p0 $0x100000, s0  }
0x16e: {  	[sflag:s0] =	ssyncadd.tile.s32 @!p0 $0x1;
	_ =	shalt  }
.Lfunc_end2:
_tile_overlayer_lowered:
.L_overlay_start_2:
0x16f: {  	(tag) =	ssettag $0x2  }
0x170: {  	s0 =	rddreg [dreg:$0x0];
	s2 =	stileid.u32  }
0x171: {  	s1 =	rddreg [dreg:$0x1];
	p0 =	sne.s32 s2, $0x0  }
0x172: {  	s3 =	rddreg [dreg:$0x2];
	[bflag:$0x3] =	sbarrier.arrive $0xFFFF;
	s2 =	simm.s32 @!p0 $0x1C04  }
0x173: {  	[timem:s3], [sflag:s2] =	dma.local @!p0 [hbm:s0], s1  }
0x174: {  	s0 =	simm.s32 @!p0 $0x4  }
0x175: {  	_ =	swait.ge @!p0 [sflag:s0], s1  }
0x176: {  	s1 =	ssub.s32 @!p0 $0x0, s1;
	[sflag:s0] =	ssyncset.done @!p0 $0x0  }
0x177: {  	[sflag:s0] =	ssyncadd.s32 @!p0 s1  }
0x178: {  	[bflag:$0x3] =	sbarrier.arrive $0xFFFF  }
0x179: {  	_ =	shalt  }

</sc_bundles>
